<compile_context>
chip_gen: v7x
topology: tpu7x:2x2x1
jax: 0.10.2.dev20260603
libtpu: 0.0.44.dev20260713+nightly
codegen_flags: <defaults>
</compile_context>

<pallas_src>
import functools

import jax
import jax.numpy as jnp
from jax import lax
from jax.experimental import pallas as pl
from jax.experimental.pallas import tpu as pltpu
from jax.experimental.pallas import tpu_sc as plsc

_B, _S, _D = 4, 4096, 2048
_NC, _NS = 2, 16
_NW = _NC * _NS
_DCHUNKS = _NW // _B
_DW = _D // _DCHUNKS
_L = 16
_JV = _DW // _L
_R = 32
_NCHUNK = _S // _R
_NBUF = 8
_PF = 5

_mesh = plsc.VectorSubcoreMesh(core_axis_name="c", subcore_axis_name="s")


@functools.partial(
    pl.kernel,
    out_type=jax.ShapeDtypeStruct((_B, _S, _D), jnp.float32),
    mesh=_mesh,
    scratch_types=[
        *[pltpu.VMEM((_R, _DW), jnp.float32) for _ in range(_NBUF)],
        *[pltpu.SemaphoreType.DMA for _ in range(2 * _NBUF)],
    ],
)
def _sc_cumsum(x_hbm, o_hbm, *scratch):
    bufs = scratch[:_NBUF]
    isems = scratch[_NBUF : 2 * _NBUF]
    osems = scratch[2 * _NBUF :]
    wid = lax.axis_index("c") * _NS + lax.axis_index("s")
    b = wid // _DCHUNKS
    d0 = (wid % _DCHUNKS) * _DW

    def load(g, k):
        return pltpu.make_async_copy(
            x_hbm.at[b, pl.ds(g * _R, _R), pl.ds(d0, _DW)],
            bufs[k],
            isems[k],
        )

    def store(g, k):
        return pltpu.make_async_copy(
            bufs[k],
            o_hbm.at[b, pl.ds(g * _R, _R), pl.ds(d0, _DW)],
            osems[k],
        )

    for g in range(_PF):
        load(g, g % _NBUF).start()

    zero = tuple(jnp.zeros((_L,), jnp.float32) for _ in range(_JV))

    def outer(i, carry):
        for k in range(_NBUF):
            g = i * _NBUF + k
            buf = bufs[k]

            @pl.when(g >= _NBUF - _PF)
            def _():
                store(g - (_NBUF - _PF), (k + _PF) % _NBUF).wait()

            @pl.when(g + _PF < _NCHUNK)
            def _():
                load(g + _PF, (k + _PF) % _NBUF).start()

            load(g, k).wait()

            def row_body(r, c):
                new = []
                for j in range(_JV):
                    cj = c[j] + buf[r, pl.ds(j * _L, _L)]
                    buf[r, pl.ds(j * _L, _L)] = cj
                    new.append(cj)
                return tuple(new)

            carry = lax.fori_loop(0, _R, row_body, carry)
            store(g, k).start()
        return carry

    lax.fori_loop(0, _NCHUNK // _NBUF, outer, zero)

    for g in range(_NCHUNK - (_NBUF - _PF), _NCHUNK):
        store(g, g % _NBUF).wait()


def kernel(input):
    return _sc_cumsum(input)

# --- scband reference (transcript-rebuilt; emitter-appended) ---
"""Pipeline reference for scband-net-cum-sum-55542517072620 (READ-ONLY COPY).

The authoritative reference and input builder live on the scoring server;
editing this copy changes nothing except your own understanding.
"""

import jax, jax.numpy as jnp
import numpy as np

def setup_inputs(seed: int = 0) -> dict:
    key = jax.random.key(seed)
    x = jax.random.normal(key, (4, 4096, 2048), dtype=jnp.float32)
    return {"input": x}

def reference(input) -> jnp.ndarray:
    return jnp.cumsum(input, axis=1)

if __name__ == "__main__":
    import jax
    _d = setup_inputs()
    print(jax.jit(kernel)(*tuple(_d.values())))

</pallas_src>

<mosaic_0001>
#map = affine_map<(d0, d1) -> (0, 0, 0)>
module attributes {stable_mosaic.version = 14 : i64} {
  func.func @_sc_cumsum(%arg0: i32, %arg1: i32, %arg2: memref<4x4096x2048xf32, #tpu.memory_space<hbm>>, %arg3: memref<4x4096x2048xf32, #tpu.memory_space<hbm>>, %arg4: memref<32x256xf32, #tpu.memory_space<vmem>>, %arg5: memref<32x256xf32, #tpu.memory_space<vmem>>, %arg6: memref<32x256xf32, #tpu.memory_space<vmem>>, %arg7: memref<32x256xf32, #tpu.memory_space<vmem>>, %arg8: memref<32x256xf32, #tpu.memory_space<vmem>>, %arg9: memref<32x256xf32, #tpu.memory_space<vmem>>, %arg10: memref<32x256xf32, #tpu.memory_space<vmem>>, %arg11: memref<32x256xf32, #tpu.memory_space<vmem>>, %arg12: memref<!tpu.dma_semaphore, #tpu.memory_space<semaphore_mem>>, %arg13: memref<!tpu.dma_semaphore, #tpu.memory_space<semaphore_mem>>, %arg14: memref<!tpu.dma_semaphore, #tpu.memory_space<semaphore_mem>>, %arg15: memref<!tpu.dma_semaphore, #tpu.memory_space<semaphore_mem>>, %arg16: memref<!tpu.dma_semaphore, #tpu.memory_space<semaphore_mem>>, %arg17: memref<!tpu.dma_semaphore, #tpu.memory_space<semaphore_mem>>, %arg18: memref<!tpu.dma_semaphore, #tpu.memory_space<semaphore_mem>>, %arg19: memref<!tpu.dma_semaphore, #tpu.memory_space<semaphore_mem>>, %arg20: memref<!tpu.dma_semaphore, #tpu.memory_space<semaphore_mem>>, %arg21: memref<!tpu.dma_semaphore, #tpu.memory_space<semaphore_mem>>, %arg22: memref<!tpu.dma_semaphore, #tpu.memory_space<semaphore_mem>>, %arg23: memref<!tpu.dma_semaphore, #tpu.memory_space<semaphore_mem>>, %arg24: memref<!tpu.dma_semaphore, #tpu.memory_space<semaphore_mem>>, %arg25: memref<!tpu.dma_semaphore, #tpu.memory_space<semaphore_mem>>, %arg26: memref<!tpu.dma_semaphore, #tpu.memory_space<semaphore_mem>>, %arg27: memref<!tpu.dma_semaphore, #tpu.memory_space<semaphore_mem>>) attributes {dimension_semantics = [#tpu.dimension_semantics<core_parallel>, #tpu.dimension_semantics<subcore_parallel>], iteration_bounds = array<i64: 2, 16>, scalar_prefetch = 0 : i64, scratch_operands = 24 : i64, tpu.core_type = #tpu.core_type<sc_vector_subcore>, window_params = [{transform_indices = #map}, {transform_indices = #map}]} {
    %mul3A = arith.constant 16 : i32
    %mul3A_0 = arith.muli %arg0, %mul3A : i32
    %add3A = arith.addi %mul3A_0, %arg1 : i32
    %jit3A = arith.constant 8 : i32
    %div3A = arith.divsi %add3A, %jit3A : i32
    %sign3A = arith.constant 0 : i32
    %sign3A_1 = arith.cmpi sgt, %add3A, %sign3A : i32
    %sign3A_2 = arith.extui %sign3A_1 : i1 to i32
    %sign3A_3 = arith.constant 0 : i32
    %sign3A_4 = arith.cmpi slt, %add3A, %sign3A_3 : i32
    %sign3A_5 = arith.extui %sign3A_4 : i1 to i32
    %sign3A_6 = arith.subi %sign3A_2, %sign3A_5 : i32
    %sign3A_7 = arith.constant 0 : i32
    %sign3A_8 = arith.cmpi sgt, %jit3A, %sign3A_7 : i32
    %sign3A_9 = arith.extui %sign3A_8 : i1 to i32
    %sign3A_10 = arith.constant 0 : i32
    %sign3A_11 = arith.cmpi slt, %jit3A, %sign3A_10 : i32
    %sign3A_12 = arith.extui %sign3A_11 : i1 to i32
    %sign3A_13 = arith.subi %sign3A_9, %sign3A_12 : i32
    %ne3A = arith.cmpi ne, %sign3A_6, %sign3A_13 : i32
    %rem3A = arith.remsi %add3A, %jit3A : i32
    %ne3A_14 = arith.constant 0 : i32
    %ne3A_15 = arith.cmpi ne, %rem3A, %ne3A_14 : i32
    %and3A = arith.andi %ne3A, %ne3A_15 : i1
    %sub3A = arith.constant 1 : i32
    %sub3A_16 = arith.subi %div3A, %sub3A : i32
    %select_n3A = arith.select %and3A, %sub3A_16, %div3A : i32
    %jit3A_17 = arith.constant 8 : i32
    %eq3A = arith.constant 0 : i32
    %eq3A_18 = arith.cmpi eq, %jit3A_17, %eq3A : i32
    %jit3A_19 = arith.constant 1 : i32
    %select_n3A_20 = arith.select %eq3A_18, %jit3A_19, %jit3A_17 : i32
    %rem3A_21 = arith.remsi %add3A, %select_n3A_20 : i32
    %ne3A_22 = arith.constant 0 : i32
    %ne3A_23 = arith.cmpi ne, %rem3A_21, %ne3A_22 : i32
    %lt3A = arith.constant 0 : i32
    %lt3A_24 = arith.cmpi slt, %rem3A_21, %lt3A : i32
    %lt3A_25 = arith.constant 0 : i32
    %lt3A_26 = arith.cmpi slt, %select_n3A_20, %lt3A_25 : i32
    %ne3A_27 = arith.xori %lt3A_24, %lt3A_26 : i1
    %and3A_28 = arith.andi %ne3A_27, %ne3A_23 : i1
    %add3A_29 = arith.addi %rem3A_21, %select_n3A_20 : i32
    %select_n3A_30 = arith.select %and3A_28, %add3A_29, %rem3A_21 : i32
    %mul3A_31 = arith.constant 256 : i32
    %mul3A_32 = arith.muli %select_n3A_30, %mul3A_31 : i32
    %dma_start3A = arith.constant 0 : i32
    %dma_start3A_33 = tpu.memref_slice %arg2[%select_n3A, %dma_start3A, %mul3A_32] : memref<4x4096x2048xf32, #tpu.memory_space<hbm>> -> memref<1x32x256xf32, #tpu.memory_space<hbm>>
    %dma_start3A_34 = tpu.memref_squeeze %dma_start3A_33 : memref<1x32x256xf32, #tpu.memory_space<hbm>> -> memref<32x256xf32, #tpu.memory_space<hbm>>
    %dma_start3A_35 = arith.constant 0 : i32
    %dma_start3A_36 = tpu.memref_slice %arg2[%select_n3A, %dma_start3A_35, %mul3A_32] : memref<4x4096x2048xf32, #tpu.memory_space<hbm>> -> memref<1x32x256xf32, #tpu.memory_space<hbm>>
    %dma_start3A_37 = tpu.memref_squeeze %dma_start3A_36 : memref<1x32x256xf32, #tpu.memory_space<hbm>> -> memref<32x256xf32, #tpu.memory_space<hbm>>
    tpu.enqueue_dma source(%dma_start3A_37 : memref<32x256xf32, #tpu.memory_space<hbm>>) target(%arg4 : memref<32x256xf32, #tpu.memory_space<vmem>>) target_semaphore(%arg12 : memref<!tpu.dma_semaphore, #tpu.memory_space<semaphore_mem>>)
    %dma_start3A_38 = arith.constant 32 : i32
    %dma_start3A_39 = tpu.memref_slice %arg2[%select_n3A, %dma_start3A_38, %mul3A_32] : memref<4x4096x2048xf32, #tpu.memory_space<hbm>> -> memref<1x32x256xf32, #tpu.memory_space<hbm>>
    %dma_start3A_40 = tpu.memref_squeeze %dma_start3A_39 : memref<1x32x256xf32, #tpu.memory_space<hbm>> -> memref<32x256xf32, #tpu.memory_space<hbm>>
    %dma_start3A_41 = arith.constant 32 : i32
    %dma_start3A_42 = tpu.memref_slice %arg2[%select_n3A, %dma_start3A_41, %mul3A_32] : memref<4x4096x2048xf32, #tpu.memory_space<hbm>> -> memref<1x32x256xf32, #tpu.memory_space<hbm>>
    %dma_start3A_43 = tpu.memref_squeeze %dma_start3A_42 : memref<1x32x256xf32, #tpu.memory_space<hbm>> -> memref<32x256xf32, #tpu.memory_space<hbm>>
    tpu.enqueue_dma source(%dma_start3A_43 : memref<32x256xf32, #tpu.memory_space<hbm>>) target(%arg5 : memref<32x256xf32, #tpu.memory_space<vmem>>) target_semaphore(%arg13 : memref<!tpu.dma_semaphore, #tpu.memory_space<semaphore_mem>>)
    %dma_start3A_44 = arith.constant 64 : i32
    %dma_start3A_45 = tpu.memref_slice %arg2[%select_n3A, %dma_start3A_44, %mul3A_32] : memref<4x4096x2048xf32, #tpu.memory_space<hbm>> -> memref<1x32x256xf32, #tpu.memory_space<hbm>>
    %dma_start3A_46 = tpu.memref_squeeze %dma_start3A_45 : memref<1x32x256xf32, #tpu.memory_space<hbm>> -> memref<32x256xf32, #tpu.memory_space<hbm>>
    %dma_start3A_47 = arith.constant 64 : i32
    %dma_start3A_48 = tpu.memref_slice %arg2[%select_n3A, %dma_start3A_47, %mul3A_32] : memref<4x4096x2048xf32, #tpu.memory_space<hbm>> -> memref<1x32x256xf32, #tpu.memory_space<hbm>>
    %dma_start3A_49 = tpu.memref_squeeze %dma_start3A_48 : memref<1x32x256xf32, #tpu.memory_space<hbm>> -> memref<32x256xf32, #tpu.memory_space<hbm>>
    tpu.enqueue_dma source(%dma_start3A_49 : memref<32x256xf32, #tpu.memory_space<hbm>>) target(%arg6 : memref<32x256xf32, #tpu.memory_space<vmem>>) target_semaphore(%arg14 : memref<!tpu.dma_semaphore, #tpu.memory_space<semaphore_mem>>)
    %dma_start3A_50 = arith.constant 96 : i32
    %dma_start3A_51 = tpu.memref_slice %arg2[%select_n3A, %dma_start3A_50, %mul3A_32] : memref<4x4096x2048xf32, #tpu.memory_space<hbm>> -> memref<1x32x256xf32, #tpu.memory_space<hbm>>
    %dma_start3A_52 = tpu.memref_squeeze %dma_start3A_51 : memref<1x32x256xf32, #tpu.memory_space<hbm>> -> memref<32x256xf32, #tpu.memory_space<hbm>>
    %dma_start3A_53 = arith.constant 96 : i32
    %dma_start3A_54 = tpu.memref_slice %arg2[%select_n3A, %dma_start3A_53, %mul3A_32] : memref<4x4096x2048xf32, #tpu.memory_space<hbm>> -> memref<1x32x256xf32, #tpu.memory_space<hbm>>
    %dma_start3A_55 = tpu.memref_squeeze %dma_start3A_54 : memref<1x32x256xf32, #tpu.memory_space<hbm>> -> memref<32x256xf32, #tpu.memory_space<hbm>>
    tpu.enqueue_dma source(%dma_start3A_55 : memref<32x256xf32, #tpu.memory_space<hbm>>) target(%arg7 : memref<32x256xf32, #tpu.memory_space<vmem>>) target_semaphore(%arg15 : memref<!tpu.dma_semaphore, #tpu.memory_space<semaphore_mem>>)
    %dma_start3A_56 = arith.constant 128 : i32
    %dma_start3A_57 = tpu.memref_slice %arg2[%select_n3A, %dma_start3A_56, %mul3A_32] : memref<4x4096x2048xf32, #tpu.memory_space<hbm>> -> memref<1x32x256xf32, #tpu.memory_space<hbm>>
    %dma_start3A_58 = tpu.memref_squeeze %dma_start3A_57 : memref<1x32x256xf32, #tpu.memory_space<hbm>> -> memref<32x256xf32, #tpu.memory_space<hbm>>
    %dma_start3A_59 = arith.constant 128 : i32
    %dma_start3A_60 = tpu.memref_slice %arg2[%select_n3A, %dma_start3A_59, %mul3A_32] : memref<4x4096x2048xf32, #tpu.memory_space<hbm>> -> memref<1x32x256xf32, #tpu.memory_space<hbm>>
    %dma_start3A_61 = tpu.memref_squeeze %dma_start3A_60 : memref<1x32x256xf32, #tpu.memory_space<hbm>> -> memref<32x256xf32, #tpu.memory_space<hbm>>
    tpu.enqueue_dma source(%dma_start3A_61 : memref<32x256xf32, #tpu.memory_space<hbm>>) target(%arg8 : memref<32x256xf32, #tpu.memory_space<vmem>>) target_semaphore(%arg16 : memref<!tpu.dma_semaphore, #tpu.memory_space<semaphore_mem>>)
    %broadcast_in_dim3A = arith.constant 0.000000e+00 : f32
    %broadcast_in_dim3A_62 = vector.broadcast %broadcast_in_dim3A : f32 to vector<16xf32>
    %broadcast_in_dim3A_63 = arith.constant 0.000000e+00 : f32
    %broadcast_in_dim3A_64 = vector.broadcast %broadcast_in_dim3A_63 : f32 to vector<16xf32>
    %broadcast_in_dim3A_65 = arith.constant 0.000000e+00 : f32
    %broadcast_in_dim3A_66 = vector.broadcast %broadcast_in_dim3A_65 : f32 to vector<16xf32>
    %broadcast_in_dim3A_67 = arith.constant 0.000000e+00 : f32
    %broadcast_in_dim3A_68 = vector.broadcast %broadcast_in_dim3A_67 : f32 to vector<16xf32>
    %broadcast_in_dim3A_69 = arith.constant 0.000000e+00 : f32
    %broadcast_in_dim3A_70 = vector.broadcast %broadcast_in_dim3A_69 : f32 to vector<16xf32>
    %broadcast_in_dim3A_71 = arith.constant 0.000000e+00 : f32
    %broadcast_in_dim3A_72 = vector.broadcast %broadcast_in_dim3A_71 : f32 to vector<16xf32>
    %broadcast_in_dim3A_73 = arith.constant 0.000000e+00 : f32
    %broadcast_in_dim3A_74 = vector.broadcast %broadcast_in_dim3A_73 : f32 to vector<16xf32>
    %broadcast_in_dim3A_75 = arith.constant 0.000000e+00 : f32
    %broadcast_in_dim3A_76 = vector.broadcast %broadcast_in_dim3A_75 : f32 to vector<16xf32>
    %broadcast_in_dim3A_77 = arith.constant 0.000000e+00 : f32
    %broadcast_in_dim3A_78 = vector.broadcast %broadcast_in_dim3A_77 : f32 to vector<16xf32>
    %broadcast_in_dim3A_79 = arith.constant 0.000000e+00 : f32
    %broadcast_in_dim3A_80 = vector.broadcast %broadcast_in_dim3A_79 : f32 to vector<16xf32>
    %broadcast_in_dim3A_81 = arith.constant 0.000000e+00 : f32
    %broadcast_in_dim3A_82 = vector.broadcast %broadcast_in_dim3A_81 : f32 to vector<16xf32>
    %broadcast_in_dim3A_83 = arith.constant 0.000000e+00 : f32
    %broadcast_in_dim3A_84 = vector.broadcast %broadcast_in_dim3A_83 : f32 to vector<16xf32>
    %broadcast_in_dim3A_85 = arith.constant 0.000000e+00 : f32
    %broadcast_in_dim3A_86 = vector.broadcast %broadcast_in_dim3A_85 : f32 to vector<16xf32>
    %broadcast_in_dim3A_87 = arith.constant 0.000000e+00 : f32
    %broadcast_in_dim3A_88 = vector.broadcast %broadcast_in_dim3A_87 : f32 to vector<16xf32>
    %broadcast_in_dim3A_89 = arith.constant 0.000000e+00 : f32
    %broadcast_in_dim3A_90 = vector.broadcast %broadcast_in_dim3A_89 : f32 to vector<16xf32>
    %broadcast_in_dim3A_91 = arith.constant 0.000000e+00 : f32
    %broadcast_in_dim3A_92 = vector.broadcast %broadcast_in_dim3A_91 : f32 to vector<16xf32>
    %scan3A = arith.constant 0 : i32
    %scan3A_93 = arith.constant 16 : i32
    %scan3A_94 = arith.addi %scan3A, %scan3A_93 : i32
    %scan3A_95 = arith.constant 1 : i32
    %scan3A_96:16 = scf.for %scan3A_115 = %scan3A to %scan3A_94 step %scan3A_95 iter_args(%scan3A_116 = %broadcast_in_dim3A_62, %scan3A_117 = %broadcast_in_dim3A_64, %scan3A_118 = %broadcast_in_dim3A_66, %scan3A_119 = %broadcast_in_dim3A_68, %scan3A_120 = %broadcast_in_dim3A_70, %scan3A_121 = %broadcast_in_dim3A_72, %scan3A_122 = %broadcast_in_dim3A_74, %scan3A_123 = %broadcast_in_dim3A_76, %scan3A_124 = %broadcast_in_dim3A_78, %scan3A_125 = %broadcast_in_dim3A_80, %scan3A_126 = %broadcast_in_dim3A_82, %scan3A_127 = %broadcast_in_dim3A_84, %scan3A_128 = %broadcast_in_dim3A_86, %scan3A_129 = %broadcast_in_dim3A_88, %scan3A_130 = %broadcast_in_dim3A_90, %scan3A_131 = %broadcast_in_dim3A_92) -> (vector<16xf32>, vector<16xf32>, vector<16xf32>, vector<16xf32>, vector<16xf32>, vector<16xf32>, vector<16xf32>, vector<16xf32>, vector<16xf32>, vector<16xf32>, vector<16xf32>, vector<16xf32>, vector<16xf32>, vector<16xf32>, vector<16xf32>, vector<16xf32>)  : i32 {
      %mul3A_132 = arith.constant 8 : i32
      %mul3A_133 = arith.muli %scan3A_115, %mul3A_132 : i32
      %add3A_134 = arith.constant 0 : i32
      %add3A_135 = arith.addi %mul3A_133, %add3A_134 : i32
      %ge3A = arith.constant 3 : i32
      %ge3A_136 = arith.cmpi sge, %add3A_135, %ge3A : i32
      %convert_element_type3A = arith.extui %ge3A_136 : i1 to i32
      %cond3A = arith.constant 0 : i32
      %cond3A_137 = arith.cmpi ne, %convert_element_type3A, %cond3A : i32
      scf.if %cond3A_137 {
        %sub3A_401 = arith.constant 3 : i32
        %sub3A_402 = arith.subi %add3A_135, %sub3A_401 : i32
        %mul3A_403 = arith.constant 32 : i32
        %mul3A_404 = arith.muli %sub3A_402, %mul3A_403 : i32
        %dma_wait3A_405 = tpu.memref_slice %arg3[%select_n3A, %mul3A_404, %mul3A_32] : memref<4x4096x2048xf32, #tpu.memory_space<hbm>> -> memref<1x32x256xf32, #tpu.memory_space<hbm>>
        %dma_wait3A_406 = tpu.memref_squeeze %dma_wait3A_405 : memref<1x32x256xf32, #tpu.memory_space<hbm>> -> memref<32x256xf32, #tpu.memory_space<hbm>>
        %dma_wait3A_407 = tpu.memref_slice %arg3[%select_n3A, %mul3A_404, %mul3A_32] : memref<4x4096x2048xf32, #tpu.memory_space<hbm>> -> memref<1x32x256xf32, #tpu.memory_space<hbm>>
        %dma_wait3A_408 = tpu.memref_squeeze %dma_wait3A_407 : memref<1x32x256xf32, #tpu.memory_space<hbm>> -> memref<32x256xf32, #tpu.memory_space<hbm>>
        tpu.wait_dma2 semaphore(%arg25 : memref<!tpu.dma_semaphore, #tpu.memory_space<semaphore_mem>>) src(%arg9 : memref<32x256xf32, #tpu.memory_space<vmem>>) dst(%dma_wait3A_408 : memref<32x256xf32, #tpu.memory_space<hbm>>)
      } else {
      }
      %add3A_138 = arith.constant 5 : i32
      %add3A_139 = arith.addi %add3A_135, %add3A_138 : i32
      %lt3A_140 = arith.constant 128 : i32
      %lt3A_141 = arith.cmpi slt, %add3A_139, %lt3A_140 : i32
      %convert_element_type3A_142 = arith.extui %lt3A_141 : i1 to i32
      %cond3A_143 = arith.constant 0 : i32
      %cond3A_144 = arith.cmpi ne, %convert_element_type3A_142, %cond3A_143 : i32
      scf.if %cond3A_144 {
        %add3A_401 = arith.constant 5 : i32
        %add3A_402 = arith.addi %add3A_135, %add3A_401 : i32
        %mul3A_403 = arith.constant 32 : i32
        %mul3A_404 = arith.muli %add3A_402, %mul3A_403 : i32
        %dma_start3A_405 = tpu.memref_slice %arg2[%select_n3A, %mul3A_404, %mul3A_32] : memref<4x4096x2048xf32, #tpu.memory_space<hbm>> -> memref<1x32x256xf32, #tpu.memory_space<hbm>>
        %dma_start3A_406 = tpu.memref_squeeze %dma_start3A_405 : memref<1x32x256xf32, #tpu.memory_space<hbm>> -> memref<32x256xf32, #tpu.memory_space<hbm>>
        %dma_start3A_407 = tpu.memref_slice %arg2[%select_n3A, %mul3A_404, %mul3A_32] : memref<4x4096x2048xf32, #tpu.memory_space<hbm>> -> memref<1x32x256xf32, #tpu.memory_space<hbm>>
        %dma_start3A_408 = tpu.memref_squeeze %dma_start3A_407 : memref<1x32x256xf32, #tpu.memory_space<hbm>> -> memref<32x256xf32, #tpu.memory_space<hbm>>
        tpu.enqueue_dma source(%dma_start3A_408 : memref<32x256xf32, #tpu.memory_space<hbm>>) target(%arg9 : memref<32x256xf32, #tpu.memory_space<vmem>>) target_semaphore(%arg17 : memref<!tpu.dma_semaphore, #tpu.memory_space<semaphore_mem>>)
      } else {
      }
      %mul3A_145 = arith.constant 32 : i32
      %mul3A_146 = arith.muli %add3A_135, %mul3A_145 : i32
      %dma_wait3A_147 = tpu.memref_slice %arg2[%select_n3A, %mul3A_146, %mul3A_32] : memref<4x4096x2048xf32, #tpu.memory_space<hbm>> -> memref<1x32x256xf32, #tpu.memory_space<hbm>>
      %dma_wait3A_148 = tpu.memref_squeeze %dma_wait3A_147 : memref<1x32x256xf32, #tpu.memory_space<hbm>> -> memref<32x256xf32, #tpu.memory_space<hbm>>
      %dma_wait3A_149 = tpu.memref_slice %arg2[%select_n3A, %mul3A_146, %mul3A_32] : memref<4x4096x2048xf32, #tpu.memory_space<hbm>> -> memref<1x32x256xf32, #tpu.memory_space<hbm>>
      %dma_wait3A_150 = tpu.memref_squeeze %dma_wait3A_149 : memref<1x32x256xf32, #tpu.memory_space<hbm>> -> memref<32x256xf32, #tpu.memory_space<hbm>>
      tpu.wait_dma2 semaphore(%arg12 : memref<!tpu.dma_semaphore, #tpu.memory_space<semaphore_mem>>) src(%dma_wait3A_150 : memref<32x256xf32, #tpu.memory_space<hbm>>) dst(%arg4 : memref<32x256xf32, #tpu.memory_space<vmem>>)
      %scan3A_151 = arith.constant 0 : i32
      %scan3A_152 = arith.constant 32 : i32
      %scan3A_153 = arith.addi %scan3A_151, %scan3A_152 : i32
      %scan3A_154 = arith.constant 1 : i32
      %scan3A_155:16 = scf.for %scan3A_401 = %scan3A_151 to %scan3A_153 step %scan3A_154 iter_args(%scan3A_402 = %scan3A_116, %scan3A_403 = %scan3A_117, %scan3A_404 = %scan3A_118, %scan3A_405 = %scan3A_119, %scan3A_406 = %scan3A_120, %scan3A_407 = %scan3A_121, %scan3A_408 = %scan3A_122, %scan3A_409 = %scan3A_123, %scan3A_410 = %scan3A_124, %scan3A_411 = %scan3A_125, %scan3A_412 = %scan3A_126, %scan3A_413 = %scan3A_127, %scan3A_414 = %scan3A_128, %scan3A_415 = %scan3A_129, %scan3A_416 = %scan3A_130, %scan3A_417 = %scan3A_131) -> (vector<16xf32>, vector<16xf32>, vector<16xf32>, vector<16xf32>, vector<16xf32>, vector<16xf32>, vector<16xf32>, vector<16xf32>, vector<16xf32>, vector<16xf32>, vector<16xf32>, vector<16xf32>, vector<16xf32>, vector<16xf32>, vector<16xf32>, vector<16xf32>)  : i32 {
        %get3A = arith.index_cast %scan3A_401 : i32 to index
        %get3A_418 = arith.constant 0 : index
        %get3A_419 = tpu.vector_load %arg4[%get3A, %get3A_418] {strides = array<i32>} : memref<32x256xf32, #tpu.memory_space<vmem>>, vector<1x16xf32>,
        %get3A_420 = vector.shape_cast %get3A_419 : vector<1x16xf32> to vector<16xf32>
        %add3A_421 = arith.addf %scan3A_402, %get3A_420 : vector<16xf32>
        %swap3A = arith.index_cast %scan3A_401 : i32 to index
        %swap3A_422 = arith.constant 0 : index
        %swap3A_423 = tpu.vector_load %arg4[%swap3A, %swap3A_422] {strides = array<i32>} : memref<32x256xf32, #tpu.memory_space<vmem>>, vector<1x16xf32>,
        %swap3A_424 = vector.shape_cast %swap3A_423 : vector<1x16xf32> to vector<16xf32>
        %swap3A_425 = vector.shape_cast %add3A_421 : vector<16xf32> to vector<1x16xf32>
        tpu.vector_store %arg4[%swap3A, %swap3A_422], %swap3A_425 {strides = array<i32>} : memref<32x256xf32, #tpu.memory_space<vmem>>, vector<1x16xf32>,
        %get3A_426 = arith.index_cast %scan3A_401 : i32 to index
        %get3A_427 = arith.constant 16 : index
        %get3A_428 = tpu.vector_load %arg4[%get3A_426, %get3A_427] {strides = array<i32>} : memref<32x256xf32, #tpu.memory_space<vmem>>, vector<1x16xf32>,
        %get3A_429 = vector.shape_cast %get3A_428 : vector<1x16xf32> to vector<16xf32>
        %add3A_430 = arith.addf %scan3A_403, %get3A_429 : vector<16xf32>
        %swap3A_431 = arith.index_cast %scan3A_401 : i32 to index
        %swap3A_432 = arith.constant 16 : index
        %swap3A_433 = tpu.vector_load %arg4[%swap3A_431, %swap3A_432] {strides = array<i32>} : memref<32x256xf32, #tpu.memory_space<vmem>>, vector<1x16xf32>,
        %swap3A_434 = vector.shape_cast %swap3A_433 : vector<1x16xf32> to vector<16xf32>
        %swap3A_435 = vector.shape_cast %add3A_430 : vector<16xf32> to vector<1x16xf32>
        tpu.vector_store %arg4[%swap3A_431, %swap3A_432], %swap3A_435 {strides = array<i32>} : memref<32x256xf32, #tpu.memory_space<vmem>>, vector<1x16xf32>,
        %get3A_436 = arith.index_cast %scan3A_401 : i32 to index
        %get3A_437 = arith.constant 32 : index
        %get3A_438 = tpu.vector_load %arg4[%get3A_436, %get3A_437] {strides = array<i32>} : memref<32x256xf32, #tpu.memory_space<vmem>>, vector<1x16xf32>,
        %get3A_439 = vector.shape_cast %get3A_438 : vector<1x16xf32> to vector<16xf32>
        %add3A_440 = arith.addf %scan3A_404, %get3A_439 : vector<16xf32>
        %swap3A_441 = arith.index_cast %scan3A_401 : i32 to index
        %swap3A_442 = arith.constant 32 : index
        %swap3A_443 = tpu.vector_load %arg4[%swap3A_441, %swap3A_442] {strides = array<i32>} : memref<32x256xf32, #tpu.memory_space<vmem>>, vector<1x16xf32>,
        %swap3A_444 = vector.shape_cast %swap3A_443 : vector<1x16xf32> to vector<16xf32>
        %swap3A_445 = vector.shape_cast %add3A_440 : vector<16xf32> to vector<1x16xf32>
        tpu.vector_store %arg4[%swap3A_441, %swap3A_442], %swap3A_445 {strides = array<i32>} : memref<32x256xf32, #tpu.memory_space<vmem>>, vector<1x16xf32>,
        %get3A_446 = arith.index_cast %scan3A_401 : i32 to index
        %get3A_447 = arith.constant 48 : index
        %get3A_448 = tpu.vector_load %arg4[%get3A_446, %get3A_447] {strides = array<i32>} : memref<32x256xf32, #tpu.memory_space<vmem>>, vector<1x16xf32>,
        %get3A_449 = vector.shape_cast %get3A_448 : vector<1x16xf32> to vector<16xf32>
        %add3A_450 = arith.addf %scan3A_405, %get3A_449 : vector<16xf32>
        %swap3A_451 = arith.index_cast %scan3A_401 : i32 to index
        %swap3A_452 = arith.constant 48 : index
        %swap3A_453 = tpu.vector_load %arg4[%swap3A_451, %swap3A_452] {strides = array<i32>} : memref<32x256xf32, #tpu.memory_space<vmem>>, vector<1x16xf32>,
        %swap3A_454 = vector.shape_cast %swap3A_453 : vector<1x16xf32> to vector<16xf32>
        %swap3A_455 = vector.shape_cast %add3A_450 : vector<16xf32> to vector<1x16xf32>
        tpu.vector_store %arg4[%swap3A_451, %swap3A_452], %swap3A_455 {strides = array<i32>} : memref<32x256xf32, #tpu.memory_space<vmem>>, vector<1x16xf32>,
        %get3A_456 = arith.index_cast %scan3A_401 : i32 to index
        %get3A_457 = arith.constant 64 : index
        %get3A_458 = tpu.vector_load %arg4[%get3A_456, %get3A_457] {strides = array<i32>} : memref<32x256xf32, #tpu.memory_space<vmem>>, vector<1x16xf32>,
        %get3A_459 = vector.shape_cast %get3A_458 : vector<1x16xf32> to vector<16xf32>
        %add3A_460 = arith.addf %scan3A_406, %get3A_459 : vector<16xf32>
        %swap3A_461 = arith.index_cast %scan3A_401 : i32 to index
        %swap3A_462 = arith.constant 64 : index
        %swap3A_463 = tpu.vector_load %arg4[%swap3A_461, %swap3A_462] {strides = array<i32>} : memref<32x256xf32, #tpu.memory_space<vmem>>, vector<1x16xf32>,
        %swap3A_464 = vector.shape_cast %swap3A_463 : vector<1x16xf32> to vector<16xf32>
        %swap3A_465 = vector.shape_cast %add3A_460 : vector<16xf32> to vector<1x16xf32>
        tpu.vector_store %arg4[%swap3A_461, %swap3A_462], %swap3A_465 {strides = array<i32>} : memref<32x256xf32, #tpu.memory_space<vmem>>, vector<1x16xf32>,
        %get3A_466 = arith.index_cast %scan3A_401 : i32 to index
        %get3A_467 = arith.constant 80 : index
        %get3A_468 = tpu.vector_load %arg4[%get3A_466, %get3A_467] {strides = array<i32>} : memref<32x256xf32, #tpu.memory_space<vmem>>, vector<1x16xf32>,
        %get3A_469 = vector.shape_cast %get3A_468 : vector<1x16xf32> to vector<16xf32>
        %add3A_470 = arith.addf %scan3A_407, %get3A_469 : vector<16xf32>
        %swap3A_471 = arith.index_cast %scan3A_401 : i32 to index
        %swap3A_472 = arith.constant 80 : index
        %swap3A_473 = tpu.vector_load %arg4[%swap3A_471, %swap3A_472] {strides = array<i32>} : memref<32x256xf32, #tpu.memory_space<vmem>>, vector<1x16xf32>,
        %swap3A_474 = vector.shape_cast %swap3A_473 : vector<1x16xf32> to vector<16xf32>
        %swap3A_475 = vector.shape_cast %add3A_470 : vector<16xf32> to vector<1x16xf32>
        tpu.vector_store %arg4[%swap3A_471, %swap3A_472], %swap3A_475 {strides = array<i32>} : memref<32x256xf32, #tpu.memory_space<vmem>>, vector<1x16xf32>,
        %get3A_476 = arith.index_cast %scan3A_401 : i32 to index
        %get3A_477 = arith.constant 96 : index
        %get3A_478 = tpu.vector_load %arg4[%get3A_476, %get3A_477] {strides = array<i32>} : memref<32x256xf32, #tpu.memory_space<vmem>>, vector<1x16xf32>,
        %get3A_479 = vector.shape_cast %get3A_478 : vector<1x16xf32> to vector<16xf32>
        %add3A_480 = arith.addf %scan3A_408, %get3A_479 : vector<16xf32>
        %swap3A_481 = arith.index_cast %scan3A_401 : i32 to index
        %swap3A_482 = arith.constant 96 : index
        %swap3A_483 = tpu.vector_load %arg4[%swap3A_481, %swap3A_482] {strides = array<i32>} : memref<32x256xf32, #tpu.memory_space<vmem>>, vector<1x16xf32>,
        %swap3A_484 = vector.shape_cast %swap3A_483 : vector<1x16xf32> to vector<16xf32>
        %swap3A_485 = vector.shape_cast %add3A_480 : vector<16xf32> to vector<1x16xf32>
        tpu.vector_store %arg4[%swap3A_481, %swap3A_482], %swap3A_485 {strides = array<i32>} : memref<32x256xf32, #tpu.memory_space<vmem>>, vector<1x16xf32>,
        %get3A_486 = arith.index_cast %scan3A_401 : i32 to index
        %get3A_487 = arith.constant 112 : index
        %get3A_488 = tpu.vector_load %arg4[%get3A_486, %get3A_487] {strides = array<i32>} : memref<32x256xf32, #tpu.memory_space<vmem>>, vector<1x16xf32>,
        %get3A_489 = vector.shape_cast %get3A_488 : vector<1x16xf32> to vector<16xf32>
        %add3A_490 = arith.addf %scan3A_409, %get3A_489 : vector<16xf32>
        %swap3A_491 = arith.index_cast %scan3A_401 : i32 to index
        %swap3A_492 = arith.constant 112 : index
        %swap3A_493 = tpu.vector_load %arg4[%swap3A_491, %swap3A_492] {strides = array<i32>} : memref<32x256xf32, #tpu.memory_space<vmem>>, vector<1x16xf32>,
        %swap3A_494 = vector.shape_cast %swap3A_493 : vector<1x16xf32> to vector<16xf32>
        %swap3A_495 = vector.shape_cast %add3A_490 : vector<16xf32> to vector<1x16xf32>
        tpu.vector_store %arg4[%swap3A_491, %swap3A_492], %swap3A_495 {strides = array<i32>} : memref<32x256xf32, #tpu.memory_space<vmem>>, vector<1x16xf32>,
        %get3A_496 = arith.index_cast %scan3A_401 : i32 to index
        %get3A_497 = arith.constant 128 : index
        %get3A_498 = tpu.vector_load %arg4[%get3A_496, %get3A_497] {strides = array<i32>} : memref<32x256xf32, #tpu.memory_space<vmem>>, vector<1x16xf32>,
        %get3A_499 = vector.shape_cast %get3A_498 : vector<1x16xf32> to vector<16xf32>
        %add3A_500 = arith.addf %scan3A_410, %get3A_499 : vector<16xf32>
        %swap3A_501 = arith.index_cast %scan3A_401 : i32 to index
        %swap3A_502 = arith.constant 128 : index
        %swap3A_503 = tpu.vector_load %arg4[%swap3A_501, %swap3A_502] {strides = array<i32>} : memref<32x256xf32, #tpu.memory_space<vmem>>, vector<1x16xf32>,
        %swap3A_504 = vector.shape_cast %swap3A_503 : vector<1x16xf32> to vector<16xf32>
        %swap3A_505 = vector.shape_cast %add3A_500 : vector<16xf32> to vector<1x16xf32>
        tpu.vector_store %arg4[%swap3A_501, %swap3A_502], %swap3A_505 {strides = array<i32>} : memref<32x256xf32, #tpu.memory_space<vmem>>, vector<1x16xf32>,
        %get3A_506 = arith.index_cast %scan3A_401 : i32 to index
        %get3A_507 = arith.constant 144 : index
        %get3A_508 = tpu.vector_load %arg4[%get3A_506, %get3A_507] {strides = array<i32>} : memref<32x256xf32, #tpu.memory_space<vmem>>, vector<1x16xf32>,
        %get3A_509 = vector.shape_cast %get3A_508 : vector<1x16xf32> to vector<16xf32>
        %add3A_510 = arith.addf %scan3A_411, %get3A_509 : vector<16xf32>
        %swap3A_511 = arith.index_cast %scan3A_401 : i32 to index
        %swap3A_512 = arith.constant 144 : index
        %swap3A_513 = tpu.vector_load %arg4[%swap3A_511, %swap3A_512] {strides = array<i32>} : memref<32x256xf32, #tpu.memory_space<vmem>>, vector<1x16xf32>,
        %swap3A_514 = vector.shape_cast %swap3A_513 : vector<1x16xf32> to vector<16xf32>
        %swap3A_515 = vector.shape_cast %add3A_510 : vector<16xf32> to vector<1x16xf32>
        tpu.vector_store %arg4[%swap3A_511, %swap3A_512], %swap3A_515 {strides = array<i32>} : memref<32x256xf32, #tpu.memory_space<vmem>>, vector<1x16xf32>,
        %get3A_516 = arith.index_cast %scan3A_401 : i32 to index
        %get3A_517 = arith.constant 160 : index
        %get3A_518 = tpu.vector_load %arg4[%get3A_516, %get3A_517] {strides = array<i32>} : memref<32x256xf32, #tpu.memory_space<vmem>>, vector<1x16xf32>,
        %get3A_519 = vector.shape_cast %get3A_518 : vector<1x16xf32> to vector<16xf32>
        %add3A_520 = arith.addf %scan3A_412, %get3A_519 : vector<16xf32>
        %swap3A_521 = arith.index_cast %scan3A_401 : i32 to index
        %swap3A_522 = arith.constant 160 : index
        %swap3A_523 = tpu.vector_load %arg4[%swap3A_521, %swap3A_522] {strides = array<i32>} : memref<32x256xf32, #tpu.memory_space<vmem>>, vector<1x16xf32>,
        %swap3A_524 = vector.shape_cast %swap3A_523 : vector<1x16xf32> to vector<16xf32>
        %swap3A_525 = vector.shape_cast %add3A_520 : vector<16xf32> to vector<1x16xf32>
        tpu.vector_store %arg4[%swap3A_521, %swap3A_522], %swap3A_525 {strides = array<i32>} : memref<32x256xf32, #tpu.memory_space<vmem>>, vector<1x16xf32>,
        %get3A_526 = arith.index_cast %scan3A_401 : i32 to index
        %get3A_527 = arith.constant 176 : index
        %get3A_528 = tpu.vector_load %arg4[%get3A_526, %get3A_527] {strides = array<i32>} : memref<32x256xf32, #tpu.memory_space<vmem>>, vector<1x16xf32>,
        %get3A_529 = vector.shape_cast %get3A_528 : vector<1x16xf32> to vector<16xf32>
        %add3A_530 = arith.addf %scan3A_413, %get3A_529 : vector<16xf32>
        %swap3A_531 = arith.index_cast %scan3A_401 : i32 to index
        %swap3A_532 = arith.constant 176 : index
        %swap3A_533 = tpu.vector_load %arg4[%swap3A_531, %swap3A_532] {strides = array<i32>} : memref<32x256xf32, #tpu.memory_space<vmem>>, vector<1x16xf32>,
        %swap3A_534 = vector.shape_cast %swap3A_533 : vector<1x16xf32> to vector<16xf32>
        %swap3A_535 = vector.shape_cast %add3A_530 : vector<16xf32> to vector<1x16xf32>
        tpu.vector_store %arg4[%swap3A_531, %swap3A_532], %swap3A_535 {strides = array<i32>} : memref<32x256xf32, #tpu.memory_space<vmem>>, vector<1x16xf32>,
        %get3A_536 = arith.index_cast %scan3A_401 : i32 to index
        %get3A_537 = arith.constant 192 : index
        %get3A_538 = tpu.vector_load %arg4[%get3A_536, %get3A_537] {strides = array<i32>} : memref<32x256xf32, #tpu.memory_space<vmem>>, vector<1x16xf32>,
        %get3A_539 = vector.shape_cast %get3A_538 : vector<1x16xf32> to vector<16xf32>
        %add3A_540 = arith.addf %scan3A_414, %get3A_539 : vector<16xf32>
        %swap3A_541 = arith.index_cast %scan3A_401 : i32 to index
        %swap3A_542 = arith.constant 192 : index
        %swap3A_543 = tpu.vector_load %arg4[%swap3A_541, %swap3A_542] {strides = array<i32>} : memref<32x256xf32, #tpu.memory_space<vmem>>, vector<1x16xf32>,
        %swap3A_544 = vector.shape_cast %swap3A_543 : vector<1x16xf32> to vector<16xf32>
        %swap3A_545 = vector.shape_cast %add3A_540 : vector<16xf32> to vector<1x16xf32>
        tpu.vector_store %arg4[%swap3A_541, %swap3A_542], %swap3A_545 {strides = array<i32>} : memref<32x256xf32, #tpu.memory_space<vmem>>, vector<1x16xf32>,
        %get3A_546 = arith.index_cast %scan3A_401 : i32 to index
        %get3A_547 = arith.constant 208 : index
        %get3A_548 = tpu.vector_load %arg4[%get3A_546, %get3A_547] {strides = array<i32>} : memref<32x256xf32, #tpu.memory_space<vmem>>, vector<1x16xf32>,
        %get3A_549 = vector.shape_cast %get3A_548 : vector<1x16xf32> to vector<16xf32>
        %add3A_550 = arith.addf %scan3A_415, %get3A_549 : vector<16xf32>
        %swap3A_551 = arith.index_cast %scan3A_401 : i32 to index
        %swap3A_552 = arith.constant 208 : index
        %swap3A_553 = tpu.vector_load %arg4[%swap3A_551, %swap3A_552] {strides = array<i32>} : memref<32x256xf32, #tpu.memory_space<vmem>>, vector<1x16xf32>,
        %swap3A_554 = vector.shape_cast %swap3A_553 : vector<1x16xf32> to vector<16xf32>
        %swap3A_555 = vector.shape_cast %add3A_550 : vector<16xf32> to vector<1x16xf32>
        tpu.vector_store %arg4[%swap3A_551, %swap3A_552], %swap3A_555 {strides = array<i32>} : memref<32x256xf32, #tpu.memory_space<vmem>>, vector<1x16xf32>,
        %get3A_556 = arith.index_cast %scan3A_401 : i32 to index
        %get3A_557 = arith.constant 224 : index
        %get3A_558 = tpu.vector_load %arg4[%get3A_556, %get3A_557] {strides = array<i32>} : memref<32x256xf32, #tpu.memory_space<vmem>>, vector<1x16xf32>,
        %get3A_559 = vector.shape_cast %get3A_558 : vector<1x16xf32> to vector<16xf32>
        %add3A_560 = arith.addf %scan3A_416, %get3A_559 : vector<16xf32>
        %swap3A_561 = arith.index_cast %scan3A_401 : i32 to index
        %swap3A_562 = arith.constant 224 : index
        %swap3A_563 = tpu.vector_load %arg4[%swap3A_561, %swap3A_562] {strides = array<i32>} : memref<32x256xf32, #tpu.memory_space<vmem>>, vector<1x16xf32>,
        %swap3A_564 = vector.shape_cast %swap3A_563 : vector<1x16xf32> to vector<16xf32>
        %swap3A_565 = vector.shape_cast %add3A_560 : vector<16xf32> to vector<1x16xf32>
        tpu.vector_store %arg4[%swap3A_561, %swap3A_562], %swap3A_565 {strides = array<i32>} : memref<32x256xf32, #tpu.memory_space<vmem>>, vector<1x16xf32>,
        %get3A_566 = arith.index_cast %scan3A_401 : i32 to index
        %get3A_567 = arith.constant 240 : index
        %get3A_568 = tpu.vector_load %arg4[%get3A_566, %get3A_567] {strides = array<i32>} : memref<32x256xf32, #tpu.memory_space<vmem>>, vector<1x16xf32>,
        %get3A_569 = vector.shape_cast %get3A_568 : vector<1x16xf32> to vector<16xf32>
        %add3A_570 = arith.addf %scan3A_417, %get3A_569 : vector<16xf32>
        %swap3A_571 = arith.index_cast %scan3A_401 : i32 to index
        %swap3A_572 = arith.constant 240 : index
        %swap3A_573 = tpu.vector_load %arg4[%swap3A_571, %swap3A_572] {strides = array<i32>} : memref<32x256xf32, #tpu.memory_space<vmem>>, vector<1x16xf32>,
        %swap3A_574 = vector.shape_cast %swap3A_573 : vector<1x16xf32> to vector<16xf32>
        %swap3A_575 = vector.shape_cast %add3A_570 : vector<16xf32> to vector<1x16xf32>
        tpu.vector_store %arg4[%swap3A_571, %swap3A_572], %swap3A_575 {strides = array<i32>} : memref<32x256xf32, #tpu.memory_space<vmem>>, vector<1x16xf32>,
        scf.yield %add3A_421, %add3A_430, %add3A_440, %add3A_450, %add3A_460, %add3A_470, %add3A_480, %add3A_490, %add3A_500, %add3A_510, %add3A_520, %add3A_530, %add3A_540, %add3A_550, %add3A_560, %add3A_570 : vector<16xf32>, vector<16xf32>, vector<16xf32>, vector<16xf32>, vector<16xf32>, vector<16xf32>, vector<16xf32>, vector<16xf32>, vector<16xf32>, vector<16xf32>, vector<16xf32>, vector<16xf32>, vector<16xf32>, vector<16xf32>, vector<16xf32>, vector<16xf32>
      }
      %scan3A_156 = arith.constant 32 : i32
      %mul3A_157 = arith.constant 32 : i32
      %mul3A_158 = arith.muli %add3A_135, %mul3A_157 : i32
      %dma_start3A_159 = tpu.memref_slice %arg3[%select_n3A, %mul3A_158, %mul3A_32] : memref<4x4096x2048xf32, #tpu.memory_space<hbm>> -> memref<1x32x256xf32, #tpu.memory_space<hbm>>
      %dma_start3A_160 = tpu.memref_squeeze %dma_start3A_159 : memref<1x32x256xf32, #tpu.memory_space<hbm>> -> memref<32x256xf32, #tpu.memory_space<hbm>>
      %dma_start3A_161 = tpu.memref_slice %arg3[%select_n3A, %mul3A_158, %mul3A_32] : memref<4x4096x2048xf32, #tpu.memory_space<hbm>> -> memref<1x32x256xf32, #tpu.memory_space<hbm>>
      %dma_start3A_162 = tpu.memref_squeeze %dma_start3A_161 : memref<1x32x256xf32, #tpu.memory_space<hbm>> -> memref<32x256xf32, #tpu.memory_space<hbm>>
      tpu.enqueue_dma source(%arg4 : memref<32x256xf32, #tpu.memory_space<vmem>>) target(%dma_start3A_162 : memref<32x256xf32, #tpu.memory_space<hbm>>) target_semaphore(%arg20 : memref<!tpu.dma_semaphore, #tpu.memory_space<semaphore_mem>>)
      %mul3A_163 = arith.constant 8 : i32
      %mul3A_164 = arith.muli %scan3A_115, %mul3A_163 : i32
      %add3A_165 = arith.constant 1 : i32
      %add3A_166 = arith.addi %mul3A_164, %add3A_165 : i32
      %ge3A_167 = arith.constant 3 : i32
      %ge3A_168 = arith.cmpi sge, %add3A_166, %ge3A_167 : i32
      %convert_element_type3A_169 = arith.extui %ge3A_168 : i1 to i32
      %cond3A_170 = arith.constant 0 : i32
      %cond3A_171 = arith.cmpi ne, %convert_element_type3A_169, %cond3A_170 : i32
      scf.if %cond3A_171 {
        %sub3A_401 = arith.constant 3 : i32
        %sub3A_402 = arith.subi %add3A_166, %sub3A_401 : i32
        %mul3A_403 = arith.constant 32 : i32
        %mul3A_404 = arith.muli %sub3A_402, %mul3A_403 : i32
        %dma_wait3A_405 = tpu.memref_slice %arg3[%select_n3A, %mul3A_404, %mul3A_32] : memref<4x4096x2048xf32, #tpu.memory_space<hbm>> -> memref<1x32x256xf32, #tpu.memory_space<hbm>>
        %dma_wait3A_406 = tpu.memref_squeeze %dma_wait3A_405 : memref<1x32x256xf32, #tpu.memory_space<hbm>> -> memref<32x256xf32, #tpu.memory_space<hbm>>
        %dma_wait3A_407 = tpu.memref_slice %arg3[%select_n3A, %mul3A_404, %mul3A_32] : memref<4x4096x2048xf32, #tpu.memory_space<hbm>> -> memref<1x32x256xf32, #tpu.memory_space<hbm>>
        %dma_wait3A_408 = tpu.memref_squeeze %dma_wait3A_407 : memref<1x32x256xf32, #tpu.memory_space<hbm>> -> memref<32x256xf32, #tpu.memory_space<hbm>>
        tpu.wait_dma2 semaphore(%arg26 : memref<!tpu.dma_semaphore, #tpu.memory_space<semaphore_mem>>) src(%arg10 : memref<32x256xf32, #tpu.memory_space<vmem>>) dst(%dma_wait3A_408 : memref<32x256xf32, #tpu.memory_space<hbm>>)
      } else {
      }
      %add3A_172 = arith.constant 5 : i32
      %add3A_173 = arith.addi %add3A_166, %add3A_172 : i32
      %lt3A_174 = arith.constant 128 : i32
      %lt3A_175 = arith.cmpi slt, %add3A_173, %lt3A_174 : i32
      %convert_element_type3A_176 = arith.extui %lt3A_175 : i1 to i32
      %cond3A_177 = arith.constant 0 : i32
      %cond3A_178 = arith.cmpi ne, %convert_element_type3A_176, %cond3A_177 : i32
      scf.if %cond3A_178 {
        %add3A_401 = arith.constant 5 : i32
        %add3A_402 = arith.addi %add3A_166, %add3A_401 : i32
        %mul3A_403 = arith.constant 32 : i32
        %mul3A_404 = arith.muli %add3A_402, %mul3A_403 : i32
        %dma_start3A_405 = tpu.memref_slice %arg2[%select_n3A, %mul3A_404, %mul3A_32] : memref<4x4096x2048xf32, #tpu.memory_space<hbm>> -> memref<1x32x256xf32, #tpu.memory_space<hbm>>
        %dma_start3A_406 = tpu.memref_squeeze %dma_start3A_405 : memref<1x32x256xf32, #tpu.memory_space<hbm>> -> memref<32x256xf32, #tpu.memory_space<hbm>>
        %dma_start3A_407 = tpu.memref_slice %arg2[%select_n3A, %mul3A_404, %mul3A_32] : memref<4x4096x2048xf32, #tpu.memory_space<hbm>> -> memref<1x32x256xf32, #tpu.memory_space<hbm>>
        %dma_start3A_408 = tpu.memref_squeeze %dma_start3A_407 : memref<1x32x256xf32, #tpu.memory_space<hbm>> -> memref<32x256xf32, #tpu.memory_space<hbm>>
        tpu.enqueue_dma source(%dma_start3A_408 : memref<32x256xf32, #tpu.memory_space<hbm>>) target(%arg10 : memref<32x256xf32, #tpu.memory_space<vmem>>) target_semaphore(%arg18 : memref<!tpu.dma_semaphore, #tpu.memory_space<semaphore_mem>>)
      } else {
      }
      %mul3A_179 = arith.constant 32 : i32
      %mul3A_180 = arith.muli %add3A_166, %mul3A_179 : i32
      %dma_wait3A_181 = tpu.memref_slice %arg2[%select_n3A, %mul3A_180, %mul3A_32] : memref<4x4096x2048xf32, #tpu.memory_space<hbm>> -> memref<1x32x256xf32, #tpu.memory_space<hbm>>
      %dma_wait3A_182 = tpu.memref_squeeze %dma_wait3A_181 : memref<1x32x256xf32, #tpu.memory_space<hbm>> -> memref<32x256xf32, #tpu.memory_space<hbm>>
      %dma_wait3A_183 = tpu.memref_slice %arg2[%select_n3A, %mul3A_180, %mul3A_32] : memref<4x4096x2048xf32, #tpu.memory_space<hbm>> -> memref<1x32x256xf32, #tpu.memory_space<hbm>>
      %dma_wait3A_184 = tpu.memref_squeeze %dma_wait3A_183 : memref<1x32x256xf32, #tpu.memory_space<hbm>> -> memref<32x256xf32, #tpu.memory_space<hbm>>
      tpu.wait_dma2 semaphore(%arg13 : memref<!tpu.dma_semaphore, #tpu.memory_space<semaphore_mem>>) src(%dma_wait3A_184 : memref<32x256xf32, #tpu.memory_space<hbm>>) dst(%arg5 : memref<32x256xf32, #tpu.memory_space<vmem>>)
      %scan3A_185 = arith.constant 0 : i32
      %scan3A_186 = arith.constant 32 : i32
      %scan3A_187 = arith.addi %scan3A_185, %scan3A_186 : i32
      %scan3A_188 = arith.constant 1 : i32
      %scan3A_189:16 = scf.for %scan3A_401 = %scan3A_185 to %scan3A_187 step %scan3A_188 iter_args(%scan3A_402 = %scan3A_155#0, %scan3A_403 = %scan3A_155#1, %scan3A_404 = %scan3A_155#2, %scan3A_405 = %scan3A_155#3, %scan3A_406 = %scan3A_155#4, %scan3A_407 = %scan3A_155#5, %scan3A_408 = %scan3A_155#6, %scan3A_409 = %scan3A_155#7, %scan3A_410 = %scan3A_155#8, %scan3A_411 = %scan3A_155#9, %scan3A_412 = %scan3A_155#10, %scan3A_413 = %scan3A_155#11, %scan3A_414 = %scan3A_155#12, %scan3A_415 = %scan3A_155#13, %scan3A_416 = %scan3A_155#14, %scan3A_417 = %scan3A_155#15) -> (vector<16xf32>, vector<16xf32>, vector<16xf32>, vector<16xf32>, vector<16xf32>, vector<16xf32>, vector<16xf32>, vector<16xf32>, vector<16xf32>, vector<16xf32>, vector<16xf32>, vector<16xf32>, vector<16xf32>, vector<16xf32>, vector<16xf32>, vector<16xf32>)  : i32 {
        %get3A = arith.index_cast %scan3A_401 : i32 to index
        %get3A_418 = arith.constant 0 : index
        %get3A_419 = tpu.vector_load %arg5[%get3A, %get3A_418] {strides = array<i32>} : memref<32x256xf32, #tpu.memory_space<vmem>>, vector<1x16xf32>,
        %get3A_420 = vector.shape_cast %get3A_419 : vector<1x16xf32> to vector<16xf32>
        %add3A_421 = arith.addf %scan3A_402, %get3A_420 : vector<16xf32>
        %swap3A = arith.index_cast %scan3A_401 : i32 to index
        %swap3A_422 = arith.constant 0 : index
        %swap3A_423 = tpu.vector_load %arg5[%swap3A, %swap3A_422] {strides = array<i32>} : memref<32x256xf32, #tpu.memory_space<vmem>>, vector<1x16xf32>,
        %swap3A_424 = vector.shape_cast %swap3A_423 : vector<1x16xf32> to vector<16xf32>
        %swap3A_425 = vector.shape_cast %add3A_421 : vector<16xf32> to vector<1x16xf32>
        tpu.vector_store %arg5[%swap3A, %swap3A_422], %swap3A_425 {strides = array<i32>} : memref<32x256xf32, #tpu.memory_space<vmem>>, vector<1x16xf32>,
        %get3A_426 = arith.index_cast %scan3A_401 : i32 to index
        %get3A_427 = arith.constant 16 : index
        %get3A_428 = tpu.vector_load %arg5[%get3A_426, %get3A_427] {strides = array<i32>} : memref<32x256xf32, #tpu.memory_space<vmem>>, vector<1x16xf32>,
        %get3A_429 = vector.shape_cast %get3A_428 : vector<1x16xf32> to vector<16xf32>
        %add3A_430 = arith.addf %scan3A_403, %get3A_429 : vector<16xf32>
        %swap3A_431 = arith.index_cast %scan3A_401 : i32 to index
        %swap3A_432 = arith.constant 16 : index
        %swap3A_433 = tpu.vector_load %arg5[%swap3A_431, %swap3A_432] {strides = array<i32>} : memref<32x256xf32, #tpu.memory_space<vmem>>, vector<1x16xf32>,
        %swap3A_434 = vector.shape_cast %swap3A_433 : vector<1x16xf32> to vector<16xf32>
        %swap3A_435 = vector.shape_cast %add3A_430 : vector<16xf32> to vector<1x16xf32>
        tpu.vector_store %arg5[%swap3A_431, %swap3A_432], %swap3A_435 {strides = array<i32>} : memref<32x256xf32, #tpu.memory_space<vmem>>, vector<1x16xf32>,
        %get3A_436 = arith.index_cast %scan3A_401 : i32 to index
        %get3A_437 = arith.constant 32 : index
        %get3A_438 = tpu.vector_load %arg5[%get3A_436, %get3A_437] {strides = array<i32>} : memref<32x256xf32, #tpu.memory_space<vmem>>, vector<1x16xf32>,
        %get3A_439 = vector.shape_cast %get3A_438 : vector<1x16xf32> to vector<16xf32>
        %add3A_440 = arith.addf %scan3A_404, %get3A_439 : vector<16xf32>
        %swap3A_441 = arith.index_cast %scan3A_401 : i32 to index
        %swap3A_442 = arith.constant 32 : index
        %swap3A_443 = tpu.vector_load %arg5[%swap3A_441, %swap3A_442] {strides = array<i32>} : memref<32x256xf32, #tpu.memory_space<vmem>>, vector<1x16xf32>,
        %swap3A_444 = vector.shape_cast %swap3A_443 : vector<1x16xf32> to vector<16xf32>
        %swap3A_445 = vector.shape_cast %add3A_440 : vector<16xf32> to vector<1x16xf32>
        tpu.vector_store %arg5[%swap3A_441, %swap3A_442], %swap3A_445 {strides = array<i32>} : memref<32x256xf32, #tpu.memory_space<vmem>>, vector<1x16xf32>,
        %get3A_446 = arith.index_cast %scan3A_401 : i32 to index
        %get3A_447 = arith.constant 48 : index
        %get3A_448 = tpu.vector_load %arg5[%get3A_446, %get3A_447] {strides = array<i32>} : memref<32x256xf32, #tpu.memory_space<vmem>>, vector<1x16xf32>,
        %get3A_449 = vector.shape_cast %get3A_448 : vector<1x16xf32> to vector<16xf32>
        %add3A_450 = arith.addf %scan3A_405, %get3A_449 : vector<16xf32>
        %swap3A_451 = arith.index_cast %scan3A_401 : i32 to index
        %swap3A_452 = arith.constant 48 : index
        %swap3A_453 = tpu.vector_load %arg5[%swap3A_451, %swap3A_452] {strides = array<i32>} : memref<32x256xf32, #tpu.memory_space<vmem>>, vector<1x16xf32>,
        %swap3A_454 = vector.shape_cast %swap3A_453 : vector<1x16xf32> to vector<16xf32>
        %swap3A_455 = vector.shape_cast %add3A_450 : vector<16xf32> to vector<1x16xf32>
        tpu.vector_store %arg5[%swap3A_451, %swap3A_452], %swap3A_455 {strides = array<i32>} : memref<32x256xf32, #tpu.memory_space<vmem>>, vector<1x16xf32>,
        %get3A_456 = arith.index_cast %scan3A_401 : i32 to index
        %get3A_457 = arith.constant 64 : index
        %get3A_458 = tpu.vector_load %arg5[%get3A_456, %get3A_457] {strides = array<i32>} : memref<32x256xf32, #tpu.memory_space<vmem>>, vector<1x16xf32>,
        %get3A_459 = vector.shape_cast %get3A_458 : vector<1x16xf32> to vector<16xf32>
        %add3A_460 = arith.addf %scan3A_406, %get3A_459 : vector<16xf32>
        %swap3A_461 = arith.index_cast %scan3A_401 : i32 to index
        %swap3A_462 = arith.constant 64 : index
        %swap3A_463 = tpu.vector_load %arg5[%swap3A_461, %swap3A_462] {strides = array<i32>} : memref<32x256xf32, #tpu.memory_space<vmem>>, vector<1x16xf32>,
        %swap3A_464 = vector.shape_cast %swap3A_463 : vector<1x16xf32> to vector<16xf32>
        %swap3A_465 = vector.shape_cast %add3A_460 : vector<16xf32> to vector<1x16xf32>
        tpu.vector_store %arg5[%swap3A_461, %swap3A_462], %swap3A_465 {strides = array<i32>} : memref<32x256xf32, #tpu.memory_space<vmem>>, vector<1x16xf32>,
        %get3A_466 = arith.index_cast %scan3A_401 : i32 to index
        %get3A_467 = arith.constant 80 : index
        %get3A_468 = tpu.vector_load %arg5[%get3A_466, %get3A_467] {strides = array<i32>} : memref<32x256xf32, #tpu.memory_space<vmem>>, vector<1x16xf32>,
        %get3A_469 = vector.shape_cast %get3A_468 : vector<1x16xf32> to vector<16xf32>
        %add3A_470 = arith.addf %scan3A_407, %get3A_469 : vector<16xf32>
        %swap3A_471 = arith.index_cast %scan3A_401 : i32 to index
        %swap3A_472 = arith.constant 80 : index
        %swap3A_473 = tpu.vector_load %arg5[%swap3A_471, %swap3A_472] {strides = array<i32>} : memref<32x256xf32, #tpu.memory_space<vmem>>, vector<1x16xf32>,
        %swap3A_474 = vector.shape_cast %swap3A_473 : vector<1x16xf32> to vector<16xf32>
        %swap3A_475 = vector.shape_cast %add3A_470 : vector<16xf32> to vector<1x16xf32>
        tpu.vector_store %arg5[%swap3A_471, %swap3A_472], %swap3A_475 {strides = array<i32>} : memref<32x256xf32, #tpu.memory_space<vmem>>, vector<1x16xf32>,
        %get3A_476 = arith.index_cast %scan3A_401 : i32 to index
        %get3A_477 = arith.constant 96 : index
        %get3A_478 = tpu.vector_load %arg5[%get3A_476, %get3A_477] {strides = array<i32>} : memref<32x256xf32, #tpu.memory_space<vmem>>, vector<1x16xf32>,
        %get3A_479 = vector.shape_cast %get3A_478 : vector<1x16xf32> to vector<16xf32>
        %add3A_480 = arith.addf %scan3A_408, %get3A_479 : vector<16xf32>
        %swap3A_481 = arith.index_cast %scan3A_401 : i32 to index
        %swap3A_482 = arith.constant 96 : index
        %swap3A_483 = tpu.vector_load %arg5[%swap3A_481, %swap3A_482] {strides = array<i32>} : memref<32x256xf32, #tpu.memory_space<vmem>>, vector<1x16xf32>,
        %swap3A_484 = vector.shape_cast %swap3A_483 : vector<1x16xf32> to vector<16xf32>
        %swap3A_485 = vector.shape_cast %add3A_480 : vector<16xf32> to vector<1x16xf32>
        tpu.vector_store %arg5[%swap3A_481, %swap3A_482], %swap3A_485 {strides = array<i32>} : memref<32x256xf32, #tpu.memory_space<vmem>>, vector<1x16xf32>,
        %get3A_486 = arith.index_cast %scan3A_401 : i32 to index
        %get3A_487 = arith.constant 112 : index
        %get3A_488 = tpu.vector_load %arg5[%get3A_486, %get3A_487] {strides = array<i32>} : memref<32x256xf32, #tpu.memory_space<vmem>>, vector<1x16xf32>,
        %get3A_489 = vector.shape_cast %get3A_488 : vector<1x16xf32> to vector<16xf32>
        %add3A_490 = arith.addf %scan3A_409, %get3A_489 : vector<16xf32>
        %swap3A_491 = arith.index_cast %scan3A_401 : i32 to index
        %swap3A_492 = arith.constant 112 : index
        %swap3A_493 = tpu.vector_load %arg5[%swap3A_491, %swap3A_492] {strides = array<i32>} : memref<32x256xf32, #tpu.memory_space<vmem>>, vector<1x16xf32>,
        %swap3A_494 = vector.shape_cast %swap3A_493 : vector<1x16xf32> to vector<16xf32>
        %swap3A_495 = vector.shape_cast %add3A_490 : vector<16xf32> to vector<1x16xf32>
        tpu.vector_store %arg5[%swap3A_491, %swap3A_492], %swap3A_495 {strides = array<i32>} : memref<32x256xf32, #tpu.memory_space<vmem>>, vector<1x16xf32>,
        %get3A_496 = arith.index_cast %scan3A_401 : i32 to index
        %get3A_497 = arith.constant 128 : index
        %get3A_498 = tpu.vector_load %arg5[%get3A_496, %get3A_497] {strides = array<i32>} : memref<32x256xf32, #tpu.memory_space<vmem>>, vector<1x16xf32>,
        %get3A_499 = vector.shape_cast %get3A_498 : vector<1x16xf32> to vector<16xf32>
        %add3A_500 = arith.addf %scan3A_410, %get3A_499 : vector<16xf32>
        %swap3A_501 = arith.index_cast %scan3A_401 : i32 to index
        %swap3A_502 = arith.constant 128 : index
        %swap3A_503 = tpu.vector_load %arg5[%swap3A_501, %swap3A_502] {strides = array<i32>} : memref<32x256xf32, #tpu.memory_space<vmem>>, vector<1x16xf32>,
        %swap3A_504 = vector.shape_cast %swap3A_503 : vector<1x16xf32> to vector<16xf32>
        %swap3A_505 = vector.shape_cast %add3A_500 : vector<16xf32> to vector<1x16xf32>
        tpu.vector_store %arg5[%swap3A_501, %swap3A_502], %swap3A_505 {strides = array<i32>} : memref<32x256xf32, #tpu.memory_space<vmem>>, vector<1x16xf32>,
        %get3A_506 = arith.index_cast %scan3A_401 : i32 to index
        %get3A_507 = arith.constant 144 : index
        %get3A_508 = tpu.vector_load %arg5[%get3A_506, %get3A_507] {strides = array<i32>} : memref<32x256xf32, #tpu.memory_space<vmem>>, vector<1x16xf32>,
        %get3A_509 = vector.shape_cast %get3A_508 : vector<1x16xf32> to vector<16xf32>
        %add3A_510 = arith.addf %scan3A_411, %get3A_509 : vector<16xf32>
        %swap3A_511 = arith.index_cast %scan3A_401 : i32 to index
        %swap3A_512 = arith.constant 144 : index
        %swap3A_513 = tpu.vector_load %arg5[%swap3A_511, %swap3A_512] {strides = array<i32>} : memref<32x256xf32, #tpu.memory_space<vmem>>, vector<1x16xf32>,
        %swap3A_514 = vector.shape_cast %swap3A_513 : vector<1x16xf32> to vector<16xf32>
        %swap3A_515 = vector.shape_cast %add3A_510 : vector<16xf32> to vector<1x16xf32>
        tpu.vector_store %arg5[%swap3A_511, %swap3A_512], %swap3A_515 {strides = array<i32>} : memref<32x256xf32, #tpu.memory_space<vmem>>, vector<1x16xf32>,
        %get3A_516 = arith.index_cast %scan3A_401 : i32 to index
        %get3A_517 = arith.constant 160 : index
        %get3A_518 = tpu.vector_load %arg5[%get3A_516, %get3A_517] {strides = array<i32>} : memref<32x256xf32, #tpu.memory_space<vmem>>, vector<1x16xf32>,
        %get3A_519 = vector.shape_cast %get3A_518 : vector<1x16xf32> to vector<16xf32>
        %add3A_520 = arith.addf %scan3A_412, %get3A_519 : vector<16xf32>
        %swap3A_521 = arith.index_cast %scan3A_401 : i32 to index
        %swap3A_522 = arith.constant 160 : index
        %swap3A_523 = tpu.vector_load %arg5[%swap3A_521, %swap3A_522] {strides = array<i32>} : memref<32x256xf32, #tpu.memory_space<vmem>>, vector<1x16xf32>,
        %swap3A_524 = vector.shape_cast %swap3A_523 : vector<1x16xf32> to vector<16xf32>
        %swap3A_525 = vector.shape_cast %add3A_520 : vector<16xf32> to vector<1x16xf32>
        tpu.vector_store %arg5[%swap3A_521, %swap3A_522], %swap3A_525 {strides = array<i32>} : memref<32x256xf32, #tpu.memory_space<vmem>>, vector<1x16xf32>,
        %get3A_526 = arith.index_cast %scan3A_401 : i32 to index
        %get3A_527 = arith.constant 176 : index
        %get3A_528 = tpu.vector_load %arg5[%get3A_526, %get3A_527] {strides = array<i32>} : memref<32x256xf32, #tpu.memory_space<vmem>>, vector<1x16xf32>,
        %get3A_529 = vector.shape_cast %get3A_528 : vector<1x16xf32> to vector<16xf32>
        %add3A_530 = arith.addf %scan3A_413, %get3A_529 : vector<16xf32>
        %swap3A_531 = arith.index_cast %scan3A_401 : i32 to index
        %swap3A_532 = arith.constant 176 : index
        %swap3A_533 = tpu.vector_load %arg5[%swap3A_531, %swap3A_532] {strides = array<i32>} : memref<32x256xf32, #tpu.memory_space<vmem>>, vector<1x16xf32>,
        %swap3A_534 = vector.shape_cast %swap3A_533 : vector<1x16xf32> to vector<16xf32>
        %swap3A_535 = vector.shape_cast %add3A_530 : vector<16xf32> to vector<1x16xf32>
        tpu.vector_store %arg5[%swap3A_531, %swap3A_532], %swap3A_535 {strides = array<i32>} : memref<32x256xf32, #tpu.memory_space<vmem>>, vector<1x16xf32>,
        %get3A_536 = arith.index_cast %scan3A_401 : i32 to index
        %get3A_537 = arith.constant 192 : index
        %get3A_538 = tpu.vector_load %arg5[%get3A_536, %get3A_537] {strides = array<i32>} : memref<32x256xf32, #tpu.memory_space<vmem>>, vector<1x16xf32>,
        %get3A_539 = vector.shape_cast %get3A_538 : vector<1x16xf32> to vector<16xf32>
        %add3A_540 = arith.addf %scan3A_414, %get3A_539 : vector<16xf32>
        %swap3A_541 = arith.index_cast %scan3A_401 : i32 to index
        %swap3A_542 = arith.constant 192 : index
        %swap3A_543 = tpu.vector_load %arg5[%swap3A_541, %swap3A_542] {strides = array<i32>} : memref<32x256xf32, #tpu.memory_space<vmem>>, vector<1x16xf32>,
        %swap3A_544 = vector.shape_cast %swap3A_543 : vector<1x16xf32> to vector<16xf32>
        %swap3A_545 = vector.shape_cast %add3A_540 : vector<16xf32> to vector<1x16xf32>
        tpu.vector_store %arg5[%swap3A_541, %swap3A_542], %swap3A_545 {strides = array<i32>} : memref<32x256xf32, #tpu.memory_space<vmem>>, vector<1x16xf32>,
        %get3A_546 = arith.index_cast %scan3A_401 : i32 to index
        %get3A_547 = arith.constant 208 : index
        %get3A_548 = tpu.vector_load %arg5[%get3A_546, %get3A_547] {strides = array<i32>} : memref<32x256xf32, #tpu.memory_space<vmem>>, vector<1x16xf32>,
        %get3A_549 = vector.shape_cast %get3A_548 : vector<1x16xf32> to vector<16xf32>
        %add3A_550 = arith.addf %scan3A_415, %get3A_549 : vector<16xf32>
        %swap3A_551 = arith.index_cast %scan3A_401 : i32 to index
        %swap3A_552 = arith.constant 208 : index
        %swap3A_553 = tpu.vector_load %arg5[%swap3A_551, %swap3A_552] {strides = array<i32>} : memref<32x256xf32, #tpu.memory_space<vmem>>, vector<1x16xf32>,
        %swap3A_554 = vector.shape_cast %swap3A_553 : vector<1x16xf32> to vector<16xf32>
        %swap3A_555 = vector.shape_cast %add3A_550 : vector<16xf32> to vector<1x16xf32>
        tpu.vector_store %arg5[%swap3A_551, %swap3A_552], %swap3A_555 {strides = array<i32>} : memref<32x256xf32, #tpu.memory_space<vmem>>, vector<1x16xf32>,
        %get3A_556 = arith.index_cast %scan3A_401 : i32 to index
        %get3A_557 = arith.constant 224 : index
        %get3A_558 = tpu.vector_load %arg5[%get3A_556, %get3A_557] {strides = array<i32>} : memref<32x256xf32, #tpu.memory_space<vmem>>, vector<1x16xf32>,
        %get3A_559 = vector.shape_cast %get3A_558 : vector<1x16xf32> to vector<16xf32>
        %add3A_560 = arith.addf %scan3A_416, %get3A_559 : vector<16xf32>
        %swap3A_561 = arith.index_cast %scan3A_401 : i32 to index
        %swap3A_562 = arith.constant 224 : index
        %swap3A_563 = tpu.vector_load %arg5[%swap3A_561, %swap3A_562] {strides = array<i32>} : memref<32x256xf32, #tpu.memory_space<vmem>>, vector<1x16xf32>,
        %swap3A_564 = vector.shape_cast %swap3A_563 : vector<1x16xf32> to vector<16xf32>
        %swap3A_565 = vector.shape_cast %add3A_560 : vector<16xf32> to vector<1x16xf32>
        tpu.vector_store %arg5[%swap3A_561, %swap3A_562], %swap3A_565 {strides = array<i32>} : memref<32x256xf32, #tpu.memory_space<vmem>>, vector<1x16xf32>,
        %get3A_566 = arith.index_cast %scan3A_401 : i32 to index
        %get3A_567 = arith.constant 240 : index
        %get3A_568 = tpu.vector_load %arg5[%get3A_566, %get3A_567] {strides = array<i32>} : memref<32x256xf32, #tpu.memory_space<vmem>>, vector<1x16xf32>,
        %get3A_569 = vector.shape_cast %get3A_568 : vector<1x16xf32> to vector<16xf32>
        %add3A_570 = arith.addf %scan3A_417, %get3A_569 : vector<16xf32>
        %swap3A_571 = arith.index_cast %scan3A_401 : i32 to index
        %swap3A_572 = arith.constant 240 : index
        %swap3A_573 = tpu.vector_load %arg5[%swap3A_571, %swap3A_572] {strides = array<i32>} : memref<32x256xf32, #tpu.memory_space<vmem>>, vector<1x16xf32>,
        %swap3A_574 = vector.shape_cast %swap3A_573 : vector<1x16xf32> to vector<16xf32>
        %swap3A_575 = vector.shape_cast %add3A_570 : vector<16xf32> to vector<1x16xf32>
        tpu.vector_store %arg5[%swap3A_571, %swap3A_572], %swap3A_575 {strides = array<i32>} : memref<32x256xf32, #tpu.memory_space<vmem>>, vector<1x16xf32>,
        scf.yield %add3A_421, %add3A_430, %add3A_440, %add3A_450, %add3A_460, %add3A_470, %add3A_480, %add3A_490, %add3A_500, %add3A_510, %add3A_520, %add3A_530, %add3A_540, %add3A_550, %add3A_560, %add3A_570 : vector<16xf32>, vector<16xf32>, vector<16xf32>, vector<16xf32>, vector<16xf32>, vector<16xf32>, vector<16xf32>, vector<16xf32>, vector<16xf32>, vector<16xf32>, vector<16xf32>, vector<16xf32>, vector<16xf32>, vector<16xf32>, vector<16xf32>, vector<16xf32>
      }
      %scan3A_190 = arith.constant 32 : i32
      %mul3A_191 = arith.constant 32 : i32
      %mul3A_192 = arith.muli %add3A_166, %mul3A_191 : i32
      %dma_start3A_193 = tpu.memref_slice %arg3[%select_n3A, %mul3A_192, %mul3A_32] : memref<4x4096x2048xf32, #tpu.memory_space<hbm>> -> memref<1x32x256xf32, #tpu.memory_space<hbm>>
      %dma_start3A_194 = tpu.memref_squeeze %dma_start3A_193 : memref<1x32x256xf32, #tpu.memory_space<hbm>> -> memref<32x256xf32, #tpu.memory_space<hbm>>
      %dma_start3A_195 = tpu.memref_slice %arg3[%select_n3A, %mul3A_192, %mul3A_32] : memref<4x4096x2048xf32, #tpu.memory_space<hbm>> -> memref<1x32x256xf32, #tpu.memory_space<hbm>>
      %dma_start3A_196 = tpu.memref_squeeze %dma_start3A_195 : memref<1x32x256xf32, #tpu.memory_space<hbm>> -> memref<32x256xf32, #tpu.memory_space<hbm>>
      tpu.enqueue_dma source(%arg5 : memref<32x256xf32, #tpu.memory_space<vmem>>) target(%dma_start3A_196 : memref<32x256xf32, #tpu.memory_space<hbm>>) target_semaphore(%arg21 : memref<!tpu.dma_semaphore, #tpu.memory_space<semaphore_mem>>)
      %mul3A_197 = arith.constant 8 : i32
      %mul3A_198 = arith.muli %scan3A_115, %mul3A_197 : i32
      %add3A_199 = arith.constant 2 : i32
      %add3A_200 = arith.addi %mul3A_198, %add3A_199 : i32
      %ge3A_201 = arith.constant 3 : i32
      %ge3A_202 = arith.cmpi sge, %add3A_200, %ge3A_201 : i32
      %convert_element_type3A_203 = arith.extui %ge3A_202 : i1 to i32
      %cond3A_204 = arith.constant 0 : i32
      %cond3A_205 = arith.cmpi ne, %convert_element_type3A_203, %cond3A_204 : i32
      scf.if %cond3A_205 {
        %sub3A_401 = arith.constant 3 : i32
        %sub3A_402 = arith.subi %add3A_200, %sub3A_401 : i32
        %mul3A_403 = arith.constant 32 : i32
        %mul3A_404 = arith.muli %sub3A_402, %mul3A_403 : i32
        %dma_wait3A_405 = tpu.memref_slice %arg3[%select_n3A, %mul3A_404, %mul3A_32] : memref<4x4096x2048xf32, #tpu.memory_space<hbm>> -> memref<1x32x256xf32, #tpu.memory_space<hbm>>
        %dma_wait3A_406 = tpu.memref_squeeze %dma_wait3A_405 : memref<1x32x256xf32, #tpu.memory_space<hbm>> -> memref<32x256xf32, #tpu.memory_space<hbm>>
        %dma_wait3A_407 = tpu.memref_slice %arg3[%select_n3A, %mul3A_404, %mul3A_32] : memref<4x4096x2048xf32, #tpu.memory_space<hbm>> -> memref<1x32x256xf32, #tpu.memory_space<hbm>>
        %dma_wait3A_408 = tpu.memref_squeeze %dma_wait3A_407 : memref<1x32x256xf32, #tpu.memory_space<hbm>> -> memref<32x256xf32, #tpu.memory_space<hbm>>
        tpu.wait_dma2 semaphore(%arg27 : memref<!tpu.dma_semaphore, #tpu.memory_space<semaphore_mem>>) src(%arg11 : memref<32x256xf32, #tpu.memory_space<vmem>>) dst(%dma_wait3A_408 : memref<32x256xf32, #tpu.memory_space<hbm>>)
      } else {
      }
      %add3A_206 = arith.constant 5 : i32
      %add3A_207 = arith.addi %add3A_200, %add3A_206 : i32
      %lt3A_208 = arith.constant 128 : i32
      %lt3A_209 = arith.cmpi slt, %add3A_207, %lt3A_208 : i32
      %convert_element_type3A_210 = arith.extui %lt3A_209 : i1 to i32
      %cond3A_211 = arith.constant 0 : i32
      %cond3A_212 = arith.cmpi ne, %convert_element_type3A_210, %cond3A_211 : i32
      scf.if %cond3A_212 {
        %add3A_401 = arith.constant 5 : i32
        %add3A_402 = arith.addi %add3A_200, %add3A_401 : i32
        %mul3A_403 = arith.constant 32 : i32
        %mul3A_404 = arith.muli %add3A_402, %mul3A_403 : i32
        %dma_start3A_405 = tpu.memref_slice %arg2[%select_n3A, %mul3A_404, %mul3A_32] : memref<4x4096x2048xf32, #tpu.memory_space<hbm>> -> memref<1x32x256xf32, #tpu.memory_space<hbm>>
        %dma_start3A_406 = tpu.memref_squeeze %dma_start3A_405 : memref<1x32x256xf32, #tpu.memory_space<hbm>> -> memref<32x256xf32, #tpu.memory_space<hbm>>
        %dma_start3A_407 = tpu.memref_slice %arg2[%select_n3A, %mul3A_404, %mul3A_32] : memref<4x4096x2048xf32, #tpu.memory_space<hbm>> -> memref<1x32x256xf32, #tpu.memory_space<hbm>>
        %dma_start3A_408 = tpu.memref_squeeze %dma_start3A_407 : memref<1x32x256xf32, #tpu.memory_space<hbm>> -> memref<32x256xf32, #tpu.memory_space<hbm>>
        tpu.enqueue_dma source(%dma_start3A_408 : memref<32x256xf32, #tpu.memory_space<hbm>>) target(%arg11 : memref<32x256xf32, #tpu.memory_space<vmem>>) target_semaphore(%arg19 : memref<!tpu.dma_semaphore, #tpu.memory_space<semaphore_mem>>)
      } else {
      }
      %mul3A_213 = arith.constant 32 : i32
      %mul3A_214 = arith.muli %add3A_200, %mul3A_213 : i32
      %dma_wait3A_215 = tpu.memref_slice %arg2[%select_n3A, %mul3A_214, %mul3A_32] : memref<4x4096x2048xf32, #tpu.memory_space<hbm>> -> memref<1x32x256xf32, #tpu.memory_space<hbm>>
      %dma_wait3A_216 = tpu.memref_squeeze %dma_wait3A_215 : memref<1x32x256xf32, #tpu.memory_space<hbm>> -> memref<32x256xf32, #tpu.memory_space<hbm>>
      %dma_wait3A_217 = tpu.memref_slice %arg2[%select_n3A, %mul3A_214, %mul3A_32] : memref<4x4096x2048xf32, #tpu.memory_space<hbm>> -> memref<1x32x256xf32, #tpu.memory_space<hbm>>
      %dma_wait3A_218 = tpu.memref_squeeze %dma_wait3A_217 : memref<1x32x256xf32, #tpu.memory_space<hbm>> -> memref<32x256xf32, #tpu.memory_space<hbm>>
      tpu.wait_dma2 semaphore(%arg14 : memref<!tpu.dma_semaphore, #tpu.memory_space<semaphore_mem>>) src(%dma_wait3A_218 : memref<32x256xf32, #tpu.memory_space<hbm>>) dst(%arg6 : memref<32x256xf32, #tpu.memory_space<vmem>>)
      %scan3A_219 = arith.constant 0 : i32
      %scan3A_220 = arith.constant 32 : i32
      %scan3A_221 = arith.addi %scan3A_219, %scan3A_220 : i32
      %scan3A_222 = arith.constant 1 : i32
      %scan3A_223:16 = scf.for %scan3A_401 = %scan3A_219 to %scan3A_221 step %scan3A_222 iter_args(%scan3A_402 = %scan3A_189#0, %scan3A_403 = %scan3A_189#1, %scan3A_404 = %scan3A_189#2, %scan3A_405 = %scan3A_189#3, %scan3A_406 = %scan3A_189#4, %scan3A_407 = %scan3A_189#5, %scan3A_408 = %scan3A_189#6, %scan3A_409 = %scan3A_189#7, %scan3A_410 = %scan3A_189#8, %scan3A_411 = %scan3A_189#9, %scan3A_412 = %scan3A_189#10, %scan3A_413 = %scan3A_189#11, %scan3A_414 = %scan3A_189#12, %scan3A_415 = %scan3A_189#13, %scan3A_416 = %scan3A_189#14, %scan3A_417 = %scan3A_189#15) -> (vector<16xf32>, vector<16xf32>, vector<16xf32>, vector<16xf32>, vector<16xf32>, vector<16xf32>, vector<16xf32>, vector<16xf32>, vector<16xf32>, vector<16xf32>, vector<16xf32>, vector<16xf32>, vector<16xf32>, vector<16xf32>, vector<16xf32>, vector<16xf32>)  : i32 {
        %get3A = arith.index_cast %scan3A_401 : i32 to index
        %get3A_418 = arith.constant 0 : index
        %get3A_419 = tpu.vector_load %arg6[%get3A, %get3A_418] {strides = array<i32>} : memref<32x256xf32, #tpu.memory_space<vmem>>, vector<1x16xf32>,
        %get3A_420 = vector.shape_cast %get3A_419 : vector<1x16xf32> to vector<16xf32>
        %add3A_421 = arith.addf %scan3A_402, %get3A_420 : vector<16xf32>
        %swap3A = arith.index_cast %scan3A_401 : i32 to index
        %swap3A_422 = arith.constant 0 : index
        %swap3A_423 = tpu.vector_load %arg6[%swap3A, %swap3A_422] {strides = array<i32>} : memref<32x256xf32, #tpu.memory_space<vmem>>, vector<1x16xf32>,
        %swap3A_424 = vector.shape_cast %swap3A_423 : vector<1x16xf32> to vector<16xf32>
        %swap3A_425 = vector.shape_cast %add3A_421 : vector<16xf32> to vector<1x16xf32>
        tpu.vector_store %arg6[%swap3A, %swap3A_422], %swap3A_425 {strides = array<i32>} : memref<32x256xf32, #tpu.memory_space<vmem>>, vector<1x16xf32>,
        %get3A_426 = arith.index_cast %scan3A_401 : i32 to index
        %get3A_427 = arith.constant 16 : index
        %get3A_428 = tpu.vector_load %arg6[%get3A_426, %get3A_427] {strides = array<i32>} : memref<32x256xf32, #tpu.memory_space<vmem>>, vector<1x16xf32>,
        %get3A_429 = vector.shape_cast %get3A_428 : vector<1x16xf32> to vector<16xf32>
        %add3A_430 = arith.addf %scan3A_403, %get3A_429 : vector<16xf32>
        %swap3A_431 = arith.index_cast %scan3A_401 : i32 to index
        %swap3A_432 = arith.constant 16 : index
        %swap3A_433 = tpu.vector_load %arg6[%swap3A_431, %swap3A_432] {strides = array<i32>} : memref<32x256xf32, #tpu.memory_space<vmem>>, vector<1x16xf32>,
        %swap3A_434 = vector.shape_cast %swap3A_433 : vector<1x16xf32> to vector<16xf32>
        %swap3A_435 = vector.shape_cast %add3A_430 : vector<16xf32> to vector<1x16xf32>
        tpu.vector_store %arg6[%swap3A_431, %swap3A_432], %swap3A_435 {strides = array<i32>} : memref<32x256xf32, #tpu.memory_space<vmem>>, vector<1x16xf32>,
        %get3A_436 = arith.index_cast %scan3A_401 : i32 to index
        %get3A_437 = arith.constant 32 : index
        %get3A_438 = tpu.vector_load %arg6[%get3A_436, %get3A_437] {strides = array<i32>} : memref<32x256xf32, #tpu.memory_space<vmem>>, vector<1x16xf32>,
        %get3A_439 = vector.shape_cast %get3A_438 : vector<1x16xf32> to vector<16xf32>
        %add3A_440 = arith.addf %scan3A_404, %get3A_439 : vector<16xf32>
        %swap3A_441 = arith.index_cast %scan3A_401 : i32 to index
        %swap3A_442 = arith.constant 32 : index
        %swap3A_443 = tpu.vector_load %arg6[%swap3A_441, %swap3A_442] {strides = array<i32>} : memref<32x256xf32, #tpu.memory_space<vmem>>, vector<1x16xf32>,
        %swap3A_444 = vector.shape_cast %swap3A_443 : vector<1x16xf32> to vector<16xf32>
        %swap3A_445 = vector.shape_cast %add3A_440 : vector<16xf32> to vector<1x16xf32>
        tpu.vector_store %arg6[%swap3A_441, %swap3A_442], %swap3A_445 {strides = array<i32>} : memref<32x256xf32, #tpu.memory_space<vmem>>, vector<1x16xf32>,
        %get3A_446 = arith.index_cast %scan3A_401 : i32 to index
        %get3A_447 = arith.constant 48 : index
        %get3A_448 = tpu.vector_load %arg6[%get3A_446, %get3A_447] {strides = array<i32>} : memref<32x256xf32, #tpu.memory_space<vmem>>, vector<1x16xf32>,
        %get3A_449 = vector.shape_cast %get3A_448 : vector<1x16xf32> to vector<16xf32>
        %add3A_450 = arith.addf %scan3A_405, %get3A_449 : vector<16xf32>
        %swap3A_451 = arith.index_cast %scan3A_401 : i32 to index
        %swap3A_452 = arith.constant 48 : index
        %swap3A_453 = tpu.vector_load %arg6[%swap3A_451, %swap3A_452] {strides = array<i32>} : memref<32x256xf32, #tpu.memory_space<vmem>>, vector<1x16xf32>,
        %swap3A_454 = vector.shape_cast %swap3A_453 : vector<1x16xf32> to vector<16xf32>
        %swap3A_455 = vector.shape_cast %add3A_450 : vector<16xf32> to vector<1x16xf32>
        tpu.vector_store %arg6[%swap3A_451, %swap3A_452], %swap3A_455 {strides = array<i32>} : memref<32x256xf32, #tpu.memory_space<vmem>>, vector<1x16xf32>,
        %get3A_456 = arith.index_cast %scan3A_401 : i32 to index
        %get3A_457 = arith.constant 64 : index
        %get3A_458 = tpu.vector_load %arg6[%get3A_456, %get3A_457] {strides = array<i32>} : memref<32x256xf32, #tpu.memory_space<vmem>>, vector<1x16xf32>,
        %get3A_459 = vector.shape_cast %get3A_458 : vector<1x16xf32> to vector<16xf32>
        %add3A_460 = arith.addf %scan3A_406, %get3A_459 : vector<16xf32>
        %swap3A_461 = arith.index_cast %scan3A_401 : i32 to index
        %swap3A_462 = arith.constant 64 : index
        %swap3A_463 = tpu.vector_load %arg6[%swap3A_461, %swap3A_462] {strides = array<i32>} : memref<32x256xf32, #tpu.memory_space<vmem>>, vector<1x16xf32>,
        %swap3A_464 = vector.shape_cast %swap3A_463 : vector<1x16xf32> to vector<16xf32>
        %swap3A_465 = vector.shape_cast %add3A_460 : vector<16xf32> to vector<1x16xf32>
        tpu.vector_store %arg6[%swap3A_461, %swap3A_462], %swap3A_465 {strides = array<i32>} : memref<32x256xf32, #tpu.memory_space<vmem>>, vector<1x16xf32>,
        %get3A_466 = arith.index_cast %scan3A_401 : i32 to index
        %get3A_467 = arith.constant 80 : index
        %get3A_468 = tpu.vector_load %arg6[%get3A_466, %get3A_467] {strides = array<i32>} : memref<32x256xf32, #tpu.memory_space<vmem>>, vector<1x16xf32>,
        %get3A_469 = vector.shape_cast %get3A_468 : vector<1x16xf32> to vector<16xf32>
        %add3A_470 = arith.addf %scan3A_407, %get3A_469 : vector<16xf32>
        %swap3A_471 = arith.index_cast %scan3A_401 : i32 to index
        %swap3A_472 = arith.constant 80 : index
        %swap3A_473 = tpu.vector_load %arg6[%swap3A_471, %swap3A_472] {strides = array<i32>} : memref<32x256xf32, #tpu.memory_space<vmem>>, vector<1x16xf32>,
        %swap3A_474 = vector.shape_cast %swap3A_473 : vector<1x16xf32> to vector<16xf32>
        %swap3A_475 = vector.shape_cast %add3A_470 : vector<16xf32> to vector<1x16xf32>
        tpu.vector_store %arg6[%swap3A_471, %swap3A_472], %swap3A_475 {strides = array<i32>} : memref<32x256xf32, #tpu.memory_space<vmem>>, vector<1x16xf32>,
        %get3A_476 = arith.index_cast %scan3A_401 : i32 to index
        %get3A_477 = arith.constant 96 : index
        %get3A_478 = tpu.vector_load %arg6[%get3A_476, %get3A_477] {strides = array<i32>} : memref<32x256xf32, #tpu.memory_space<vmem>>, vector<1x16xf32>,
        %get3A_479 = vector.shape_cast %get3A_478 : vector<1x16xf32> to vector<16xf32>
        %add3A_480 = arith.addf %scan3A_408, %get3A_479 : vector<16xf32>
        %swap3A_481 = arith.index_cast %scan3A_401 : i32 to index
        %swap3A_482 = arith.constant 96 : index
        %swap3A_483 = tpu.vector_load %arg6[%swap3A_481, %swap3A_482] {strides = array<i32>} : memref<32x256xf32, #tpu.memory_space<vmem>>, vector<1x16xf32>,
        %swap3A_484 = vector.shape_cast %swap3A_483 : vector<1x16xf32> to vector<16xf32>
        %swap3A_485 = vector.shape_cast %add3A_480 : vector<16xf32> to vector<1x16xf32>
        tpu.vector_store %arg6[%swap3A_481, %swap3A_482], %swap3A_485 {strides = array<i32>} : memref<32x256xf32, #tpu.memory_space<vmem>>, vector<1x16xf32>,
        %get3A_486 = arith.index_cast %scan3A_401 : i32 to index
        %get3A_487 = arith.constant 112 : index
        %get3A_488 = tpu.vector_load %arg6[%get3A_486, %get3A_487] {strides = array<i32>} : memref<32x256xf32, #tpu.memory_space<vmem>>, vector<1x16xf32>,
        %get3A_489 = vector.shape_cast %get3A_488 : vector<1x16xf32> to vector<16xf32>
        %add3A_490 = arith.addf %scan3A_409, %get3A_489 : vector<16xf32>
        %swap3A_491 = arith.index_cast %scan3A_401 : i32 to index
        %swap3A_492 = arith.constant 112 : index
        %swap3A_493 = tpu.vector_load %arg6[%swap3A_491, %swap3A_492] {strides = array<i32>} : memref<32x256xf32, #tpu.memory_space<vmem>>, vector<1x16xf32>,
        %swap3A_494 = vector.shape_cast %swap3A_493 : vector<1x16xf32> to vector<16xf32>
        %swap3A_495 = vector.shape_cast %add3A_490 : vector<16xf32> to vector<1x16xf32>
        tpu.vector_store %arg6[%swap3A_491, %swap3A_492], %swap3A_495 {strides = array<i32>} : memref<32x256xf32, #tpu.memory_space<vmem>>, vector<1x16xf32>,
        %get3A_496 = arith.index_cast %scan3A_401 : i32 to index
        %get3A_497 = arith.constant 128 : index
        %get3A_498 = tpu.vector_load %arg6[%get3A_496, %get3A_497] {strides = array<i32>} : memref<32x256xf32, #tpu.memory_space<vmem>>, vector<1x16xf32>,
        %get3A_499 = vector.shape_cast %get3A_498 : vector<1x16xf32> to vector<16xf32>
        %add3A_500 = arith.addf %scan3A_410, %get3A_499 : vector<16xf32>
        %swap3A_501 = arith.index_cast %scan3A_401 : i32 to index
        %swap3A_502 = arith.constant 128 : index
        %swap3A_503 = tpu.vector_load %arg6[%swap3A_501, %swap3A_502] {strides = array<i32>} : memref<32x256xf32, #tpu.memory_space<vmem>>, vector<1x16xf32>,
        %swap3A_504 = vector.shape_cast %swap3A_503 : vector<1x16xf32> to vector<16xf32>
        %swap3A_505 = vector.shape_cast %add3A_500 : vector<16xf32> to vector<1x16xf32>
        tpu.vector_store %arg6[%swap3A_501, %swap3A_502], %swap3A_505 {strides = array<i32>} : memref<32x256xf32, #tpu.memory_space<vmem>>, vector<1x16xf32>,
        %get3A_506 = arith.index_cast %scan3A_401 : i32 to index
        %get3A_507 = arith.constant 144 : index
        %get3A_508 = tpu.vector_load %arg6[%get3A_506, %get3A_507] {strides = array<i32>} : memref<32x256xf32, #tpu.memory_space<vmem>>, vector<1x16xf32>,
        %get3A_509 = vector.shape_cast %get3A_508 : vector<1x16xf32> to vector<16xf32>
        %add3A_510 = arith.addf %scan3A_411, %get3A_509 : vector<16xf32>
        %swap3A_511 = arith.index_cast %scan3A_401 : i32 to index
        %swap3A_512 = arith.constant 144 : index
        %swap3A_513 = tpu.vector_load %arg6[%swap3A_511, %swap3A_512] {strides = array<i32>} : memref<32x256xf32, #tpu.memory_space<vmem>>, vector<1x16xf32>,
        %swap3A_514 = vector.shape_cast %swap3A_513 : vector<1x16xf32> to vector<16xf32>
        %swap3A_515 = vector.shape_cast %add3A_510 : vector<16xf32> to vector<1x16xf32>
        tpu.vector_store %arg6[%swap3A_511, %swap3A_512], %swap3A_515 {strides = array<i32>} : memref<32x256xf32, #tpu.memory_space<vmem>>, vector<1x16xf32>,
        %get3A_516 = arith.index_cast %scan3A_401 : i32 to index
        %get3A_517 = arith.constant 160 : index
        %get3A_518 = tpu.vector_load %arg6[%get3A_516, %get3A_517] {strides = array<i32>} : memref<32x256xf32, #tpu.memory_space<vmem>>, vector<1x16xf32>,
        %get3A_519 = vector.shape_cast %get3A_518 : vector<1x16xf32> to vector<16xf32>
        %add3A_520 = arith.addf %scan3A_412, %get3A_519 : vector<16xf32>
        %swap3A_521 = arith.index_cast %scan3A_401 : i32 to index
        %swap3A_522 = arith.constant 160 : index
        %swap3A_523 = tpu.vector_load %arg6[%swap3A_521, %swap3A_522] {strides = array<i32>} : memref<32x256xf32, #tpu.memory_space<vmem>>, vector<1x16xf32>,
        %swap3A_524 = vector.shape_cast %swap3A_523 : vector<1x16xf32> to vector<16xf32>
        %swap3A_525 = vector.shape_cast %add3A_520 : vector<16xf32> to vector<1x16xf32>
        tpu.vector_store %arg6[%swap3A_521, %swap3A_522], %swap3A_525 {strides = array<i32>} : memref<32x256xf32, #tpu.memory_space<vmem>>, vector<1x16xf32>,
        %get3A_526 = arith.index_cast %scan3A_401 : i32 to index
        %get3A_527 = arith.constant 176 : index
        %get3A_528 = tpu.vector_load %arg6[%get3A_526, %get3A_527] {strides = array<i32>} : memref<32x256xf32, #tpu.memory_space<vmem>>, vector<1x16xf32>,
        %get3A_529 = vector.shape_cast %get3A_528 : vector<1x16xf32> to vector<16xf32>
        %add3A_530 = arith.addf %scan3A_413, %get3A_529 : vector<16xf32>
        %swap3A_531 = arith.index_cast %scan3A_401 : i32 to index
        %swap3A_532 = arith.constant 176 : index
        %swap3A_533 = tpu.vector_load %arg6[%swap3A_531, %swap3A_532] {strides = array<i32>} : memref<32x256xf32, #tpu.memory_space<vmem>>, vector<1x16xf32>,
        %swap3A_534 = vector.shape_cast %swap3A_533 : vector<1x16xf32> to vector<16xf32>
        %swap3A_535 = vector.shape_cast %add3A_530 : vector<16xf32> to vector<1x16xf32>
        tpu.vector_store %arg6[%swap3A_531, %swap3A_532], %swap3A_535 {strides = array<i32>} : memref<32x256xf32, #tpu.memory_space<vmem>>, vector<1x16xf32>,
        %get3A_536 = arith.index_cast %scan3A_401 : i32 to index
        %get3A_537 = arith.constant 192 : index
        %get3A_538 = tpu.vector_load %arg6[%get3A_536, %get3A_537] {strides = array<i32>} : memref<32x256xf32, #tpu.memory_space<vmem>>, vector<1x16xf32>,
        %get3A_539 = vector.shape_cast %get3A_538 : vector<1x16xf32> to vector<16xf32>
        %add3A_540 = arith.addf %scan3A_414, %get3A_539 : vector<16xf32>
        %swap3A_541 = arith.index_cast %scan3A_401 : i32 to index
        %swap3A_542 = arith.constant 192 : index
        %swap3A_543 = tpu.vector_load %arg6[%swap3A_541, %swap3A_542] {strides = array<i32>} : memref<32x256xf32, #tpu.memory_space<vmem>>, vector<1x16xf32>,
        %swap3A_544 = vector.shape_cast %swap3A_543 : vector<1x16xf32> to vector<16xf32>
        %swap3A_545 = vector.shape_cast %add3A_540 : vector<16xf32> to vector<1x16xf32>
        tpu.vector_store %arg6[%swap3A_541, %swap3A_542], %swap3A_545 {strides = array<i32>} : memref<32x256xf32, #tpu.memory_space<vmem>>, vector<1x16xf32>,
        %get3A_546 = arith.index_cast %scan3A_401 : i32 to index
        %get3A_547 = arith.constant 208 : index
        %get3A_548 = tpu.vector_load %arg6[%get3A_546, %get3A_547] {strides = array<i32>} : memref<32x256xf32, #tpu.memory_space<vmem>>, vector<1x16xf32>,
        %get3A_549 = vector.shape_cast %get3A_548 : vector<1x16xf32> to vector<16xf32>
        %add3A_550 = arith.addf %scan3A_415, %get3A_549 : vector<16xf32>
        %swap3A_551 = arith.index_cast %scan3A_401 : i32 to index
        %swap3A_552 = arith.constant 208 : index
        %swap3A_553 = tpu.vector_load %arg6[%swap3A_551, %swap3A_552] {strides = array<i32>} : memref<32x256xf32, #tpu.memory_space<vmem>>, vector<1x16xf32>,
        %swap3A_554 = vector.shape_cast %swap3A_553 : vector<1x16xf32> to vector<16xf32>
        %swap3A_555 = vector.shape_cast %add3A_550 : vector<16xf32> to vector<1x16xf32>
        tpu.vector_store %arg6[%swap3A_551, %swap3A_552], %swap3A_555 {strides = array<i32>} : memref<32x256xf32, #tpu.memory_space<vmem>>, vector<1x16xf32>,
        %get3A_556 = arith.index_cast %scan3A_401 : i32 to index
        %get3A_557 = arith.constant 224 : index
        %get3A_558 = tpu.vector_load %arg6[%get3A_556, %get3A_557] {strides = array<i32>} : memref<32x256xf32, #tpu.memory_space<vmem>>, vector<1x16xf32>,
        %get3A_559 = vector.shape_cast %get3A_558 : vector<1x16xf32> to vector<16xf32>
        %add3A_560 = arith.addf %scan3A_416, %get3A_559 : vector<16xf32>
        %swap3A_561 = arith.index_cast %scan3A_401 : i32 to index
        %swap3A_562 = arith.constant 224 : index
        %swap3A_563 = tpu.vector_load %arg6[%swap3A_561, %swap3A_562] {strides = array<i32>} : memref<32x256xf32, #tpu.memory_space<vmem>>, vector<1x16xf32>,
        %swap3A_564 = vector.shape_cast %swap3A_563 : vector<1x16xf32> to vector<16xf32>
        %swap3A_565 = vector.shape_cast %add3A_560 : vector<16xf32> to vector<1x16xf32>
        tpu.vector_store %arg6[%swap3A_561, %swap3A_562], %swap3A_565 {strides = array<i32>} : memref<32x256xf32, #tpu.memory_space<vmem>>, vector<1x16xf32>,
        %get3A_566 = arith.index_cast %scan3A_401 : i32 to index
        %get3A_567 = arith.constant 240 : index
        %get3A_568 = tpu.vector_load %arg6[%get3A_566, %get3A_567] {strides = array<i32>} : memref<32x256xf32, #tpu.memory_space<vmem>>, vector<1x16xf32>,
        %get3A_569 = vector.shape_cast %get3A_568 : vector<1x16xf32> to vector<16xf32>
        %add3A_570 = arith.addf %scan3A_417, %get3A_569 : vector<16xf32>
        %swap3A_571 = arith.index_cast %scan3A_401 : i32 to index
        %swap3A_572 = arith.constant 240 : index
        %swap3A_573 = tpu.vector_load %arg6[%swap3A_571, %swap3A_572] {strides = array<i32>} : memref<32x256xf32, #tpu.memory_space<vmem>>, vector<1x16xf32>,
        %swap3A_574 = vector.shape_cast %swap3A_573 : vector<1x16xf32> to vector<16xf32>
        %swap3A_575 = vector.shape_cast %add3A_570 : vector<16xf32> to vector<1x16xf32>
        tpu.vector_store %arg6[%swap3A_571, %swap3A_572], %swap3A_575 {strides = array<i32>} : memref<32x256xf32, #tpu.memory_space<vmem>>, vector<1x16xf32>,
        scf.yield %add3A_421, %add3A_430, %add3A_440, %add3A_450, %add3A_460, %add3A_470, %add3A_480, %add3A_490, %add3A_500, %add3A_510, %add3A_520, %add3A_530, %add3A_540, %add3A_550, %add3A_560, %add3A_570 : vector<16xf32>, vector<16xf32>, vector<16xf32>, vector<16xf32>, vector<16xf32>, vector<16xf32>, vector<16xf32>, vector<16xf32>, vector<16xf32>, vector<16xf32>, vector<16xf32>, vector<16xf32>, vector<16xf32>, vector<16xf32>, vector<16xf32>, vector<16xf32>
      }
      %scan3A_224 = arith.constant 32 : i32
      %mul3A_225 = arith.constant 32 : i32
      %mul3A_226 = arith.muli %add3A_200, %mul3A_225 : i32
      %dma_start3A_227 = tpu.memref_slice %arg3[%select_n3A, %mul3A_226, %mul3A_32] : memref<4x4096x2048xf32, #tpu.memory_space<hbm>> -> memref<1x32x256xf32, #tpu.memory_space<hbm>>
      %dma_start3A_228 = tpu.memref_squeeze %dma_start3A_227 : memref<1x32x256xf32, #tpu.memory_space<hbm>> -> memref<32x256xf32, #tpu.memory_space<hbm>>
      %dma_start3A_229 = tpu.memref_slice %arg3[%select_n3A, %mul3A_226, %mul3A_32] : memref<4x4096x2048xf32, #tpu.memory_space<hbm>> -> memref<1x32x256xf32, #tpu.memory_space<hbm>>
      %dma_start3A_230 = tpu.memref_squeeze %dma_start3A_229 : memref<1x32x256xf32, #tpu.memory_space<hbm>> -> memref<32x256xf32, #tpu.memory_space<hbm>>
      tpu.enqueue_dma source(%arg6 : memref<32x256xf32, #tpu.memory_space<vmem>>) target(%dma_start3A_230 : memref<32x256xf32, #tpu.memory_space<hbm>>) target_semaphore(%arg22 : memref<!tpu.dma_semaphore, #tpu.memory_space<semaphore_mem>>)
      %mul3A_231 = arith.constant 8 : i32
      %mul3A_232 = arith.muli %scan3A_115, %mul3A_231 : i32
      %add3A_233 = arith.constant 3 : i32
      %add3A_234 = arith.addi %mul3A_232, %add3A_233 : i32
      %ge3A_235 = arith.constant 3 : i32
      %ge3A_236 = arith.cmpi sge, %add3A_234, %ge3A_235 : i32
      %convert_element_type3A_237 = arith.extui %ge3A_236 : i1 to i32
      %cond3A_238 = arith.constant 0 : i32
      %cond3A_239 = arith.cmpi ne, %convert_element_type3A_237, %cond3A_238 : i32
      scf.if %cond3A_239 {
        %sub3A_401 = arith.constant 3 : i32
        %sub3A_402 = arith.subi %add3A_234, %sub3A_401 : i32
        %mul3A_403 = arith.constant 32 : i32
        %mul3A_404 = arith.muli %sub3A_402, %mul3A_403 : i32
        %dma_wait3A_405 = tpu.memref_slice %arg3[%select_n3A, %mul3A_404, %mul3A_32] : memref<4x4096x2048xf32, #tpu.memory_space<hbm>> -> memref<1x32x256xf32, #tpu.memory_space<hbm>>
        %dma_wait3A_406 = tpu.memref_squeeze %dma_wait3A_405 : memref<1x32x256xf32, #tpu.memory_space<hbm>> -> memref<32x256xf32, #tpu.memory_space<hbm>>
        %dma_wait3A_407 = tpu.memref_slice %arg3[%select_n3A, %mul3A_404, %mul3A_32] : memref<4x4096x2048xf32, #tpu.memory_space<hbm>> -> memref<1x32x256xf32, #tpu.memory_space<hbm>>
        %dma_wait3A_408 = tpu.memref_squeeze %dma_wait3A_407 : memref<1x32x256xf32, #tpu.memory_space<hbm>> -> memref<32x256xf32, #tpu.memory_space<hbm>>
        tpu.wait_dma2 semaphore(%arg20 : memref<!tpu.dma_semaphore, #tpu.memory_space<semaphore_mem>>) src(%arg4 : memref<32x256xf32, #tpu.memory_space<vmem>>) dst(%dma_wait3A_408 : memref<32x256xf32, #tpu.memory_space<hbm>>)
      } else {
      }
      %add3A_240 = arith.constant 5 : i32
      %add3A_241 = arith.addi %add3A_234, %add3A_240 : i32
      %lt3A_242 = arith.constant 128 : i32
      %lt3A_243 = arith.cmpi slt, %add3A_241, %lt3A_242 : i32
      %convert_element_type3A_244 = arith.extui %lt3A_243 : i1 to i32
      %cond3A_245 = arith.constant 0 : i32
      %cond3A_246 = arith.cmpi ne, %convert_element_type3A_244, %cond3A_245 : i32
      scf.if %cond3A_246 {
        %add3A_401 = arith.constant 5 : i32
        %add3A_402 = arith.addi %add3A_234, %add3A_401 : i32
        %mul3A_403 = arith.constant 32 : i32
        %mul3A_404 = arith.muli %add3A_402, %mul3A_403 : i32
        %dma_start3A_405 = tpu.memref_slice %arg2[%select_n3A, %mul3A_404, %mul3A_32] : memref<4x4096x2048xf32, #tpu.memory_space<hbm>> -> memref<1x32x256xf32, #tpu.memory_space<hbm>>
        %dma_start3A_406 = tpu.memref_squeeze %dma_start3A_405 : memref<1x32x256xf32, #tpu.memory_space<hbm>> -> memref<32x256xf32, #tpu.memory_space<hbm>>
        %dma_start3A_407 = tpu.memref_slice %arg2[%select_n3A, %mul3A_404, %mul3A_32] : memref<4x4096x2048xf32, #tpu.memory_space<hbm>> -> memref<1x32x256xf32, #tpu.memory_space<hbm>>
        %dma_start3A_408 = tpu.memref_squeeze %dma_start3A_407 : memref<1x32x256xf32, #tpu.memory_space<hbm>> -> memref<32x256xf32, #tpu.memory_space<hbm>>
        tpu.enqueue_dma source(%dma_start3A_408 : memref<32x256xf32, #tpu.memory_space<hbm>>) target(%arg4 : memref<32x256xf32, #tpu.memory_space<vmem>>) target_semaphore(%arg12 : memref<!tpu.dma_semaphore, #tpu.memory_space<semaphore_mem>>)
      } else {
      }
      %mul3A_247 = arith.constant 32 : i32
      %mul3A_248 = arith.muli %add3A_234, %mul3A_247 : i32
      %dma_wait3A_249 = tpu.memref_slice %arg2[%select_n3A, %mul3A_248, %mul3A_32] : memref<4x4096x2048xf32, #tpu.memory_space<hbm>> -> memref<1x32x256xf32, #tpu.memory_space<hbm>>
      %dma_wait3A_250 = tpu.memref_squeeze %dma_wait3A_249 : memref<1x32x256xf32, #tpu.memory_space<hbm>> -> memref<32x256xf32, #tpu.memory_space<hbm>>
      %dma_wait3A_251 = tpu.memref_slice %arg2[%select_n3A, %mul3A_248, %mul3A_32] : memref<4x4096x2048xf32, #tpu.memory_space<hbm>> -> memref<1x32x256xf32, #tpu.memory_space<hbm>>
      %dma_wait3A_252 = tpu.memref_squeeze %dma_wait3A_251 : memref<1x32x256xf32, #tpu.memory_space<hbm>> -> memref<32x256xf32, #tpu.memory_space<hbm>>
      tpu.wait_dma2 semaphore(%arg15 : memref<!tpu.dma_semaphore, #tpu.memory_space<semaphore_mem>>) src(%dma_wait3A_252 : memref<32x256xf32, #tpu.memory_space<hbm>>) dst(%arg7 : memref<32x256xf32, #tpu.memory_space<vmem>>)
      %scan3A_253 = arith.constant 0 : i32
      %scan3A_254 = arith.constant 32 : i32
      %scan3A_255 = arith.addi %scan3A_253, %scan3A_254 : i32
      %scan3A_256 = arith.constant 1 : i32
      %scan3A_257:16 = scf.for %scan3A_401 = %scan3A_253 to %scan3A_255 step %scan3A_256 iter_args(%scan3A_402 = %scan3A_223#0, %scan3A_403 = %scan3A_223#1, %scan3A_404 = %scan3A_223#2, %scan3A_405 = %scan3A_223#3, %scan3A_406 = %scan3A_223#4, %scan3A_407 = %scan3A_223#5, %scan3A_408 = %scan3A_223#6, %scan3A_409 = %scan3A_223#7, %scan3A_410 = %scan3A_223#8, %scan3A_411 = %scan3A_223#9, %scan3A_412 = %scan3A_223#10, %scan3A_413 = %scan3A_223#11, %scan3A_414 = %scan3A_223#12, %scan3A_415 = %scan3A_223#13, %scan3A_416 = %scan3A_223#14, %scan3A_417 = %scan3A_223#15) -> (vector<16xf32>, vector<16xf32>, vector<16xf32>, vector<16xf32>, vector<16xf32>, vector<16xf32>, vector<16xf32>, vector<16xf32>, vector<16xf32>, vector<16xf32>, vector<16xf32>, vector<16xf32>, vector<16xf32>, vector<16xf32>, vector<16xf32>, vector<16xf32>)  : i32 {
        %get3A = arith.index_cast %scan3A_401 : i32 to index
        %get3A_418 = arith.constant 0 : index
        %get3A_419 = tpu.vector_load %arg7[%get3A, %get3A_418] {strides = array<i32>} : memref<32x256xf32, #tpu.memory_space<vmem>>, vector<1x16xf32>,
        %get3A_420 = vector.shape_cast %get3A_419 : vector<1x16xf32> to vector<16xf32>
        %add3A_421 = arith.addf %scan3A_402, %get3A_420 : vector<16xf32>
        %swap3A = arith.index_cast %scan3A_401 : i32 to index
        %swap3A_422 = arith.constant 0 : index
        %swap3A_423 = tpu.vector_load %arg7[%swap3A, %swap3A_422] {strides = array<i32>} : memref<32x256xf32, #tpu.memory_space<vmem>>, vector<1x16xf32>,
        %swap3A_424 = vector.shape_cast %swap3A_423 : vector<1x16xf32> to vector<16xf32>
        %swap3A_425 = vector.shape_cast %add3A_421 : vector<16xf32> to vector<1x16xf32>
        tpu.vector_store %arg7[%swap3A, %swap3A_422], %swap3A_425 {strides = array<i32>} : memref<32x256xf32, #tpu.memory_space<vmem>>, vector<1x16xf32>,
        %get3A_426 = arith.index_cast %scan3A_401 : i32 to index
        %get3A_427 = arith.constant 16 : index
        %get3A_428 = tpu.vector_load %arg7[%get3A_426, %get3A_427] {strides = array<i32>} : memref<32x256xf32, #tpu.memory_space<vmem>>, vector<1x16xf32>,
        %get3A_429 = vector.shape_cast %get3A_428 : vector<1x16xf32> to vector<16xf32>
        %add3A_430 = arith.addf %scan3A_403, %get3A_429 : vector<16xf32>
        %swap3A_431 = arith.index_cast %scan3A_401 : i32 to index
        %swap3A_432 = arith.constant 16 : index
        %swap3A_433 = tpu.vector_load %arg7[%swap3A_431, %swap3A_432] {strides = array<i32>} : memref<32x256xf32, #tpu.memory_space<vmem>>, vector<1x16xf32>,
        %swap3A_434 = vector.shape_cast %swap3A_433 : vector<1x16xf32> to vector<16xf32>
        %swap3A_435 = vector.shape_cast %add3A_430 : vector<16xf32> to vector<1x16xf32>
        tpu.vector_store %arg7[%swap3A_431, %swap3A_432], %swap3A_435 {strides = array<i32>} : memref<32x256xf32, #tpu.memory_space<vmem>>, vector<1x16xf32>,
        %get3A_436 = arith.index_cast %scan3A_401 : i32 to index
        %get3A_437 = arith.constant 32 : index
        %get3A_438 = tpu.vector_load %arg7[%get3A_436, %get3A_437] {strides = array<i32>} : memref<32x256xf32, #tpu.memory_space<vmem>>, vector<1x16xf32>,
        %get3A_439 = vector.shape_cast %get3A_438 : vector<1x16xf32> to vector<16xf32>
        %add3A_440 = arith.addf %scan3A_404, %get3A_439 : vector<16xf32>
        %swap3A_441 = arith.index_cast %scan3A_401 : i32 to index
        %swap3A_442 = arith.constant 32 : index
        %swap3A_443 = tpu.vector_load %arg7[%swap3A_441, %swap3A_442] {strides = array<i32>} : memref<32x256xf32, #tpu.memory_space<vmem>>, vector<1x16xf32>,
        %swap3A_444 = vector.shape_cast %swap3A_443 : vector<1x16xf32> to vector<16xf32>
        %swap3A_445 = vector.shape_cast %add3A_440 : vector<16xf32> to vector<1x16xf32>
        tpu.vector_store %arg7[%swap3A_441, %swap3A_442], %swap3A_445 {strides = array<i32>} : memref<32x256xf32, #tpu.memory_space<vmem>>, vector<1x16xf32>,
        %get3A_446 = arith.index_cast %scan3A_401 : i32 to index
        %get3A_447 = arith.constant 48 : index
        %get3A_448 = tpu.vector_load %arg7[%get3A_446, %get3A_447] {strides = array<i32>} : memref<32x256xf32, #tpu.memory_space<vmem>>, vector<1x16xf32>,
        %get3A_449 = vector.shape_cast %get3A_448 : vector<1x16xf32> to vector<16xf32>
        %add3A_450 = arith.addf %scan3A_405, %get3A_449 : vector<16xf32>
        %swap3A_451 = arith.index_cast %scan3A_401 : i32 to index
        %swap3A_452 = arith.constant 48 : index
        %swap3A_453 = tpu.vector_load %arg7[%swap3A_451, %swap3A_452] {strides = array<i32>} : memref<32x256xf32, #tpu.memory_space<vmem>>, vector<1x16xf32>,
        %swap3A_454 = vector.shape_cast %swap3A_453 : vector<1x16xf32> to vector<16xf32>
        %swap3A_455 = vector.shape_cast %add3A_450 : vector<16xf32> to vector<1x16xf32>
        tpu.vector_store %arg7[%swap3A_451, %swap3A_452], %swap3A_455 {strides = array<i32>} : memref<32x256xf32, #tpu.memory_space<vmem>>, vector<1x16xf32>,
        %get3A_456 = arith.index_cast %scan3A_401 : i32 to index
        %get3A_457 = arith.constant 64 : index
        %get3A_458 = tpu.vector_load %arg7[%get3A_456, %get3A_457] {strides = array<i32>} : memref<32x256xf32, #tpu.memory_space<vmem>>, vector<1x16xf32>,
        %get3A_459 = vector.shape_cast %get3A_458 : vector<1x16xf32> to vector<16xf32>
        %add3A_460 = arith.addf %scan3A_406, %get3A_459 : vector<16xf32>
        %swap3A_461 = arith.index_cast %scan3A_401 : i32 to index
        %swap3A_462 = arith.constant 64 : index
        %swap3A_463 = tpu.vector_load %arg7[%swap3A_461, %swap3A_462] {strides = array<i32>} : memref<32x256xf32, #tpu.memory_space<vmem>>, vector<1x16xf32>,
        %swap3A_464 = vector.shape_cast %swap3A_463 : vector<1x16xf32> to vector<16xf32>
        %swap3A_465 = vector.shape_cast %add3A_460 : vector<16xf32> to vector<1x16xf32>
        tpu.vector_store %arg7[%swap3A_461, %swap3A_462], %swap3A_465 {strides = array<i32>} : memref<32x256xf32, #tpu.memory_space<vmem>>, vector<1x16xf32>,
        %get3A_466 = arith.index_cast %scan3A_401 : i32 to index
        %get3A_467 = arith.constant 80 : index
        %get3A_468 = tpu.vector_load %arg7[%get3A_466, %get3A_467] {strides = array<i32>} : memref<32x256xf32, #tpu.memory_space<vmem>>, vector<1x16xf32>,
        %get3A_469 = vector.shape_cast %get3A_468 : vector<1x16xf32> to vector<16xf32>
        %add3A_470 = arith.addf %scan3A_407, %get3A_469 : vector<16xf32>
        %swap3A_471 = arith.index_cast %scan3A_401 : i32 to index
        %swap3A_472 = arith.constant 80 : index
        %swap3A_473 = tpu.vector_load %arg7[%swap3A_471, %swap3A_472] {strides = array<i32>} : memref<32x256xf32, #tpu.memory_space<vmem>>, vector<1x16xf32>,
        %swap3A_474 = vector.shape_cast %swap3A_473 : vector<1x16xf32> to vector<16xf32>
        %swap3A_475 = vector.shape_cast %add3A_470 : vector<16xf32> to vector<1x16xf32>
        tpu.vector_store %arg7[%swap3A_471, %swap3A_472], %swap3A_475 {strides = array<i32>} : memref<32x256xf32, #tpu.memory_space<vmem>>, vector<1x16xf32>,
        %get3A_476 = arith.index_cast %scan3A_401 : i32 to index
        %get3A_477 = arith.constant 96 : index
        %get3A_478 = tpu.vector_load %arg7[%get3A_476, %get3A_477] {strides = array<i32>} : memref<32x256xf32, #tpu.memory_space<vmem>>, vector<1x16xf32>,
        %get3A_479 = vector.shape_cast %get3A_478 : vector<1x16xf32> to vector<16xf32>
        %add3A_480 = arith.addf %scan3A_408, %get3A_479 : vector<16xf32>
        %swap3A_481 = arith.index_cast %scan3A_401 : i32 to index
        %swap3A_482 = arith.constant 96 : index
        %swap3A_483 = tpu.vector_load %arg7[%swap3A_481, %swap3A_482] {strides = array<i32>} : memref<32x256xf32, #tpu.memory_space<vmem>>, vector<1x16xf32>,
        %swap3A_484 = vector.shape_cast %swap3A_483 : vector<1x16xf32> to vector<16xf32>
        %swap3A_485 = vector.shape_cast %add3A_480 : vector<16xf32> to vector<1x16xf32>
        tpu.vector_store %arg7[%swap3A_481, %swap3A_482], %swap3A_485 {strides = array<i32>} : memref<32x256xf32, #tpu.memory_space<vmem>>, vector<1x16xf32>,
        %get3A_486 = arith.index_cast %scan3A_401 : i32 to index
        %get3A_487 = arith.constant 112 : index
        %get3A_488 = tpu.vector_load %arg7[%get3A_486, %get3A_487] {strides = array<i32>} : memref<32x256xf32, #tpu.memory_space<vmem>>, vector<1x16xf32>,
        %get3A_489 = vector.shape_cast %get3A_488 : vector<1x16xf32> to vector<16xf32>
        %add3A_490 = arith.addf %scan3A_409, %get3A_489 : vector<16xf32>
        %swap3A_491 = arith.index_cast %scan3A_401 : i32 to index
        %swap3A_492 = arith.constant 112 : index
        %swap3A_493 = tpu.vector_load %arg7[%swap3A_491, %swap3A_492] {strides = array<i32>} : memref<32x256xf32, #tpu.memory_space<vmem>>, vector<1x16xf32>,
        %swap3A_494 = vector.shape_cast %swap3A_493 : vector<1x16xf32> to vector<16xf32>
        %swap3A_495 = vector.shape_cast %add3A_490 : vector<16xf32> to vector<1x16xf32>
        tpu.vector_store %arg7[%swap3A_491, %swap3A_492], %swap3A_495 {strides = array<i32>} : memref<32x256xf32, #tpu.memory_space<vmem>>, vector<1x16xf32>,
        %get3A_496 = arith.index_cast %scan3A_401 : i32 to index
        %get3A_497 = arith.constant 128 : index
        %get3A_498 = tpu.vector_load %arg7[%get3A_496, %get3A_497] {strides = array<i32>} : memref<32x256xf32, #tpu.memory_space<vmem>>, vector<1x16xf32>,
        %get3A_499 = vector.shape_cast %get3A_498 : vector<1x16xf32> to vector<16xf32>
        %add3A_500 = arith.addf %scan3A_410, %get3A_499 : vector<16xf32>
        %swap3A_501 = arith.index_cast %scan3A_401 : i32 to index
        %swap3A_502 = arith.constant 128 : index
        %swap3A_503 = tpu.vector_load %arg7[%swap3A_501, %swap3A_502] {strides = array<i32>} : memref<32x256xf32, #tpu.memory_space<vmem>>, vector<1x16xf32>,
        %swap3A_504 = vector.shape_cast %swap3A_503 : vector<1x16xf32> to vector<16xf32>
        %swap3A_505 = vector.shape_cast %add3A_500 : vector<16xf32> to vector<1x16xf32>
        tpu.vector_store %arg7[%swap3A_501, %swap3A_502], %swap3A_505 {strides = array<i32>} : memref<32x256xf32, #tpu.memory_space<vmem>>, vector<1x16xf32>,
        %get3A_506 = arith.index_cast %scan3A_401 : i32 to index
        %get3A_507 = arith.constant 144 : index
        %get3A_508 = tpu.vector_load %arg7[%get3A_506, %get3A_507] {strides = array<i32>} : memref<32x256xf32, #tpu.memory_space<vmem>>, vector<1x16xf32>,
        %get3A_509 = vector.shape_cast %get3A_508 : vector<1x16xf32> to vector<16xf32>
        %add3A_510 = arith.addf %scan3A_411, %get3A_509 : vector<16xf32>
        %swap3A_511 = arith.index_cast %scan3A_401 : i32 to index
        %swap3A_512 = arith.constant 144 : index
        %swap3A_513 = tpu.vector_load %arg7[%swap3A_511, %swap3A_512] {strides = array<i32>} : memref<32x256xf32, #tpu.memory_space<vmem>>, vector<1x16xf32>,
        %swap3A_514 = vector.shape_cast %swap3A_513 : vector<1x16xf32> to vector<16xf32>
        %swap3A_515 = vector.shape_cast %add3A_510 : vector<16xf32> to vector<1x16xf32>
        tpu.vector_store %arg7[%swap3A_511, %swap3A_512], %swap3A_515 {strides = array<i32>} : memref<32x256xf32, #tpu.memory_space<vmem>>, vector<1x16xf32>,
        %get3A_516 = arith.index_cast %scan3A_401 : i32 to index
        %get3A_517 = arith.constant 160 : index
        %get3A_518 = tpu.vector_load %arg7[%get3A_516, %get3A_517] {strides = array<i32>} : memref<32x256xf32, #tpu.memory_space<vmem>>, vector<1x16xf32>,
        %get3A_519 = vector.shape_cast %get3A_518 : vector<1x16xf32> to vector<16xf32>
        %add3A_520 = arith.addf %scan3A_412, %get3A_519 : vector<16xf32>
        %swap3A_521 = arith.index_cast %scan3A_401 : i32 to index
        %swap3A_522 = arith.constant 160 : index
        %swap3A_523 = tpu.vector_load %arg7[%swap3A_521, %swap3A_522] {strides = array<i32>} : memref<32x256xf32, #tpu.memory_space<vmem>>, vector<1x16xf32>,
        %swap3A_524 = vector.shape_cast %swap3A_523 : vector<1x16xf32> to vector<16xf32>
        %swap3A_525 = vector.shape_cast %add3A_520 : vector<16xf32> to vector<1x16xf32>
        tpu.vector_store %arg7[%swap3A_521, %swap3A_522], %swap3A_525 {strides = array<i32>} : memref<32x256xf32, #tpu.memory_space<vmem>>, vector<1x16xf32>,
        %get3A_526 = arith.index_cast %scan3A_401 : i32 to index
        %get3A_527 = arith.constant 176 : index
        %get3A_528 = tpu.vector_load %arg7[%get3A_526, %get3A_527] {strides = array<i32>} : memref<32x256xf32, #tpu.memory_space<vmem>>, vector<1x16xf32>,
        %get3A_529 = vector.shape_cast %get3A_528 : vector<1x16xf32> to vector<16xf32>
        %add3A_530 = arith.addf %scan3A_413, %get3A_529 : vector<16xf32>
        %swap3A_531 = arith.index_cast %scan3A_401 : i32 to index
        %swap3A_532 = arith.constant 176 : index
        %swap3A_533 = tpu.vector_load %arg7[%swap3A_531, %swap3A_532] {strides = array<i32>} : memref<32x256xf32, #tpu.memory_space<vmem>>, vector<1x16xf32>,
        %swap3A_534 = vector.shape_cast %swap3A_533 : vector<1x16xf32> to vector<16xf32>
        %swap3A_535 = vector.shape_cast %add3A_530 : vector<16xf32> to vector<1x16xf32>
        tpu.vector_store %arg7[%swap3A_531, %swap3A_532], %swap3A_535 {strides = array<i32>} : memref<32x256xf32, #tpu.memory_space<vmem>>, vector<1x16xf32>,
        %get3A_536 = arith.index_cast %scan3A_401 : i32 to index
        %get3A_537 = arith.constant 192 : index
        %get3A_538 = tpu.vector_load %arg7[%get3A_536, %get3A_537] {strides = array<i32>} : memref<32x256xf32, #tpu.memory_space<vmem>>, vector<1x16xf32>,
        %get3A_539 = vector.shape_cast %get3A_538 : vector<1x16xf32> to vector<16xf32>
        %add3A_540 = arith.addf %scan3A_414, %get3A_539 : vector<16xf32>
        %swap3A_541 = arith.index_cast %scan3A_401 : i32 to index
        %swap3A_542 = arith.constant 192 : index
        %swap3A_543 = tpu.vector_load %arg7[%swap3A_541, %swap3A_542] {strides = array<i32>} : memref<32x256xf32, #tpu.memory_space<vmem>>, vector<1x16xf32>,
        %swap3A_544 = vector.shape_cast %swap3A_543 : vector<1x16xf32> to vector<16xf32>
        %swap3A_545 = vector.shape_cast %add3A_540 : vector<16xf32> to vector<1x16xf32>
        tpu.vector_store %arg7[%swap3A_541, %swap3A_542], %swap3A_545 {strides = array<i32>} : memref<32x256xf32, #tpu.memory_space<vmem>>, vector<1x16xf32>,
        %get3A_546 = arith.index_cast %scan3A_401 : i32 to index
        %get3A_547 = arith.constant 208 : index
        %get3A_548 = tpu.vector_load %arg7[%get3A_546, %get3A_547] {strides = array<i32>} : memref<32x256xf32, #tpu.memory_space<vmem>>, vector<1x16xf32>,
        %get3A_549 = vector.shape_cast %get3A_548 : vector<1x16xf32> to vector<16xf32>
        %add3A_550 = arith.addf %scan3A_415, %get3A_549 : vector<16xf32>
        %swap3A_551 = arith.index_cast %scan3A_401 : i32 to index
        %swap3A_552 = arith.constant 208 : index
        %swap3A_553 = tpu.vector_load %arg7[%swap3A_551, %swap3A_552] {strides = array<i32>} : memref<32x256xf32, #tpu.memory_space<vmem>>, vector<1x16xf32>,
        %swap3A_554 = vector.shape_cast %swap3A_553 : vector<1x16xf32> to vector<16xf32>
        %swap3A_555 = vector.shape_cast %add3A_550 : vector<16xf32> to vector<1x16xf32>
        tpu.vector_store %arg7[%swap3A_551, %swap3A_552], %swap3A_555 {strides = array<i32>} : memref<32x256xf32, #tpu.memory_space<vmem>>, vector<1x16xf32>,
        %get3A_556 = arith.index_cast %scan3A_401 : i32 to index
        %get3A_557 = arith.constant 224 : index
        %get3A_558 = tpu.vector_load %arg7[%get3A_556, %get3A_557] {strides = array<i32>} : memref<32x256xf32, #tpu.memory_space<vmem>>, vector<1x16xf32>,
        %get3A_559 = vector.shape_cast %get3A_558 : vector<1x16xf32> to vector<16xf32>
        %add3A_560 = arith.addf %scan3A_416, %get3A_559 : vector<16xf32>
        %swap3A_561 = arith.index_cast %scan3A_401 : i32 to index
        %swap3A_562 = arith.constant 224 : index
        %swap3A_563 = tpu.vector_load %arg7[%swap3A_561, %swap3A_562] {strides = array<i32>} : memref<32x256xf32, #tpu.memory_space<vmem>>, vector<1x16xf32>,
        %swap3A_564 = vector.shape_cast %swap3A_563 : vector<1x16xf32> to vector<16xf32>
        %swap3A_565 = vector.shape_cast %add3A_560 : vector<16xf32> to vector<1x16xf32>
        tpu.vector_store %arg7[%swap3A_561, %swap3A_562], %swap3A_565 {strides = array<i32>} : memref<32x256xf32, #tpu.memory_space<vmem>>, vector<1x16xf32>,
        %get3A_566 = arith.index_cast %scan3A_401 : i32 to index
        %get3A_567 = arith.constant 240 : index
        %get3A_568 = tpu.vector_load %arg7[%get3A_566, %get3A_567] {strides = array<i32>} : memref<32x256xf32, #tpu.memory_space<vmem>>, vector<1x16xf32>,
        %get3A_569 = vector.shape_cast %get3A_568 : vector<1x16xf32> to vector<16xf32>
        %add3A_570 = arith.addf %scan3A_417, %get3A_569 : vector<16xf32>
        %swap3A_571 = arith.index_cast %scan3A_401 : i32 to index
        %swap3A_572 = arith.constant 240 : index
        %swap3A_573 = tpu.vector_load %arg7[%swap3A_571, %swap3A_572] {strides = array<i32>} : memref<32x256xf32, #tpu.memory_space<vmem>>, vector<1x16xf32>,
        %swap3A_574 = vector.shape_cast %swap3A_573 : vector<1x16xf32> to vector<16xf32>
        %swap3A_575 = vector.shape_cast %add3A_570 : vector<16xf32> to vector<1x16xf32>
        tpu.vector_store %arg7[%swap3A_571, %swap3A_572], %swap3A_575 {strides = array<i32>} : memref<32x256xf32, #tpu.memory_space<vmem>>, vector<1x16xf32>,
        scf.yield %add3A_421, %add3A_430, %add3A_440, %add3A_450, %add3A_460, %add3A_470, %add3A_480, %add3A_490, %add3A_500, %add3A_510, %add3A_520, %add3A_530, %add3A_540, %add3A_550, %add3A_560, %add3A_570 : vector<16xf32>, vector<16xf32>, vector<16xf32>, vector<16xf32>, vector<16xf32>, vector<16xf32>, vector<16xf32>, vector<16xf32>, vector<16xf32>, vector<16xf32>, vector<16xf32>, vector<16xf32>, vector<16xf32>, vector<16xf32>, vector<16xf32>, vector<16xf32>
      }
      %scan3A_258 = arith.constant 32 : i32
      %mul3A_259 = arith.constant 32 : i32
      %mul3A_260 = arith.muli %add3A_234, %mul3A_259 : i32
      %dma_start3A_261 = tpu.memref_slice %arg3[%select_n3A, %mul3A_260, %mul3A_32] : memref<4x4096x2048xf32, #tpu.memory_space<hbm>> -> memref<1x32x256xf32, #tpu.memory_space<hbm>>
      %dma_start3A_262 = tpu.memref_squeeze %dma_start3A_261 : memref<1x32x256xf32, #tpu.memory_space<hbm>> -> memref<32x256xf32, #tpu.memory_space<hbm>>
      %dma_start3A_263 = tpu.memref_slice %arg3[%select_n3A, %mul3A_260, %mul3A_32] : memref<4x4096x2048xf32, #tpu.memory_space<hbm>> -> memref<1x32x256xf32, #tpu.memory_space<hbm>>
      %dma_start3A_264 = tpu.memref_squeeze %dma_start3A_263 : memref<1x32x256xf32, #tpu.memory_space<hbm>> -> memref<32x256xf32, #tpu.memory_space<hbm>>
      tpu.enqueue_dma source(%arg7 : memref<32x256xf32, #tpu.memory_space<vmem>>) target(%dma_start3A_264 : memref<32x256xf32, #tpu.memory_space<hbm>>) target_semaphore(%arg23 : memref<!tpu.dma_semaphore, #tpu.memory_space<semaphore_mem>>)
      %mul3A_265 = arith.constant 8 : i32
      %mul3A_266 = arith.muli %scan3A_115, %mul3A_265 : i32
      %add3A_267 = arith.constant 4 : i32
      %add3A_268 = arith.addi %mul3A_266, %add3A_267 : i32
      %ge3A_269 = arith.constant 3 : i32
      %ge3A_270 = arith.cmpi sge, %add3A_268, %ge3A_269 : i32
      %convert_element_type3A_271 = arith.extui %ge3A_270 : i1 to i32
      %cond3A_272 = arith.constant 0 : i32
      %cond3A_273 = arith.cmpi ne, %convert_element_type3A_271, %cond3A_272 : i32
      scf.if %cond3A_273 {
        %sub3A_401 = arith.constant 3 : i32
        %sub3A_402 = arith.subi %add3A_268, %sub3A_401 : i32
        %mul3A_403 = arith.constant 32 : i32
        %mul3A_404 = arith.muli %sub3A_402, %mul3A_403 : i32
        %dma_wait3A_405 = tpu.memref_slice %arg3[%select_n3A, %mul3A_404, %mul3A_32] : memref<4x4096x2048xf32, #tpu.memory_space<hbm>> -> memref<1x32x256xf32, #tpu.memory_space<hbm>>
        %dma_wait3A_406 = tpu.memref_squeeze %dma_wait3A_405 : memref<1x32x256xf32, #tpu.memory_space<hbm>> -> memref<32x256xf32, #tpu.memory_space<hbm>>
        %dma_wait3A_407 = tpu.memref_slice %arg3[%select_n3A, %mul3A_404, %mul3A_32] : memref<4x4096x2048xf32, #tpu.memory_space<hbm>> -> memref<1x32x256xf32, #tpu.memory_space<hbm>>
        %dma_wait3A_408 = tpu.memref_squeeze %dma_wait3A_407 : memref<1x32x256xf32, #tpu.memory_space<hbm>> -> memref<32x256xf32, #tpu.memory_space<hbm>>
        tpu.wait_dma2 semaphore(%arg21 : memref<!tpu.dma_semaphore, #tpu.memory_space<semaphore_mem>>) src(%arg5 : memref<32x256xf32, #tpu.memory_space<vmem>>) dst(%dma_wait3A_408 : memref<32x256xf32, #tpu.memory_space<hbm>>)
      } else {
      }
      %add3A_274 = arith.constant 5 : i32
      %add3A_275 = arith.addi %add3A_268, %add3A_274 : i32
      %lt3A_276 = arith.constant 128 : i32
      %lt3A_277 = arith.cmpi slt, %add3A_275, %lt3A_276 : i32
      %convert_element_type3A_278 = arith.extui %lt3A_277 : i1 to i32
      %cond3A_279 = arith.constant 0 : i32
      %cond3A_280 = arith.cmpi ne, %convert_element_type3A_278, %cond3A_279 : i32
      scf.if %cond3A_280 {
        %add3A_401 = arith.constant 5 : i32
        %add3A_402 = arith.addi %add3A_268, %add3A_401 : i32
        %mul3A_403 = arith.constant 32 : i32
        %mul3A_404 = arith.muli %add3A_402, %mul3A_403 : i32
        %dma_start3A_405 = tpu.memref_slice %arg2[%select_n3A, %mul3A_404, %mul3A_32] : memref<4x4096x2048xf32, #tpu.memory_space<hbm>> -> memref<1x32x256xf32, #tpu.memory_space<hbm>>
        %dma_start3A_406 = tpu.memref_squeeze %dma_start3A_405 : memref<1x32x256xf32, #tpu.memory_space<hbm>> -> memref<32x256xf32, #tpu.memory_space<hbm>>
        %dma_start3A_407 = tpu.memref_slice %arg2[%select_n3A, %mul3A_404, %mul3A_32] : memref<4x4096x2048xf32, #tpu.memory_space<hbm>> -> memref<1x32x256xf32, #tpu.memory_space<hbm>>
        %dma_start3A_408 = tpu.memref_squeeze %dma_start3A_407 : memref<1x32x256xf32, #tpu.memory_space<hbm>> -> memref<32x256xf32, #tpu.memory_space<hbm>>
        tpu.enqueue_dma source(%dma_start3A_408 : memref<32x256xf32, #tpu.memory_space<hbm>>) target(%arg5 : memref<32x256xf32, #tpu.memory_space<vmem>>) target_semaphore(%arg13 : memref<!tpu.dma_semaphore, #tpu.memory_space<semaphore_mem>>)
      } else {
      }
      %mul3A_281 = arith.constant 32 : i32
      %mul3A_282 = arith.muli %add3A_268, %mul3A_281 : i32
      %dma_wait3A_283 = tpu.memref_slice %arg2[%select_n3A, %mul3A_282, %mul3A_32] : memref<4x4096x2048xf32, #tpu.memory_space<hbm>> -> memref<1x32x256xf32, #tpu.memory_space<hbm>>
      %dma_wait3A_284 = tpu.memref_squeeze %dma_wait3A_283 : memref<1x32x256xf32, #tpu.memory_space<hbm>> -> memref<32x256xf32, #tpu.memory_space<hbm>>
      %dma_wait3A_285 = tpu.memref_slice %arg2[%select_n3A, %mul3A_282, %mul3A_32] : memref<4x4096x2048xf32, #tpu.memory_space<hbm>> -> memref<1x32x256xf32, #tpu.memory_space<hbm>>
      %dma_wait3A_286 = tpu.memref_squeeze %dma_wait3A_285 : memref<1x32x256xf32, #tpu.memory_space<hbm>> -> memref<32x256xf32, #tpu.memory_space<hbm>>
      tpu.wait_dma2 semaphore(%arg16 : memref<!tpu.dma_semaphore, #tpu.memory_space<semaphore_mem>>) src(%dma_wait3A_286 : memref<32x256xf32, #tpu.memory_space<hbm>>) dst(%arg8 : memref<32x256xf32, #tpu.memory_space<vmem>>)
      %scan3A_287 = arith.constant 0 : i32
      %scan3A_288 = arith.constant 32 : i32
      %scan3A_289 = arith.addi %scan3A_287, %scan3A_288 : i32
      %scan3A_290 = arith.constant 1 : i32
      %scan3A_291:16 = scf.for %scan3A_401 = %scan3A_287 to %scan3A_289 step %scan3A_290 iter_args(%scan3A_402 = %scan3A_257#0, %scan3A_403 = %scan3A_257#1, %scan3A_404 = %scan3A_257#2, %scan3A_405 = %scan3A_257#3, %scan3A_406 = %scan3A_257#4, %scan3A_407 = %scan3A_257#5, %scan3A_408 = %scan3A_257#6, %scan3A_409 = %scan3A_257#7, %scan3A_410 = %scan3A_257#8, %scan3A_411 = %scan3A_257#9, %scan3A_412 = %scan3A_257#10, %scan3A_413 = %scan3A_257#11, %scan3A_414 = %scan3A_257#12, %scan3A_415 = %scan3A_257#13, %scan3A_416 = %scan3A_257#14, %scan3A_417 = %scan3A_257#15) -> (vector<16xf32>, vector<16xf32>, vector<16xf32>, vector<16xf32>, vector<16xf32>, vector<16xf32>, vector<16xf32>, vector<16xf32>, vector<16xf32>, vector<16xf32>, vector<16xf32>, vector<16xf32>, vector<16xf32>, vector<16xf32>, vector<16xf32>, vector<16xf32>)  : i32 {
        %get3A = arith.index_cast %scan3A_401 : i32 to index
        %get3A_418 = arith.constant 0 : index
        %get3A_419 = tpu.vector_load %arg8[%get3A, %get3A_418] {strides = array<i32>} : memref<32x256xf32, #tpu.memory_space<vmem>>, vector<1x16xf32>,
        %get3A_420 = vector.shape_cast %get3A_419 : vector<1x16xf32> to vector<16xf32>
        %add3A_421 = arith.addf %scan3A_402, %get3A_420 : vector<16xf32>
        %swap3A = arith.index_cast %scan3A_401 : i32 to index
        %swap3A_422 = arith.constant 0 : index
        %swap3A_423 = tpu.vector_load %arg8[%swap3A, %swap3A_422] {strides = array<i32>} : memref<32x256xf32, #tpu.memory_space<vmem>>, vector<1x16xf32>,
        %swap3A_424 = vector.shape_cast %swap3A_423 : vector<1x16xf32> to vector<16xf32>
        %swap3A_425 = vector.shape_cast %add3A_421 : vector<16xf32> to vector<1x16xf32>
        tpu.vector_store %arg8[%swap3A, %swap3A_422], %swap3A_425 {strides = array<i32>} : memref<32x256xf32, #tpu.memory_space<vmem>>, vector<1x16xf32>,
        %get3A_426 = arith.index_cast %scan3A_401 : i32 to index
        %get3A_427 = arith.constant 16 : index
        %get3A_428 = tpu.vector_load %arg8[%get3A_426, %get3A_427] {strides = array<i32>} : memref<32x256xf32, #tpu.memory_space<vmem>>, vector<1x16xf32>,
        %get3A_429 = vector.shape_cast %get3A_428 : vector<1x16xf32> to vector<16xf32>
        %add3A_430 = arith.addf %scan3A_403, %get3A_429 : vector<16xf32>
        %swap3A_431 = arith.index_cast %scan3A_401 : i32 to index
        %swap3A_432 = arith.constant 16 : index
        %swap3A_433 = tpu.vector_load %arg8[%swap3A_431, %swap3A_432] {strides = array<i32>} : memref<32x256xf32, #tpu.memory_space<vmem>>, vector<1x16xf32>,
        %swap3A_434 = vector.shape_cast %swap3A_433 : vector<1x16xf32> to vector<16xf32>
        %swap3A_435 = vector.shape_cast %add3A_430 : vector<16xf32> to vector<1x16xf32>
        tpu.vector_store %arg8[%swap3A_431, %swap3A_432], %swap3A_435 {strides = array<i32>} : memref<32x256xf32, #tpu.memory_space<vmem>>, vector<1x16xf32>,
        %get3A_436 = arith.index_cast %scan3A_401 : i32 to index
        %get3A_437 = arith.constant 32 : index
        %get3A_438 = tpu.vector_load %arg8[%get3A_436, %get3A_437] {strides = array<i32>} : memref<32x256xf32, #tpu.memory_space<vmem>>, vector<1x16xf32>,
        %get3A_439 = vector.shape_cast %get3A_438 : vector<1x16xf32> to vector<16xf32>
        %add3A_440 = arith.addf %scan3A_404, %get3A_439 : vector<16xf32>
        %swap3A_441 = arith.index_cast %scan3A_401 : i32 to index
        %swap3A_442 = arith.constant 32 : index
        %swap3A_443 = tpu.vector_load %arg8[%swap3A_441, %swap3A_442] {strides = array<i32>} : memref<32x256xf32, #tpu.memory_space<vmem>>, vector<1x16xf32>,
        %swap3A_444 = vector.shape_cast %swap3A_443 : vector<1x16xf32> to vector<16xf32>
        %swap3A_445 = vector.shape_cast %add3A_440 : vector<16xf32> to vector<1x16xf32>
        tpu.vector_store %arg8[%swap3A_441, %swap3A_442], %swap3A_445 {strides = array<i32>} : memref<32x256xf32, #tpu.memory_space<vmem>>, vector<1x16xf32>,
        %get3A_446 = arith.index_cast %scan3A_401 : i32 to index
        %get3A_447 = arith.constant 48 : index
        %get3A_448 = tpu.vector_load %arg8[%get3A_446, %get3A_447] {strides = array<i32>} : memref<32x256xf32, #tpu.memory_space<vmem>>, vector<1x16xf32>,
        %get3A_449 = vector.shape_cast %get3A_448 : vector<1x16xf32> to vector<16xf32>
        %add3A_450 = arith.addf %scan3A_405, %get3A_449 : vector<16xf32>
        %swap3A_451 = arith.index_cast %scan3A_401 : i32 to index
        %swap3A_452 = arith.constant 48 : index
        %swap3A_453 = tpu.vector_load %arg8[%swap3A_451, %swap3A_452] {strides = array<i32>} : memref<32x256xf32, #tpu.memory_space<vmem>>, vector<1x16xf32>,
        %swap3A_454 = vector.shape_cast %swap3A_453 : vector<1x16xf32> to vector<16xf32>
        %swap3A_455 = vector.shape_cast %add3A_450 : vector<16xf32> to vector<1x16xf32>
        tpu.vector_store %arg8[%swap3A_451, %swap3A_452], %swap3A_455 {strides = array<i32>} : memref<32x256xf32, #tpu.memory_space<vmem>>, vector<1x16xf32>,
        %get3A_456 = arith.index_cast %scan3A_401 : i32 to index
        %get3A_457 = arith.constant 64 : index
        %get3A_458 = tpu.vector_load %arg8[%get3A_456, %get3A_457] {strides = array<i32>} : memref<32x256xf32, #tpu.memory_space<vmem>>, vector<1x16xf32>,
        %get3A_459 = vector.shape_cast %get3A_458 : vector<1x16xf32> to vector<16xf32>
        %add3A_460 = arith.addf %scan3A_406, %get3A_459 : vector<16xf32>
        %swap3A_461 = arith.index_cast %scan3A_401 : i32 to index
        %swap3A_462 = arith.constant 64 : index
        %swap3A_463 = tpu.vector_load %arg8[%swap3A_461, %swap3A_462] {strides = array<i32>} : memref<32x256xf32, #tpu.memory_space<vmem>>, vector<1x16xf32>,
        %swap3A_464 = vector.shape_cast %swap3A_463 : vector<1x16xf32> to vector<16xf32>
        %swap3A_465 = vector.shape_cast %add3A_460 : vector<16xf32> to vector<1x16xf32>
        tpu.vector_store %arg8[%swap3A_461, %swap3A_462], %swap3A_465 {strides = array<i32>} : memref<32x256xf32, #tpu.memory_space<vmem>>, vector<1x16xf32>,
        %get3A_466 = arith.index_cast %scan3A_401 : i32 to index
        %get3A_467 = arith.constant 80 : index
        %get3A_468 = tpu.vector_load %arg8[%get3A_466, %get3A_467] {strides = array<i32>} : memref<32x256xf32, #tpu.memory_space<vmem>>, vector<1x16xf32>,
        %get3A_469 = vector.shape_cast %get3A_468 : vector<1x16xf32> to vector<16xf32>
        %add3A_470 = arith.addf %scan3A_407, %get3A_469 : vector<16xf32>
        %swap3A_471 = arith.index_cast %scan3A_401 : i32 to index
        %swap3A_472 = arith.constant 80 : index
        %swap3A_473 = tpu.vector_load %arg8[%swap3A_471, %swap3A_472] {strides = array<i32>} : memref<32x256xf32, #tpu.memory_space<vmem>>, vector<1x16xf32>,
        %swap3A_474 = vector.shape_cast %swap3A_473 : vector<1x16xf32> to vector<16xf32>
        %swap3A_475 = vector.shape_cast %add3A_470 : vector<16xf32> to vector<1x16xf32>
        tpu.vector_store %arg8[%swap3A_471, %swap3A_472], %swap3A_475 {strides = array<i32>} : memref<32x256xf32, #tpu.memory_space<vmem>>, vector<1x16xf32>,
        %get3A_476 = arith.index_cast %scan3A_401 : i32 to index
        %get3A_477 = arith.constant 96 : index
        %get3A_478 = tpu.vector_load %arg8[%get3A_476, %get3A_477] {strides = array<i32>} : memref<32x256xf32, #tpu.memory_space<vmem>>, vector<1x16xf32>,
        %get3A_479 = vector.shape_cast %get3A_478 : vector<1x16xf32> to vector<16xf32>
        %add3A_480 = arith.addf %scan3A_408, %get3A_479 : vector<16xf32>
        %swap3A_481 = arith.index_cast %scan3A_401 : i32 to index
        %swap3A_482 = arith.constant 96 : index
        %swap3A_483 = tpu.vector_load %arg8[%swap3A_481, %swap3A_482] {strides = array<i32>} : memref<32x256xf32, #tpu.memory_space<vmem>>, vector<1x16xf32>,
        %swap3A_484 = vector.shape_cast %swap3A_483 : vector<1x16xf32> to vector<16xf32>
        %swap3A_485 = vector.shape_cast %add3A_480 : vector<16xf32> to vector<1x16xf32>
        tpu.vector_store %arg8[%swap3A_481, %swap3A_482], %swap3A_485 {strides = array<i32>} : memref<32x256xf32, #tpu.memory_space<vmem>>, vector<1x16xf32>,
        %get3A_486 = arith.index_cast %scan3A_401 : i32 to index
        %get3A_487 = arith.constant 112 : index
        %get3A_488 = tpu.vector_load %arg8[%get3A_486, %get3A_487] {strides = array<i32>} : memref<32x256xf32, #tpu.memory_space<vmem>>, vector<1x16xf32>,
        %get3A_489 = vector.shape_cast %get3A_488 : vector<1x16xf32> to vector<16xf32>
        %add3A_490 = arith.addf %scan3A_409, %get3A_489 : vector<16xf32>
        %swap3A_491 = arith.index_cast %scan3A_401 : i32 to index
        %swap3A_492 = arith.constant 112 : index
        %swap3A_493 = tpu.vector_load %arg8[%swap3A_491, %swap3A_492] {strides = array<i32>} : memref<32x256xf32, #tpu.memory_space<vmem>>, vector<1x16xf32>,
        %swap3A_494 = vector.shape_cast %swap3A_493 : vector<1x16xf32> to vector<16xf32>
        %swap3A_495 = vector.shape_cast %add3A_490 : vector<16xf32> to vector<1x16xf32>
        tpu.vector_store %arg8[%swap3A_491, %swap3A_492], %swap3A_495 {strides = array<i32>} : memref<32x256xf32, #tpu.memory_space<vmem>>, vector<1x16xf32>,
        %get3A_496 = arith.index_cast %scan3A_401 : i32 to index
        %get3A_497 = arith.constant 128 : index
        %get3A_498 = tpu.vector_load %arg8[%get3A_496, %get3A_497] {strides = array<i32>} : memref<32x256xf32, #tpu.memory_space<vmem>>, vector<1x16xf32>,
        %get3A_499 = vector.shape_cast %get3A_498 : vector<1x16xf32> to vector<16xf32>
        %add3A_500 = arith.addf %scan3A_410, %get3A_499 : vector<16xf32>
        %swap3A_501 = arith.index_cast %scan3A_401 : i32 to index
        %swap3A_502 = arith.constant 128 : index
        %swap3A_503 = tpu.vector_load %arg8[%swap3A_501, %swap3A_502] {strides = array<i32>} : memref<32x256xf32, #tpu.memory_space<vmem>>, vector<1x16xf32>,
        %swap3A_504 = vector.shape_cast %swap3A_503 : vector<1x16xf32> to vector<16xf32>
        %swap3A_505 = vector.shape_cast %add3A_500 : vector<16xf32> to vector<1x16xf32>
        tpu.vector_store %arg8[%swap3A_501, %swap3A_502], %swap3A_505 {strides = array<i32>} : memref<32x256xf32, #tpu.memory_space<vmem>>, vector<1x16xf32>,
        %get3A_506 = arith.index_cast %scan3A_401 : i32 to index
        %get3A_507 = arith.constant 144 : index
        %get3A_508 = tpu.vector_load %arg8[%get3A_506, %get3A_507] {strides = array<i32>} : memref<32x256xf32, #tpu.memory_space<vmem>>, vector<1x16xf32>,
        %get3A_509 = vector.shape_cast %get3A_508 : vector<1x16xf32> to vector<16xf32>
        %add3A_510 = arith.addf %scan3A_411, %get3A_509 : vector<16xf32>
        %swap3A_511 = arith.index_cast %scan3A_401 : i32 to index
        %swap3A_512 = arith.constant 144 : index
        %swap3A_513 = tpu.vector_load %arg8[%swap3A_511, %swap3A_512] {strides = array<i32>} : memref<32x256xf32, #tpu.memory_space<vmem>>, vector<1x16xf32>,
        %swap3A_514 = vector.shape_cast %swap3A_513 : vector<1x16xf32> to vector<16xf32>
        %swap3A_515 = vector.shape_cast %add3A_510 : vector<16xf32> to vector<1x16xf32>
        tpu.vector_store %arg8[%swap3A_511, %swap3A_512], %swap3A_515 {strides = array<i32>} : memref<32x256xf32, #tpu.memory_space<vmem>>, vector<1x16xf32>,
        %get3A_516 = arith.index_cast %scan3A_401 : i32 to index
        %get3A_517 = arith.constant 160 : index
        %get3A_518 = tpu.vector_load %arg8[%get3A_516, %get3A_517] {strides = array<i32>} : memref<32x256xf32, #tpu.memory_space<vmem>>, vector<1x16xf32>,
        %get3A_519 = vector.shape_cast %get3A_518 : vector<1x16xf32> to vector<16xf32>
        %add3A_520 = arith.addf %scan3A_412, %get3A_519 : vector<16xf32>
        %swap3A_521 = arith.index_cast %scan3A_401 : i32 to index
        %swap3A_522 = arith.constant 160 : index
        %swap3A_523 = tpu.vector_load %arg8[%swap3A_521, %swap3A_522] {strides = array<i32>} : memref<32x256xf32, #tpu.memory_space<vmem>>, vector<1x16xf32>,
        %swap3A_524 = vector.shape_cast %swap3A_523 : vector<1x16xf32> to vector<16xf32>
        %swap3A_525 = vector.shape_cast %add3A_520 : vector<16xf32> to vector<1x16xf32>
        tpu.vector_store %arg8[%swap3A_521, %swap3A_522], %swap3A_525 {strides = array<i32>} : memref<32x256xf32, #tpu.memory_space<vmem>>, vector<1x16xf32>,
        %get3A_526 = arith.index_cast %scan3A_401 : i32 to index
        %get3A_527 = arith.constant 176 : index
        %get3A_528 = tpu.vector_load %arg8[%get3A_526, %get3A_527] {strides = array<i32>} : memref<32x256xf32, #tpu.memory_space<vmem>>, vector<1x16xf32>,
        %get3A_529 = vector.shape_cast %get3A_528 : vector<1x16xf32> to vector<16xf32>
        %add3A_530 = arith.addf %scan3A_413, %get3A_529 : vector<16xf32>
        %swap3A_531 = arith.index_cast %scan3A_401 : i32 to index
        %swap3A_532 = arith.constant 176 : index
        %swap3A_533 = tpu.vector_load %arg8[%swap3A_531, %swap3A_532] {strides = array<i32>} : memref<32x256xf32, #tpu.memory_space<vmem>>, vector<1x16xf32>,
        %swap3A_534 = vector.shape_cast %swap3A_533 : vector<1x16xf32> to vector<16xf32>
        %swap3A_535 = vector.shape_cast %add3A_530 : vector<16xf32> to vector<1x16xf32>
        tpu.vector_store %arg8[%swap3A_531, %swap3A_532], %swap3A_535 {strides = array<i32>} : memref<32x256xf32, #tpu.memory_space<vmem>>, vector<1x16xf32>,
        %get3A_536 = arith.index_cast %scan3A_401 : i32 to index
        %get3A_537 = arith.constant 192 : index
        %get3A_538 = tpu.vector_load %arg8[%get3A_536, %get3A_537] {strides = array<i32>} : memref<32x256xf32, #tpu.memory_space<vmem>>, vector<1x16xf32>,
        %get3A_539 = vector.shape_cast %get3A_538 : vector<1x16xf32> to vector<16xf32>
        %add3A_540 = arith.addf %scan3A_414, %get3A_539 : vector<16xf32>
        %swap3A_541 = arith.index_cast %scan3A_401 : i32 to index
        %swap3A_542 = arith.constant 192 : index
        %swap3A_543 = tpu.vector_load %arg8[%swap3A_541, %swap3A_542] {strides = array<i32>} : memref<32x256xf32, #tpu.memory_space<vmem>>, vector<1x16xf32>,
        %swap3A_544 = vector.shape_cast %swap3A_543 : vector<1x16xf32> to vector<16xf32>
        %swap3A_545 = vector.shape_cast %add3A_540 : vector<16xf32> to vector<1x16xf32>
        tpu.vector_store %arg8[%swap3A_541, %swap3A_542], %swap3A_545 {strides = array<i32>} : memref<32x256xf32, #tpu.memory_space<vmem>>, vector<1x16xf32>,
        %get3A_546 = arith.index_cast %scan3A_401 : i32 to index
        %get3A_547 = arith.constant 208 : index
        %get3A_548 = tpu.vector_load %arg8[%get3A_546, %get3A_547] {strides = array<i32>} : memref<32x256xf32, #tpu.memory_space<vmem>>, vector<1x16xf32>,
        %get3A_549 = vector.shape_cast %get3A_548 : vector<1x16xf32> to vector<16xf32>
        %add3A_550 = arith.addf %scan3A_415, %get3A_549 : vector<16xf32>
        %swap3A_551 = arith.index_cast %scan3A_401 : i32 to index
        %swap3A_552 = arith.constant 208 : index
        %swap3A_553 = tpu.vector_load %arg8[%swap3A_551, %swap3A_552] {strides = array<i32>} : memref<32x256xf32, #tpu.memory_space<vmem>>, vector<1x16xf32>,
        %swap3A_554 = vector.shape_cast %swap3A_553 : vector<1x16xf32> to vector<16xf32>
        %swap3A_555 = vector.shape_cast %add3A_550 : vector<16xf32> to vector<1x16xf32>
        tpu.vector_store %arg8[%swap3A_551, %swap3A_552], %swap3A_555 {strides = array<i32>} : memref<32x256xf32, #tpu.memory_space<vmem>>, vector<1x16xf32>,
        %get3A_556 = arith.index_cast %scan3A_401 : i32 to index
        %get3A_557 = arith.constant 224 : index
        %get3A_558 = tpu.vector_load %arg8[%get3A_556, %get3A_557] {strides = array<i32>} : memref<32x256xf32, #tpu.memory_space<vmem>>, vector<1x16xf32>,
        %get3A_559 = vector.shape_cast %get3A_558 : vector<1x16xf32> to vector<16xf32>
        %add3A_560 = arith.addf %scan3A_416, %get3A_559 : vector<16xf32>
        %swap3A_561 = arith.index_cast %scan3A_401 : i32 to index
        %swap3A_562 = arith.constant 224 : index
        %swap3A_563 = tpu.vector_load %arg8[%swap3A_561, %swap3A_562] {strides = array<i32>} : memref<32x256xf32, #tpu.memory_space<vmem>>, vector<1x16xf32>,
        %swap3A_564 = vector.shape_cast %swap3A_563 : vector<1x16xf32> to vector<16xf32>
        %swap3A_565 = vector.shape_cast %add3A_560 : vector<16xf32> to vector<1x16xf32>
        tpu.vector_store %arg8[%swap3A_561, %swap3A_562], %swap3A_565 {strides = array<i32>} : memref<32x256xf32, #tpu.memory_space<vmem>>, vector<1x16xf32>,
        %get3A_566 = arith.index_cast %scan3A_401 : i32 to index
        %get3A_567 = arith.constant 240 : index
        %get3A_568 = tpu.vector_load %arg8[%get3A_566, %get3A_567] {strides = array<i32>} : memref<32x256xf32, #tpu.memory_space<vmem>>, vector<1x16xf32>,
        %get3A_569 = vector.shape_cast %get3A_568 : vector<1x16xf32> to vector<16xf32>
        %add3A_570 = arith.addf %scan3A_417, %get3A_569 : vector<16xf32>
        %swap3A_571 = arith.index_cast %scan3A_401 : i32 to index
        %swap3A_572 = arith.constant 240 : index
        %swap3A_573 = tpu.vector_load %arg8[%swap3A_571, %swap3A_572] {strides = array<i32>} : memref<32x256xf32, #tpu.memory_space<vmem>>, vector<1x16xf32>,
        %swap3A_574 = vector.shape_cast %swap3A_573 : vector<1x16xf32> to vector<16xf32>
        %swap3A_575 = vector.shape_cast %add3A_570 : vector<16xf32> to vector<1x16xf32>
        tpu.vector_store %arg8[%swap3A_571, %swap3A_572], %swap3A_575 {strides = array<i32>} : memref<32x256xf32, #tpu.memory_space<vmem>>, vector<1x16xf32>,
        scf.yield %add3A_421, %add3A_430, %add3A_440, %add3A_450, %add3A_460, %add3A_470, %add3A_480, %add3A_490, %add3A_500, %add3A_510, %add3A_520, %add3A_530, %add3A_540, %add3A_550, %add3A_560, %add3A_570 : vector<16xf32>, vector<16xf32>, vector<16xf32>, vector<16xf32>, vector<16xf32>, vector<16xf32>, vector<16xf32>, vector<16xf32>, vector<16xf32>, vector<16xf32>, vector<16xf32>, vector<16xf32>, vector<16xf32>, vector<16xf32>, vector<16xf32>, vector<16xf32>
      }
      %scan3A_292 = arith.constant 32 : i32
      %mul3A_293 = arith.constant 32 : i32
      %mul3A_294 = arith.muli %add3A_268, %mul3A_293 : i32
      %dma_start3A_295 = tpu.memref_slice %arg3[%select_n3A, %mul3A_294, %mul3A_32] : memref<4x4096x2048xf32, #tpu.memory_space<hbm>> -> memref<1x32x256xf32, #tpu.memory_space<hbm>>
      %dma_start3A_296 = tpu.memref_squeeze %dma_start3A_295 : memref<1x32x256xf32, #tpu.memory_space<hbm>> -> memref<32x256xf32, #tpu.memory_space<hbm>>
      %dma_start3A_297 = tpu.memref_slice %arg3[%select_n3A, %mul3A_294, %mul3A_32] : memref<4x4096x2048xf32, #tpu.memory_space<hbm>> -> memref<1x32x256xf32, #tpu.memory_space<hbm>>
      %dma_start3A_298 = tpu.memref_squeeze %dma_start3A_297 : memref<1x32x256xf32, #tpu.memory_space<hbm>> -> memref<32x256xf32, #tpu.memory_space<hbm>>
      tpu.enqueue_dma source(%arg8 : memref<32x256xf32, #tpu.memory_space<vmem>>) target(%dma_start3A_298 : memref<32x256xf32, #tpu.memory_space<hbm>>) target_semaphore(%arg24 : memref<!tpu.dma_semaphore, #tpu.memory_space<semaphore_mem>>)
      %mul3A_299 = arith.constant 8 : i32
      %mul3A_300 = arith.muli %scan3A_115, %mul3A_299 : i32
      %add3A_301 = arith.constant 5 : i32
      %add3A_302 = arith.addi %mul3A_300, %add3A_301 : i32
      %ge3A_303 = arith.constant 3 : i32
      %ge3A_304 = arith.cmpi sge, %add3A_302, %ge3A_303 : i32
      %convert_element_type3A_305 = arith.extui %ge3A_304 : i1 to i32
      %cond3A_306 = arith.constant 0 : i32
      %cond3A_307 = arith.cmpi ne, %convert_element_type3A_305, %cond3A_306 : i32
      scf.if %cond3A_307 {
        %sub3A_401 = arith.constant 3 : i32
        %sub3A_402 = arith.subi %add3A_302, %sub3A_401 : i32
        %mul3A_403 = arith.constant 32 : i32
        %mul3A_404 = arith.muli %sub3A_402, %mul3A_403 : i32
        %dma_wait3A_405 = tpu.memref_slice %arg3[%select_n3A, %mul3A_404, %mul3A_32] : memref<4x4096x2048xf32, #tpu.memory_space<hbm>> -> memref<1x32x256xf32, #tpu.memory_space<hbm>>
        %dma_wait3A_406 = tpu.memref_squeeze %dma_wait3A_405 : memref<1x32x256xf32, #tpu.memory_space<hbm>> -> memref<32x256xf32, #tpu.memory_space<hbm>>
        %dma_wait3A_407 = tpu.memref_slice %arg3[%select_n3A, %mul3A_404, %mul3A_32] : memref<4x4096x2048xf32, #tpu.memory_space<hbm>> -> memref<1x32x256xf32, #tpu.memory_space<hbm>>
        %dma_wait3A_408 = tpu.memref_squeeze %dma_wait3A_407 : memref<1x32x256xf32, #tpu.memory_space<hbm>> -> memref<32x256xf32, #tpu.memory_space<hbm>>
        tpu.wait_dma2 semaphore(%arg22 : memref<!tpu.dma_semaphore, #tpu.memory_space<semaphore_mem>>) src(%arg6 : memref<32x256xf32, #tpu.memory_space<vmem>>) dst(%dma_wait3A_408 : memref<32x256xf32, #tpu.memory_space<hbm>>)
      } else {
      }
      %add3A_308 = arith.constant 5 : i32
      %add3A_309 = arith.addi %add3A_302, %add3A_308 : i32
      %lt3A_310 = arith.constant 128 : i32
      %lt3A_311 = arith.cmpi slt, %add3A_309, %lt3A_310 : i32
      %convert_element_type3A_312 = arith.extui %lt3A_311 : i1 to i32
      %cond3A_313 = arith.constant 0 : i32
      %cond3A_314 = arith.cmpi ne, %convert_element_type3A_312, %cond3A_313 : i32
      scf.if %cond3A_314 {
        %add3A_401 = arith.constant 5 : i32
        %add3A_402 = arith.addi %add3A_302, %add3A_401 : i32
        %mul3A_403 = arith.constant 32 : i32
        %mul3A_404 = arith.muli %add3A_402, %mul3A_403 : i32
        %dma_start3A_405 = tpu.memref_slice %arg2[%select_n3A, %mul3A_404, %mul3A_32] : memref<4x4096x2048xf32, #tpu.memory_space<hbm>> -> memref<1x32x256xf32, #tpu.memory_space<hbm>>
        %dma_start3A_406 = tpu.memref_squeeze %dma_start3A_405 : memref<1x32x256xf32, #tpu.memory_space<hbm>> -> memref<32x256xf32, #tpu.memory_space<hbm>>
        %dma_start3A_407 = tpu.memref_slice %arg2[%select_n3A, %mul3A_404, %mul3A_32] : memref<4x4096x2048xf32, #tpu.memory_space<hbm>> -> memref<1x32x256xf32, #tpu.memory_space<hbm>>
        %dma_start3A_408 = tpu.memref_squeeze %dma_start3A_407 : memref<1x32x256xf32, #tpu.memory_space<hbm>> -> memref<32x256xf32, #tpu.memory_space<hbm>>
        tpu.enqueue_dma source(%dma_start3A_408 : memref<32x256xf32, #tpu.memory_space<hbm>>) target(%arg6 : memref<32x256xf32, #tpu.memory_space<vmem>>) target_semaphore(%arg14 : memref<!tpu.dma_semaphore, #tpu.memory_space<semaphore_mem>>)
      } else {
      }
      %mul3A_315 = arith.constant 32 : i32
      %mul3A_316 = arith.muli %add3A_302, %mul3A_315 : i32
      %dma_wait3A_317 = tpu.memref_slice %arg2[%select_n3A, %mul3A_316, %mul3A_32] : memref<4x4096x2048xf32, #tpu.memory_space<hbm>> -> memref<1x32x256xf32, #tpu.memory_space<hbm>>
      %dma_wait3A_318 = tpu.memref_squeeze %dma_wait3A_317 : memref<1x32x256xf32, #tpu.memory_space<hbm>> -> memref<32x256xf32, #tpu.memory_space<hbm>>
      %dma_wait3A_319 = tpu.memref_slice %arg2[%select_n3A, %mul3A_316, %mul3A_32] : memref<4x4096x2048xf32, #tpu.memory_space<hbm>> -> memref<1x32x256xf32, #tpu.memory_space<hbm>>
      %dma_wait3A_320 = tpu.memref_squeeze %dma_wait3A_319 : memref<1x32x256xf32, #tpu.memory_space<hbm>> -> memref<32x256xf32, #tpu.memory_space<hbm>>
      tpu.wait_dma2 semaphore(%arg17 : memref<!tpu.dma_semaphore, #tpu.memory_space<semaphore_mem>>) src(%dma_wait3A_320 : memref<32x256xf32, #tpu.memory_space<hbm>>) dst(%arg9 : memref<32x256xf32, #tpu.memory_space<vmem>>)
      %scan3A_321 = arith.constant 0 : i32
      %scan3A_322 = arith.constant 32 : i32
      %scan3A_323 = arith.addi %scan3A_321, %scan3A_322 : i32
      %scan3A_324 = arith.constant 1 : i32
      %scan3A_325:16 = scf.for %scan3A_401 = %scan3A_321 to %scan3A_323 step %scan3A_324 iter_args(%scan3A_402 = %scan3A_291#0, %scan3A_403 = %scan3A_291#1, %scan3A_404 = %scan3A_291#2, %scan3A_405 = %scan3A_291#3, %scan3A_406 = %scan3A_291#4, %scan3A_407 = %scan3A_291#5, %scan3A_408 = %scan3A_291#6, %scan3A_409 = %scan3A_291#7, %scan3A_410 = %scan3A_291#8, %scan3A_411 = %scan3A_291#9, %scan3A_412 = %scan3A_291#10, %scan3A_413 = %scan3A_291#11, %scan3A_414 = %scan3A_291#12, %scan3A_415 = %scan3A_291#13, %scan3A_416 = %scan3A_291#14, %scan3A_417 = %scan3A_291#15) -> (vector<16xf32>, vector<16xf32>, vector<16xf32>, vector<16xf32>, vector<16xf32>, vector<16xf32>, vector<16xf32>, vector<16xf32>, vector<16xf32>, vector<16xf32>, vector<16xf32>, vector<16xf32>, vector<16xf32>, vector<16xf32>, vector<16xf32>, vector<16xf32>)  : i32 {
        %get3A = arith.index_cast %scan3A_401 : i32 to index
        %get3A_418 = arith.constant 0 : index
        %get3A_419 = tpu.vector_load %arg9[%get3A, %get3A_418] {strides = array<i32>} : memref<32x256xf32, #tpu.memory_space<vmem>>, vector<1x16xf32>,
        %get3A_420 = vector.shape_cast %get3A_419 : vector<1x16xf32> to vector<16xf32>
        %add3A_421 = arith.addf %scan3A_402, %get3A_420 : vector<16xf32>
        %swap3A = arith.index_cast %scan3A_401 : i32 to index
        %swap3A_422 = arith.constant 0 : index
        %swap3A_423 = tpu.vector_load %arg9[%swap3A, %swap3A_422] {strides = array<i32>} : memref<32x256xf32, #tpu.memory_space<vmem>>, vector<1x16xf32>,
        %swap3A_424 = vector.shape_cast %swap3A_423 : vector<1x16xf32> to vector<16xf32>
        %swap3A_425 = vector.shape_cast %add3A_421 : vector<16xf32> to vector<1x16xf32>
        tpu.vector_store %arg9[%swap3A, %swap3A_422], %swap3A_425 {strides = array<i32>} : memref<32x256xf32, #tpu.memory_space<vmem>>, vector<1x16xf32>,
        %get3A_426 = arith.index_cast %scan3A_401 : i32 to index
        %get3A_427 = arith.constant 16 : index
        %get3A_428 = tpu.vector_load %arg9[%get3A_426, %get3A_427] {strides = array<i32>} : memref<32x256xf32, #tpu.memory_space<vmem>>, vector<1x16xf32>,
        %get3A_429 = vector.shape_cast %get3A_428 : vector<1x16xf32> to vector<16xf32>
        %add3A_430 = arith.addf %scan3A_403, %get3A_429 : vector<16xf32>
        %swap3A_431 = arith.index_cast %scan3A_401 : i32 to index
        %swap3A_432 = arith.constant 16 : index
        %swap3A_433 = tpu.vector_load %arg9[%swap3A_431, %swap3A_432] {strides = array<i32>} : memref<32x256xf32, #tpu.memory_space<vmem>>, vector<1x16xf32>,
        %swap3A_434 = vector.shape_cast %swap3A_433 : vector<1x16xf32> to vector<16xf32>
        %swap3A_435 = vector.shape_cast %add3A_430 : vector<16xf32> to vector<1x16xf32>
        tpu.vector_store %arg9[%swap3A_431, %swap3A_432], %swap3A_435 {strides = array<i32>} : memref<32x256xf32, #tpu.memory_space<vmem>>, vector<1x16xf32>,
        %get3A_436 = arith.index_cast %scan3A_401 : i32 to index
        %get3A_437 = arith.constant 32 : index
        %get3A_438 = tpu.vector_load %arg9[%get3A_436, %get3A_437] {strides = array<i32>} : memref<32x256xf32, #tpu.memory_space<vmem>>, vector<1x16xf32>,
        %get3A_439 = vector.shape_cast %get3A_438 : vector<1x16xf32> to vector<16xf32>
        %add3A_440 = arith.addf %scan3A_404, %get3A_439 : vector<16xf32>
        %swap3A_441 = arith.index_cast %scan3A_401 : i32 to index
        %swap3A_442 = arith.constant 32 : index
        %swap3A_443 = tpu.vector_load %arg9[%swap3A_441, %swap3A_442] {strides = array<i32>} : memref<32x256xf32, #tpu.memory_space<vmem>>, vector<1x16xf32>,
        %swap3A_444 = vector.shape_cast %swap3A_443 : vector<1x16xf32> to vector<16xf32>
        %swap3A_445 = vector.shape_cast %add3A_440 : vector<16xf32> to vector<1x16xf32>
        tpu.vector_store %arg9[%swap3A_441, %swap3A_442], %swap3A_445 {strides = array<i32>} : memref<32x256xf32, #tpu.memory_space<vmem>>, vector<1x16xf32>,
        %get3A_446 = arith.index_cast %scan3A_401 : i32 to index
        %get3A_447 = arith.constant 48 : index
        %get3A_448 = tpu.vector_load %arg9[%get3A_446, %get3A_447] {strides = array<i32>} : memref<32x256xf32, #tpu.memory_space<vmem>>, vector<1x16xf32>,
        %get3A_449 = vector.shape_cast %get3A_448 : vector<1x16xf32> to vector<16xf32>
        %add3A_450 = arith.addf %scan3A_405, %get3A_449 : vector<16xf32>
        %swap3A_451 = arith.index_cast %scan3A_401 : i32 to index
        %swap3A_452 = arith.constant 48 : index
        %swap3A_453 = tpu.vector_load %arg9[%swap3A_451, %swap3A_452] {strides = array<i32>} : memref<32x256xf32, #tpu.memory_space<vmem>>, vector<1x16xf32>,
        %swap3A_454 = vector.shape_cast %swap3A_453 : vector<1x16xf32> to vector<16xf32>
        %swap3A_455 = vector.shape_cast %add3A_450 : vector<16xf32> to vector<1x16xf32>
        tpu.vector_store %arg9[%swap3A_451, %swap3A_452], %swap3A_455 {strides = array<i32>} : memref<32x256xf32, #tpu.memory_space<vmem>>, vector<1x16xf32>,
        %get3A_456 = arith.index_cast %scan3A_401 : i32 to index
        %get3A_457 = arith.constant 64 : index
        %get3A_458 = tpu.vector_load %arg9[%get3A_456, %get3A_457] {strides = array<i32>} : memref<32x256xf32, #tpu.memory_space<vmem>>, vector<1x16xf32>,
        %get3A_459 = vector.shape_cast %get3A_458 : vector<1x16xf32> to vector<16xf32>
        %add3A_460 = arith.addf %scan3A_406, %get3A_459 : vector<16xf32>
        %swap3A_461 = arith.index_cast %scan3A_401 : i32 to index
        %swap3A_462 = arith.constant 64 : index
        %swap3A_463 = tpu.vector_load %arg9[%swap3A_461, %swap3A_462] {strides = array<i32>} : memref<32x256xf32, #tpu.memory_space<vmem>>, vector<1x16xf32>,
        %swap3A_464 = vector.shape_cast %swap3A_463 : vector<1x16xf32> to vector<16xf32>
        %swap3A_465 = vector.shape_cast %add3A_460 : vector<16xf32> to vector<1x16xf32>
        tpu.vector_store %arg9[%swap3A_461, %swap3A_462], %swap3A_465 {strides = array<i32>} : memref<32x256xf32, #tpu.memory_space<vmem>>, vector<1x16xf32>,
        %get3A_466 = arith.index_cast %scan3A_401 : i32 to index
        %get3A_467 = arith.constant 80 : index
        %get3A_468 = tpu.vector_load %arg9[%get3A_466, %get3A_467] {strides = array<i32>} : memref<32x256xf32, #tpu.memory_space<vmem>>, vector<1x16xf32>,
        %get3A_469 = vector.shape_cast %get3A_468 : vector<1x16xf32> to vector<16xf32>
        %add3A_470 = arith.addf %scan3A_407, %get3A_469 : vector<16xf32>
        %swap3A_471 = arith.index_cast %scan3A_401 : i32 to index
        %swap3A_472 = arith.constant 80 : index
        %swap3A_473 = tpu.vector_load %arg9[%swap3A_471, %swap3A_472] {strides = array<i32>} : memref<32x256xf32, #tpu.memory_space<vmem>>, vector<1x16xf32>,
        %swap3A_474 = vector.shape_cast %swap3A_473 : vector<1x16xf32> to vector<16xf32>
        %swap3A_475 = vector.shape_cast %add3A_470 : vector<16xf32> to vector<1x16xf32>
        tpu.vector_store %arg9[%swap3A_471, %swap3A_472], %swap3A_475 {strides = array<i32>} : memref<32x256xf32, #tpu.memory_space<vmem>>, vector<1x16xf32>,
        %get3A_476 = arith.index_cast %scan3A_401 : i32 to index
        %get3A_477 = arith.constant 96 : index
        %get3A_478 = tpu.vector_load %arg9[%get3A_476, %get3A_477] {strides = array<i32>} : memref<32x256xf32, #tpu.memory_space<vmem>>, vector<1x16xf32>,
        %get3A_479 = vector.shape_cast %get3A_478 : vector<1x16xf32> to vector<16xf32>
        %add3A_480 = arith.addf %scan3A_408, %get3A_479 : vector<16xf32>
        %swap3A_481 = arith.index_cast %scan3A_401 : i32 to index
        %swap3A_482 = arith.constant 96 : index
        %swap3A_483 = tpu.vector_load %arg9[%swap3A_481, %swap3A_482] {strides = array<i32>} : memref<32x256xf32, #tpu.memory_space<vmem>>, vector<1x16xf32>,
        %swap3A_484 = vector.shape_cast %swap3A_483 : vector<1x16xf32> to vector<16xf32>
        %swap3A_485 = vector.shape_cast %add3A_480 : vector<16xf32> to vector<1x16xf32>
        tpu.vector_store %arg9[%swap3A_481, %swap3A_482], %swap3A_485 {strides = array<i32>} : memref<32x256xf32, #tpu.memory_space<vmem>>, vector<1x16xf32>,
        %get3A_486 = arith.index_cast %scan3A_401 : i32 to index
        %get3A_487 = arith.constant 112 : index
        %get3A_488 = tpu.vector_load %arg9[%get3A_486, %get3A_487] {strides = array<i32>} : memref<32x256xf32, #tpu.memory_space<vmem>>, vector<1x16xf32>,
        %get3A_489 = vector.shape_cast %get3A_488 : vector<1x16xf32> to vector<16xf32>
        %add3A_490 = arith.addf %scan3A_409, %get3A_489 : vector<16xf32>
        %swap3A_491 = arith.index_cast %scan3A_401 : i32 to index
        %swap3A_492 = arith.constant 112 : index
        %swap3A_493 = tpu.vector_load %arg9[%swap3A_491, %swap3A_492] {strides = array<i32>} : memref<32x256xf32, #tpu.memory_space<vmem>>, vector<1x16xf32>,
        %swap3A_494 = vector.shape_cast %swap3A_493 : vector<1x16xf32> to vector<16xf32>
        %swap3A_495 = vector.shape_cast %add3A_490 : vector<16xf32> to vector<1x16xf32>
        tpu.vector_store %arg9[%swap3A_491, %swap3A_492], %swap3A_495 {strides = array<i32>} : memref<32x256xf32, #tpu.memory_space<vmem>>, vector<1x16xf32>,
        %get3A_496 = arith.index_cast %scan3A_401 : i32 to index
        %get3A_497 = arith.constant 128 : index
        %get3A_498 = tpu.vector_load %arg9[%get3A_496, %get3A_497] {strides = array<i32>} : memref<32x256xf32, #tpu.memory_space<vmem>>, vector<1x16xf32>,
        %get3A_499 = vector.shape_cast %get3A_498 : vector<1x16xf32> to vector<16xf32>
        %add3A_500 = arith.addf %scan3A_410, %get3A_499 : vector<16xf32>
        %swap3A_501 = arith.index_cast %scan3A_401 : i32 to index
        %swap3A_502 = arith.constant 128 : index
        %swap3A_503 = tpu.vector_load %arg9[%swap3A_501, %swap3A_502] {strides = array<i32>} : memref<32x256xf32, #tpu.memory_space<vmem>>, vector<1x16xf32>,
        %swap3A_504 = vector.shape_cast %swap3A_503 : vector<1x16xf32> to vector<16xf32>
        %swap3A_505 = vector.shape_cast %add3A_500 : vector<16xf32> to vector<1x16xf32>
        tpu.vector_store %arg9[%swap3A_501, %swap3A_502], %swap3A_505 {strides = array<i32>} : memref<32x256xf32, #tpu.memory_space<vmem>>, vector<1x16xf32>,
        %get3A_506 = arith.index_cast %scan3A_401 : i32 to index
        %get3A_507 = arith.constant 144 : index
        %get3A_508 = tpu.vector_load %arg9[%get3A_506, %get3A_507] {strides = array<i32>} : memref<32x256xf32, #tpu.memory_space<vmem>>, vector<1x16xf32>,
        %get3A_509 = vector.shape_cast %get3A_508 : vector<1x16xf32> to vector<16xf32>
        %add3A_510 = arith.addf %scan3A_411, %get3A_509 : vector<16xf32>
        %swap3A_511 = arith.index_cast %scan3A_401 : i32 to index
        %swap3A_512 = arith.constant 144 : index
        %swap3A_513 = tpu.vector_load %arg9[%swap3A_511, %swap3A_512] {strides = array<i32>} : memref<32x256xf32, #tpu.memory_space<vmem>>, vector<1x16xf32>,
        %swap3A_514 = vector.shape_cast %swap3A_513 : vector<1x16xf32> to vector<16xf32>
        %swap3A_515 = vector.shape_cast %add3A_510 : vector<16xf32> to vector<1x16xf32>
        tpu.vector_store %arg9[%swap3A_511, %swap3A_512], %swap3A_515 {strides = array<i32>} : memref<32x256xf32, #tpu.memory_space<vmem>>, vector<1x16xf32>,
        %get3A_516 = arith.index_cast %scan3A_401 : i32 to index
        %get3A_517 = arith.constant 160 : index
        %get3A_518 = tpu.vector_load %arg9[%get3A_516, %get3A_517] {strides = array<i32>} : memref<32x256xf32, #tpu.memory_space<vmem>>, vector<1x16xf32>,
        %get3A_519 = vector.shape_cast %get3A_518 : vector<1x16xf32> to vector<16xf32>
        %add3A_520 = arith.addf %scan3A_412, %get3A_519 : vector<16xf32>
        %swap3A_521 = arith.index_cast %scan3A_401 : i32 to index
        %swap3A_522 = arith.constant 160 : index
        %swap3A_523 = tpu.vector_load %arg9[%swap3A_521, %swap3A_522] {strides = array<i32>} : memref<32x256xf32, #tpu.memory_space<vmem>>, vector<1x16xf32>,
        %swap3A_524 = vector.shape_cast %swap3A_523 : vector<1x16xf32> to vector<16xf32>
        %swap3A_525 = vector.shape_cast %add3A_520 : vector<16xf32> to vector<1x16xf32>
        tpu.vector_store %arg9[%swap3A_521, %swap3A_522], %swap3A_525 {strides = array<i32>} : memref<32x256xf32, #tpu.memory_space<vmem>>, vector<1x16xf32>,
        %get3A_526 = arith.index_cast %scan3A_401 : i32 to index
        %get3A_527 = arith.constant 176 : index
        %get3A_528 = tpu.vector_load %arg9[%get3A_526, %get3A_527] {strides = array<i32>} : memref<32x256xf32, #tpu.memory_space<vmem>>, vector<1x16xf32>,
        %get3A_529 = vector.shape_cast %get3A_528 : vector<1x16xf32> to vector<16xf32>
        %add3A_530 = arith.addf %scan3A_413, %get3A_529 : vector<16xf32>
        %swap3A_531 = arith.index_cast %scan3A_401 : i32 to index
        %swap3A_532 = arith.constant 176 : index
        %swap3A_533 = tpu.vector_load %arg9[%swap3A_531, %swap3A_532] {strides = array<i32>} : memref<32x256xf32, #tpu.memory_space<vmem>>, vector<1x16xf32>,
        %swap3A_534 = vector.shape_cast %swap3A_533 : vector<1x16xf32> to vector<16xf32>
        %swap3A_535 = vector.shape_cast %add3A_530 : vector<16xf32> to vector<1x16xf32>
        tpu.vector_store %arg9[%swap3A_531, %swap3A_532], %swap3A_535 {strides = array<i32>} : memref<32x256xf32, #tpu.memory_space<vmem>>, vector<1x16xf32>,
        %get3A_536 = arith.index_cast %scan3A_401 : i32 to index
        %get3A_537 = arith.constant 192 : index
        %get3A_538 = tpu.vector_load %arg9[%get3A_536, %get3A_537] {strides = array<i32>} : memref<32x256xf32, #tpu.memory_space<vmem>>, vector<1x16xf32>,
        %get3A_539 = vector.shape_cast %get3A_538 : vector<1x16xf32> to vector<16xf32>
        %add3A_540 = arith.addf %scan3A_414, %get3A_539 : vector<16xf32>
        %swap3A_541 = arith.index_cast %scan3A_401 : i32 to index
        %swap3A_542 = arith.constant 192 : index
        %swap3A_543 = tpu.vector_load %arg9[%swap3A_541, %swap3A_542] {strides = array<i32>} : memref<32x256xf32, #tpu.memory_space<vmem>>, vector<1x16xf32>,
        %swap3A_544 = vector.shape_cast %swap3A_543 : vector<1x16xf32> to vector<16xf32>
        %swap3A_545 = vector.shape_cast %add3A_540 : vector<16xf32> to vector<1x16xf32>
        tpu.vector_store %arg9[%swap3A_541, %swap3A_542], %swap3A_545 {strides = array<i32>} : memref<32x256xf32, #tpu.memory_space<vmem>>, vector<1x16xf32>,
        %get3A_546 = arith.index_cast %scan3A_401 : i32 to index
        %get3A_547 = arith.constant 208 : index
        %get3A_548 = tpu.vector_load %arg9[%get3A_546, %get3A_547] {strides = array<i32>} : memref<32x256xf32, #tpu.memory_space<vmem>>, vector<1x16xf32>,
        %get3A_549 = vector.shape_cast %get3A_548 : vector<1x16xf32> to vector<16xf32>
        %add3A_550 = arith.addf %scan3A_415, %get3A_549 : vector<16xf32>
        %swap3A_551 = arith.index_cast %scan3A_401 : i32 to index
        %swap3A_552 = arith.constant 208 : index
        %swap3A_553 = tpu.vector_load %arg9[%swap3A_551, %swap3A_552] {strides = array<i32>} : memref<32x256xf32, #tpu.memory_space<vmem>>, vector<1x16xf32>,
        %swap3A_554 = vector.shape_cast %swap3A_553 : vector<1x16xf32> to vector<16xf32>
        %swap3A_555 = vector.shape_cast %add3A_550 : vector<16xf32> to vector<1x16xf32>
        tpu.vector_store %arg9[%swap3A_551, %swap3A_552], %swap3A_555 {strides = array<i32>} : memref<32x256xf32, #tpu.memory_space<vmem>>, vector<1x16xf32>,
        %get3A_556 = arith.index_cast %scan3A_401 : i32 to index
        %get3A_557 = arith.constant 224 : index
        %get3A_558 = tpu.vector_load %arg9[%get3A_556, %get3A_557] {strides = array<i32>} : memref<32x256xf32, #tpu.memory_space<vmem>>, vector<1x16xf32>,
        %get3A_559 = vector.shape_cast %get3A_558 : vector<1x16xf32> to vector<16xf32>
        %add3A_560 = arith.addf %scan3A_416, %get3A_559 : vector<16xf32>
        %swap3A_561 = arith.index_cast %scan3A_401 : i32 to index
        %swap3A_562 = arith.constant 224 : index
        %swap3A_563 = tpu.vector_load %arg9[%swap3A_561, %swap3A_562] {strides = array<i32>} : memref<32x256xf32, #tpu.memory_space<vmem>>, vector<1x16xf32>,
        %swap3A_564 = vector.shape_cast %swap3A_563 : vector<1x16xf32> to vector<16xf32>
        %swap3A_565 = vector.shape_cast %add3A_560 : vector<16xf32> to vector<1x16xf32>
        tpu.vector_store %arg9[%swap3A_561, %swap3A_562], %swap3A_565 {strides = array<i32>} : memref<32x256xf32, #tpu.memory_space<vmem>>, vector<1x16xf32>,
        %get3A_566 = arith.index_cast %scan3A_401 : i32 to index
        %get3A_567 = arith.constant 240 : index
        %get3A_568 = tpu.vector_load %arg9[%get3A_566, %get3A_567] {strides = array<i32>} : memref<32x256xf32, #tpu.memory_space<vmem>>, vector<1x16xf32>,
        %get3A_569 = vector.shape_cast %get3A_568 : vector<1x16xf32> to vector<16xf32>
        %add3A_570 = arith.addf %scan3A_417, %get3A_569 : vector<16xf32>
        %swap3A_571 = arith.index_cast %scan3A_401 : i32 to index
        %swap3A_572 = arith.constant 240 : index
        %swap3A_573 = tpu.vector_load %arg9[%swap3A_571, %swap3A_572] {strides = array<i32>} : memref<32x256xf32, #tpu.memory_space<vmem>>, vector<1x16xf32>,
        %swap3A_574 = vector.shape_cast %swap3A_573 : vector<1x16xf32> to vector<16xf32>
        %swap3A_575 = vector.shape_cast %add3A_570 : vector<16xf32> to vector<1x16xf32>
        tpu.vector_store %arg9[%swap3A_571, %swap3A_572], %swap3A_575 {strides = array<i32>} : memref<32x256xf32, #tpu.memory_space<vmem>>, vector<1x16xf32>,
        scf.yield %add3A_421, %add3A_430, %add3A_440, %add3A_450, %add3A_460, %add3A_470, %add3A_480, %add3A_490, %add3A_500, %add3A_510, %add3A_520, %add3A_530, %add3A_540, %add3A_550, %add3A_560, %add3A_570 : vector<16xf32>, vector<16xf32>, vector<16xf32>, vector<16xf32>, vector<16xf32>, vector<16xf32>, vector<16xf32>, vector<16xf32>, vector<16xf32>, vector<16xf32>, vector<16xf32>, vector<16xf32>, vector<16xf32>, vector<16xf32>, vector<16xf32>, vector<16xf32>
      }
      %scan3A_326 = arith.constant 32 : i32
      %mul3A_327 = arith.constant 32 : i32
      %mul3A_328 = arith.muli %add3A_302, %mul3A_327 : i32
      %dma_start3A_329 = tpu.memref_slice %arg3[%select_n3A, %mul3A_328, %mul3A_32] : memref<4x4096x2048xf32, #tpu.memory_space<hbm>> -> memref<1x32x256xf32, #tpu.memory_space<hbm>>
      %dma_start3A_330 = tpu.memref_squeeze %dma_start3A_329 : memref<1x32x256xf32, #tpu.memory_space<hbm>> -> memref<32x256xf32, #tpu.memory_space<hbm>>
      %dma_start3A_331 = tpu.memref_slice %arg3[%select_n3A, %mul3A_328, %mul3A_32] : memref<4x4096x2048xf32, #tpu.memory_space<hbm>> -> memref<1x32x256xf32, #tpu.memory_space<hbm>>
      %dma_start3A_332 = tpu.memref_squeeze %dma_start3A_331 : memref<1x32x256xf32, #tpu.memory_space<hbm>> -> memref<32x256xf32, #tpu.memory_space<hbm>>
      tpu.enqueue_dma source(%arg9 : memref<32x256xf32, #tpu.memory_space<vmem>>) target(%dma_start3A_332 : memref<32x256xf32, #tpu.memory_space<hbm>>) target_semaphore(%arg25 : memref<!tpu.dma_semaphore, #tpu.memory_space<semaphore_mem>>)
      %mul3A_333 = arith.constant 8 : i32
      %mul3A_334 = arith.muli %scan3A_115, %mul3A_333 : i32
      %add3A_335 = arith.constant 6 : i32
      %add3A_336 = arith.addi %mul3A_334, %add3A_335 : i32
      %ge3A_337 = arith.constant 3 : i32
      %ge3A_338 = arith.cmpi sge, %add3A_336, %ge3A_337 : i32
      %convert_element_type3A_339 = arith.extui %ge3A_338 : i1 to i32
      %cond3A_340 = arith.constant 0 : i32
      %cond3A_341 = arith.cmpi ne, %convert_element_type3A_339, %cond3A_340 : i32
      scf.if %cond3A_341 {
        %sub3A_401 = arith.constant 3 : i32
        %sub3A_402 = arith.subi %add3A_336, %sub3A_401 : i32
        %mul3A_403 = arith.constant 32 : i32
        %mul3A_404 = arith.muli %sub3A_402, %mul3A_403 : i32
        %dma_wait3A_405 = tpu.memref_slice %arg3[%select_n3A, %mul3A_404, %mul3A_32] : memref<4x4096x2048xf32, #tpu.memory_space<hbm>> -> memref<1x32x256xf32, #tpu.memory_space<hbm>>
        %dma_wait3A_406 = tpu.memref_squeeze %dma_wait3A_405 : memref<1x32x256xf32, #tpu.memory_space<hbm>> -> memref<32x256xf32, #tpu.memory_space<hbm>>
        %dma_wait3A_407 = tpu.memref_slice %arg3[%select_n3A, %mul3A_404, %mul3A_32] : memref<4x4096x2048xf32, #tpu.memory_space<hbm>> -> memref<1x32x256xf32, #tpu.memory_space<hbm>>
        %dma_wait3A_408 = tpu.memref_squeeze %dma_wait3A_407 : memref<1x32x256xf32, #tpu.memory_space<hbm>> -> memref<32x256xf32, #tpu.memory_space<hbm>>
        tpu.wait_dma2 semaphore(%arg23 : memref<!tpu.dma_semaphore, #tpu.memory_space<semaphore_mem>>) src(%arg7 : memref<32x256xf32, #tpu.memory_space<vmem>>) dst(%dma_wait3A_408 : memref<32x256xf32, #tpu.memory_space<hbm>>)
      } else {
      }
      %add3A_342 = arith.constant 5 : i32
      %add3A_343 = arith.addi %add3A_336, %add3A_342 : i32
      %lt3A_344 = arith.constant 128 : i32
      %lt3A_345 = arith.cmpi slt, %add3A_343, %lt3A_344 : i32
      %convert_element_type3A_346 = arith.extui %lt3A_345 : i1 to i32
      %cond3A_347 = arith.constant 0 : i32
      %cond3A_348 = arith.cmpi ne, %convert_element_type3A_346, %cond3A_347 : i32
      scf.if %cond3A_348 {
        %add3A_401 = arith.constant 5 : i32
        %add3A_402 = arith.addi %add3A_336, %add3A_401 : i32
        %mul3A_403 = arith.constant 32 : i32
        %mul3A_404 = arith.muli %add3A_402, %mul3A_403 : i32
        %dma_start3A_405 = tpu.memref_slice %arg2[%select_n3A, %mul3A_404, %mul3A_32] : memref<4x4096x2048xf32, #tpu.memory_space<hbm>> -> memref<1x32x256xf32, #tpu.memory_space<hbm>>
        %dma_start3A_406 = tpu.memref_squeeze %dma_start3A_405 : memref<1x32x256xf32, #tpu.memory_space<hbm>> -> memref<32x256xf32, #tpu.memory_space<hbm>>
        %dma_start3A_407 = tpu.memref_slice %arg2[%select_n3A, %mul3A_404, %mul3A_32] : memref<4x4096x2048xf32, #tpu.memory_space<hbm>> -> memref<1x32x256xf32, #tpu.memory_space<hbm>>
        %dma_start3A_408 = tpu.memref_squeeze %dma_start3A_407 : memref<1x32x256xf32, #tpu.memory_space<hbm>> -> memref<32x256xf32, #tpu.memory_space<hbm>>
        tpu.enqueue_dma source(%dma_start3A_408 : memref<32x256xf32, #tpu.memory_space<hbm>>) target(%arg7 : memref<32x256xf32, #tpu.memory_space<vmem>>) target_semaphore(%arg15 : memref<!tpu.dma_semaphore, #tpu.memory_space<semaphore_mem>>)
      } else {
      }
      %mul3A_349 = arith.constant 32 : i32
      %mul3A_350 = arith.muli %add3A_336, %mul3A_349 : i32
      %dma_wait3A_351 = tpu.memref_slice %arg2[%select_n3A, %mul3A_350, %mul3A_32] : memref<4x4096x2048xf32, #tpu.memory_space<hbm>> -> memref<1x32x256xf32, #tpu.memory_space<hbm>>
      %dma_wait3A_352 = tpu.memref_squeeze %dma_wait3A_351 : memref<1x32x256xf32, #tpu.memory_space<hbm>> -> memref<32x256xf32, #tpu.memory_space<hbm>>
      %dma_wait3A_353 = tpu.memref_slice %arg2[%select_n3A, %mul3A_350, %mul3A_32] : memref<4x4096x2048xf32, #tpu.memory_space<hbm>> -> memref<1x32x256xf32, #tpu.memory_space<hbm>>
      %dma_wait3A_354 = tpu.memref_squeeze %dma_wait3A_353 : memref<1x32x256xf32, #tpu.memory_space<hbm>> -> memref<32x256xf32, #tpu.memory_space<hbm>>
      tpu.wait_dma2 semaphore(%arg18 : memref<!tpu.dma_semaphore, #tpu.memory_space<semaphore_mem>>) src(%dma_wait3A_354 : memref<32x256xf32, #tpu.memory_space<hbm>>) dst(%arg10 : memref<32x256xf32, #tpu.memory_space<vmem>>)
      %scan3A_355 = arith.constant 0 : i32
      %scan3A_356 = arith.constant 32 : i32
      %scan3A_357 = arith.addi %scan3A_355, %scan3A_356 : i32
      %scan3A_358 = arith.constant 1 : i32
      %scan3A_359:16 = scf.for %scan3A_401 = %scan3A_355 to %scan3A_357 step %scan3A_358 iter_args(%scan3A_402 = %scan3A_325#0, %scan3A_403 = %scan3A_325#1, %scan3A_404 = %scan3A_325#2, %scan3A_405 = %scan3A_325#3, %scan3A_406 = %scan3A_325#4, %scan3A_407 = %scan3A_325#5, %scan3A_408 = %scan3A_325#6, %scan3A_409 = %scan3A_325#7, %scan3A_410 = %scan3A_325#8, %scan3A_411 = %scan3A_325#9, %scan3A_412 = %scan3A_325#10, %scan3A_413 = %scan3A_325#11, %scan3A_414 = %scan3A_325#12, %scan3A_415 = %scan3A_325#13, %scan3A_416 = %scan3A_325#14, %scan3A_417 = %scan3A_325#15) -> (vector<16xf32>, vector<16xf32>, vector<16xf32>, vector<16xf32>, vector<16xf32>, vector<16xf32>, vector<16xf32>, vector<16xf32>, vector<16xf32>, vector<16xf32>, vector<16xf32>, vector<16xf32>, vector<16xf32>, vector<16xf32>, vector<16xf32>, vector<16xf32>)  : i32 {
        %get3A = arith.index_cast %scan3A_401 : i32 to index
        %get3A_418 = arith.constant 0 : index
        %get3A_419 = tpu.vector_load %arg10[%get3A, %get3A_418] {strides = array<i32>} : memref<32x256xf32, #tpu.memory_space<vmem>>, vector<1x16xf32>,
        %get3A_420 = vector.shape_cast %get3A_419 : vector<1x16xf32> to vector<16xf32>
        %add3A_421 = arith.addf %scan3A_402, %get3A_420 : vector<16xf32>
        %swap3A = arith.index_cast %scan3A_401 : i32 to index
        %swap3A_422 = arith.constant 0 : index
        %swap3A_423 = tpu.vector_load %arg10[%swap3A, %swap3A_422] {strides = array<i32>} : memref<32x256xf32, #tpu.memory_space<vmem>>, vector<1x16xf32>,
        %swap3A_424 = vector.shape_cast %swap3A_423 : vector<1x16xf32> to vector<16xf32>
        %swap3A_425 = vector.shape_cast %add3A_421 : vector<16xf32> to vector<1x16xf32>
        tpu.vector_store %arg10[%swap3A, %swap3A_422], %swap3A_425 {strides = array<i32>} : memref<32x256xf32, #tpu.memory_space<vmem>>, vector<1x16xf32>,
        %get3A_426 = arith.index_cast %scan3A_401 : i32 to index
        %get3A_427 = arith.constant 16 : index
        %get3A_428 = tpu.vector_load %arg10[%get3A_426, %get3A_427] {strides = array<i32>} : memref<32x256xf32, #tpu.memory_space<vmem>>, vector<1x16xf32>,
        %get3A_429 = vector.shape_cast %get3A_428 : vector<1x16xf32> to vector<16xf32>
        %add3A_430 = arith.addf %scan3A_403, %get3A_429 : vector<16xf32>
        %swap3A_431 = arith.index_cast %scan3A_401 : i32 to index
        %swap3A_432 = arith.constant 16 : index
        %swap3A_433 = tpu.vector_load %arg10[%swap3A_431, %swap3A_432] {strides = array<i32>} : memref<32x256xf32, #tpu.memory_space<vmem>>, vector<1x16xf32>,
        %swap3A_434 = vector.shape_cast %swap3A_433 : vector<1x16xf32> to vector<16xf32>
        %swap3A_435 = vector.shape_cast %add3A_430 : vector<16xf32> to vector<1x16xf32>
        tpu.vector_store %arg10[%swap3A_431, %swap3A_432], %swap3A_435 {strides = array<i32>} : memref<32x256xf32, #tpu.memory_space<vmem>>, vector<1x16xf32>,
        %get3A_436 = arith.index_cast %scan3A_401 : i32 to index
        %get3A_437 = arith.constant 32 : index
        %get3A_438 = tpu.vector_load %arg10[%get3A_436, %get3A_437] {strides = array<i32>} : memref<32x256xf32, #tpu.memory_space<vmem>>, vector<1x16xf32>,
        %get3A_439 = vector.shape_cast %get3A_438 : vector<1x16xf32> to vector<16xf32>
        %add3A_440 = arith.addf %scan3A_404, %get3A_439 : vector<16xf32>
        %swap3A_441 = arith.index_cast %scan3A_401 : i32 to index
        %swap3A_442 = arith.constant 32 : index
        %swap3A_443 = tpu.vector_load %arg10[%swap3A_441, %swap3A_442] {strides = array<i32>} : memref<32x256xf32, #tpu.memory_space<vmem>>, vector<1x16xf32>,
        %swap3A_444 = vector.shape_cast %swap3A_443 : vector<1x16xf32> to vector<16xf32>
        %swap3A_445 = vector.shape_cast %add3A_440 : vector<16xf32> to vector<1x16xf32>
        tpu.vector_store %arg10[%swap3A_441, %swap3A_442], %swap3A_445 {strides = array<i32>} : memref<32x256xf32, #tpu.memory_space<vmem>>, vector<1x16xf32>,
        %get3A_446 = arith.index_cast %scan3A_401 : i32 to index
        %get3A_447 = arith.constant 48 : index
        %get3A_448 = tpu.vector_load %arg10[%get3A_446, %get3A_447] {strides = array<i32>} : memref<32x256xf32, #tpu.memory_space<vmem>>, vector<1x16xf32>,
        %get3A_449 = vector.shape_cast %get3A_448 : vector<1x16xf32> to vector<16xf32>
        %add3A_450 = arith.addf %scan3A_405, %get3A_449 : vector<16xf32>
        %swap3A_451 = arith.index_cast %scan3A_401 : i32 to index
        %swap3A_452 = arith.constant 48 : index
        %swap3A_453 = tpu.vector_load %arg10[%swap3A_451, %swap3A_452] {strides = array<i32>} : memref<32x256xf32, #tpu.memory_space<vmem>>, vector<1x16xf32>,
        %swap3A_454 = vector.shape_cast %swap3A_453 : vector<1x16xf32> to vector<16xf32>
        %swap3A_455 = vector.shape_cast %add3A_450 : vector<16xf32> to vector<1x16xf32>
        tpu.vector_store %arg10[%swap3A_451, %swap3A_452], %swap3A_455 {strides = array<i32>} : memref<32x256xf32, #tpu.memory_space<vmem>>, vector<1x16xf32>,
        %get3A_456 = arith.index_cast %scan3A_401 : i32 to index
        %get3A_457 = arith.constant 64 : index
        %get3A_458 = tpu.vector_load %arg10[%get3A_456, %get3A_457] {strides = array<i32>} : memref<32x256xf32, #tpu.memory_space<vmem>>, vector<1x16xf32>,
        %get3A_459 = vector.shape_cast %get3A_458 : vector<1x16xf32> to vector<16xf32>
        %add3A_460 = arith.addf %scan3A_406, %get3A_459 : vector<16xf32>
        %swap3A_461 = arith.index_cast %scan3A_401 : i32 to index
        %swap3A_462 = arith.constant 64 : index
        %swap3A_463 = tpu.vector_load %arg10[%swap3A_461, %swap3A_462] {strides = array<i32>} : memref<32x256xf32, #tpu.memory_space<vmem>>, vector<1x16xf32>,
        %swap3A_464 = vector.shape_cast %swap3A_463 : vector<1x16xf32> to vector<16xf32>
        %swap3A_465 = vector.shape_cast %add3A_460 : vector<16xf32> to vector<1x16xf32>
        tpu.vector_store %arg10[%swap3A_461, %swap3A_462], %swap3A_465 {strides = array<i32>} : memref<32x256xf32, #tpu.memory_space<vmem>>, vector<1x16xf32>,
        %get3A_466 = arith.index_cast %scan3A_401 : i32 to index
        %get3A_467 = arith.constant 80 : index
        %get3A_468 = tpu.vector_load %arg10[%get3A_466, %get3A_467] {strides = array<i32>} : memref<32x256xf32, #tpu.memory_space<vmem>>, vector<1x16xf32>,
        %get3A_469 = vector.shape_cast %get3A_468 : vector<1x16xf32> to vector<16xf32>
        %add3A_470 = arith.addf %scan3A_407, %get3A_469 : vector<16xf32>
        %swap3A_471 = arith.index_cast %scan3A_401 : i32 to index
        %swap3A_472 = arith.constant 80 : index
        %swap3A_473 = tpu.vector_load %arg10[%swap3A_471, %swap3A_472] {strides = array<i32>} : memref<32x256xf32, #tpu.memory_space<vmem>>, vector<1x16xf32>,
        %swap3A_474 = vector.shape_cast %swap3A_473 : vector<1x16xf32> to vector<16xf32>
        %swap3A_475 = vector.shape_cast %add3A_470 : vector<16xf32> to vector<1x16xf32>
        tpu.vector_store %arg10[%swap3A_471, %swap3A_472], %swap3A_475 {strides = array<i32>} : memref<32x256xf32, #tpu.memory_space<vmem>>, vector<1x16xf32>,
        %get3A_476 = arith.index_cast %scan3A_401 : i32 to index
        %get3A_477 = arith.constant 96 : index
        %get3A_478 = tpu.vector_load %arg10[%get3A_476, %get3A_477] {strides = array<i32>} : memref<32x256xf32, #tpu.memory_space<vmem>>, vector<1x16xf32>,
        %get3A_479 = vector.shape_cast %get3A_478 : vector<1x16xf32> to vector<16xf32>
        %add3A_480 = arith.addf %scan3A_408, %get3A_479 : vector<16xf32>
        %swap3A_481 = arith.index_cast %scan3A_401 : i32 to index
        %swap3A_482 = arith.constant 96 : index
        %swap3A_483 = tpu.vector_load %arg10[%swap3A_481, %swap3A_482] {strides = array<i32>} : memref<32x256xf32, #tpu.memory_space<vmem>>, vector<1x16xf32>,
        %swap3A_484 = vector.shape_cast %swap3A_483 : vector<1x16xf32> to vector<16xf32>
        %swap3A_485 = vector.shape_cast %add3A_480 : vector<16xf32> to vector<1x16xf32>
        tpu.vector_store %arg10[%swap3A_481, %swap3A_482], %swap3A_485 {strides = array<i32>} : memref<32x256xf32, #tpu.memory_space<vmem>>, vector<1x16xf32>,
        %get3A_486 = arith.index_cast %scan3A_401 : i32 to index
        %get3A_487 = arith.constant 112 : index
        %get3A_488 = tpu.vector_load %arg10[%get3A_486, %get3A_487] {strides = array<i32>} : memref<32x256xf32, #tpu.memory_space<vmem>>, vector<1x16xf32>,
        %get3A_489 = vector.shape_cast %get3A_488 : vector<1x16xf32> to vector<16xf32>
        %add3A_490 = arith.addf %scan3A_409, %get3A_489 : vector<16xf32>
        %swap3A_491 = arith.index_cast %scan3A_401 : i32 to index
        %swap3A_492 = arith.constant 112 : index
        %swap3A_493 = tpu.vector_load %arg10[%swap3A_491, %swap3A_492] {strides = array<i32>} : memref<32x256xf32, #tpu.memory_space<vmem>>, vector<1x16xf32>,
        %swap3A_494 = vector.shape_cast %swap3A_493 : vector<1x16xf32> to vector<16xf32>
        %swap3A_495 = vector.shape_cast %add3A_490 : vector<16xf32> to vector<1x16xf32>
        tpu.vector_store %arg10[%swap3A_491, %swap3A_492], %swap3A_495 {strides = array<i32>} : memref<32x256xf32, #tpu.memory_space<vmem>>, vector<1x16xf32>,
        %get3A_496 = arith.index_cast %scan3A_401 : i32 to index
        %get3A_497 = arith.constant 128 : index
        %get3A_498 = tpu.vector_load %arg10[%get3A_496, %get3A_497] {strides = array<i32>} : memref<32x256xf32, #tpu.memory_space<vmem>>, vector<1x16xf32>,
        %get3A_499 = vector.shape_cast %get3A_498 : vector<1x16xf32> to vector<16xf32>
        %add3A_500 = arith.addf %scan3A_410, %get3A_499 : vector<16xf32>
        %swap3A_501 = arith.index_cast %scan3A_401 : i32 to index
        %swap3A_502 = arith.constant 128 : index
        %swap3A_503 = tpu.vector_load %arg10[%swap3A_501, %swap3A_502] {strides = array<i32>} : memref<32x256xf32, #tpu.memory_space<vmem>>, vector<1x16xf32>,
        %swap3A_504 = vector.shape_cast %swap3A_503 : vector<1x16xf32> to vector<16xf32>
        %swap3A_505 = vector.shape_cast %add3A_500 : vector<16xf32> to vector<1x16xf32>
        tpu.vector_store %arg10[%swap3A_501, %swap3A_502], %swap3A_505 {strides = array<i32>} : memref<32x256xf32, #tpu.memory_space<vmem>>, vector<1x16xf32>,
        %get3A_506 = arith.index_cast %scan3A_401 : i32 to index
        %get3A_507 = arith.constant 144 : index
        %get3A_508 = tpu.vector_load %arg10[%get3A_506, %get3A_507] {strides = array<i32>} : memref<32x256xf32, #tpu.memory_space<vmem>>, vector<1x16xf32>,
        %get3A_509 = vector.shape_cast %get3A_508 : vector<1x16xf32> to vector<16xf32>
        %add3A_510 = arith.addf %scan3A_411, %get3A_509 : vector<16xf32>
        %swap3A_511 = arith.index_cast %scan3A_401 : i32 to index
        %swap3A_512 = arith.constant 144 : index
        %swap3A_513 = tpu.vector_load %arg10[%swap3A_511, %swap3A_512] {strides = array<i32>} : memref<32x256xf32, #tpu.memory_space<vmem>>, vector<1x16xf32>,
        %swap3A_514 = vector.shape_cast %swap3A_513 : vector<1x16xf32> to vector<16xf32>
        %swap3A_515 = vector.shape_cast %add3A_510 : vector<16xf32> to vector<1x16xf32>
        tpu.vector_store %arg10[%swap3A_511, %swap3A_512], %swap3A_515 {strides = array<i32>} : memref<32x256xf32, #tpu.memory_space<vmem>>, vector<1x16xf32>,
        %get3A_516 = arith.index_cast %scan3A_401 : i32 to index
        %get3A_517 = arith.constant 160 : index
        %get3A_518 = tpu.vector_load %arg10[%get3A_516, %get3A_517] {strides = array<i32>} : memref<32x256xf32, #tpu.memory_space<vmem>>, vector<1x16xf32>,
        %get3A_519 = vector.shape_cast %get3A_518 : vector<1x16xf32> to vector<16xf32>
        %add3A_520 = arith.addf %scan3A_412, %get3A_519 : vector<16xf32>
        %swap3A_521 = arith.index_cast %scan3A_401 : i32 to index
        %swap3A_522 = arith.constant 160 : index
        %swap3A_523 = tpu.vector_load %arg10[%swap3A_521, %swap3A_522] {strides = array<i32>} : memref<32x256xf32, #tpu.memory_space<vmem>>, vector<1x16xf32>,
        %swap3A_524 = vector.shape_cast %swap3A_523 : vector<1x16xf32> to vector<16xf32>
        %swap3A_525 = vector.shape_cast %add3A_520 : vector<16xf32> to vector<1x16xf32>
        tpu.vector_store %arg10[%swap3A_521, %swap3A_522], %swap3A_525 {strides = array<i32>} : memref<32x256xf32, #tpu.memory_space<vmem>>, vector<1x16xf32>,
        %get3A_526 = arith.index_cast %scan3A_401 : i32 to index
        %get3A_527 = arith.constant 176 : index
        %get3A_528 = tpu.vector_load %arg10[%get3A_526, %get3A_527] {strides = array<i32>} : memref<32x256xf32, #tpu.memory_space<vmem>>, vector<1x16xf32>,
        %get3A_529 = vector.shape_cast %get3A_528 : vector<1x16xf32> to vector<16xf32>
        %add3A_530 = arith.addf %scan3A_413, %get3A_529 : vector<16xf32>
        %swap3A_531 = arith.index_cast %scan3A_401 : i32 to index
        %swap3A_532 = arith.constant 176 : index
        %swap3A_533 = tpu.vector_load %arg10[%swap3A_531, %swap3A_532] {strides = array<i32>} : memref<32x256xf32, #tpu.memory_space<vmem>>, vector<1x16xf32>,
        %swap3A_534 = vector.shape_cast %swap3A_533 : vector<1x16xf32> to vector<16xf32>
        %swap3A_535 = vector.shape_cast %add3A_530 : vector<16xf32> to vector<1x16xf32>
        tpu.vector_store %arg10[%swap3A_531, %swap3A_532], %swap3A_535 {strides = array<i32>} : memref<32x256xf32, #tpu.memory_space<vmem>>, vector<1x16xf32>,
        %get3A_536 = arith.index_cast %scan3A_401 : i32 to index
        %get3A_537 = arith.constant 192 : index
        %get3A_538 = tpu.vector_load %arg10[%get3A_536, %get3A_537] {strides = array<i32>} : memref<32x256xf32, #tpu.memory_space<vmem>>, vector<1x16xf32>,
        %get3A_539 = vector.shape_cast %get3A_538 : vector<1x16xf32> to vector<16xf32>
        %add3A_540 = arith.addf %scan3A_414, %get3A_539 : vector<16xf32>
        %swap3A_541 = arith.index_cast %scan3A_401 : i32 to index
        %swap3A_542 = arith.constant 192 : index
        %swap3A_543 = tpu.vector_load %arg10[%swap3A_541, %swap3A_542] {strides = array<i32>} : memref<32x256xf32, #tpu.memory_space<vmem>>, vector<1x16xf32>,
        %swap3A_544 = vector.shape_cast %swap3A_543 : vector<1x16xf32> to vector<16xf32>
        %swap3A_545 = vector.shape_cast %add3A_540 : vector<16xf32> to vector<1x16xf32>
        tpu.vector_store %arg10[%swap3A_541, %swap3A_542], %swap3A_545 {strides = array<i32>} : memref<32x256xf32, #tpu.memory_space<vmem>>, vector<1x16xf32>,
        %get3A_546 = arith.index_cast %scan3A_401 : i32 to index
        %get3A_547 = arith.constant 208 : index
        %get3A_548 = tpu.vector_load %arg10[%get3A_546, %get3A_547] {strides = array<i32>} : memref<32x256xf32, #tpu.memory_space<vmem>>, vector<1x16xf32>,
        %get3A_549 = vector.shape_cast %get3A_548 : vector<1x16xf32> to vector<16xf32>
        %add3A_550 = arith.addf %scan3A_415, %get3A_549 : vector<16xf32>
        %swap3A_551 = arith.index_cast %scan3A_401 : i32 to index
        %swap3A_552 = arith.constant 208 : index
        %swap3A_553 = tpu.vector_load %arg10[%swap3A_551, %swap3A_552] {strides = array<i32>} : memref<32x256xf32, #tpu.memory_space<vmem>>, vector<1x16xf32>,
        %swap3A_554 = vector.shape_cast %swap3A_553 : vector<1x16xf32> to vector<16xf32>
        %swap3A_555 = vector.shape_cast %add3A_550 : vector<16xf32> to vector<1x16xf32>
        tpu.vector_store %arg10[%swap3A_551, %swap3A_552], %swap3A_555 {strides = array<i32>} : memref<32x256xf32, #tpu.memory_space<vmem>>, vector<1x16xf32>,
        %get3A_556 = arith.index_cast %scan3A_401 : i32 to index
        %get3A_557 = arith.constant 224 : index
        %get3A_558 = tpu.vector_load %arg10[%get3A_556, %get3A_557] {strides = array<i32>} : memref<32x256xf32, #tpu.memory_space<vmem>>, vector<1x16xf32>,
        %get3A_559 = vector.shape_cast %get3A_558 : vector<1x16xf32> to vector<16xf32>
        %add3A_560 = arith.addf %scan3A_416, %get3A_559 : vector<16xf32>
        %swap3A_561 = arith.index_cast %scan3A_401 : i32 to index
        %swap3A_562 = arith.constant 224 : index
        %swap3A_563 = tpu.vector_load %arg10[%swap3A_561, %swap3A_562] {strides = array<i32>} : memref<32x256xf32, #tpu.memory_space<vmem>>, vector<1x16xf32>,
        %swap3A_564 = vector.shape_cast %swap3A_563 : vector<1x16xf32> to vector<16xf32>
        %swap3A_565 = vector.shape_cast %add3A_560 : vector<16xf32> to vector<1x16xf32>
        tpu.vector_store %arg10[%swap3A_561, %swap3A_562], %swap3A_565 {strides = array<i32>} : memref<32x256xf32, #tpu.memory_space<vmem>>, vector<1x16xf32>,
        %get3A_566 = arith.index_cast %scan3A_401 : i32 to index
        %get3A_567 = arith.constant 240 : index
        %get3A_568 = tpu.vector_load %arg10[%get3A_566, %get3A_567] {strides = array<i32>} : memref<32x256xf32, #tpu.memory_space<vmem>>, vector<1x16xf32>,
        %get3A_569 = vector.shape_cast %get3A_568 : vector<1x16xf32> to vector<16xf32>
        %add3A_570 = arith.addf %scan3A_417, %get3A_569 : vector<16xf32>
        %swap3A_571 = arith.index_cast %scan3A_401 : i32 to index
        %swap3A_572 = arith.constant 240 : index
        %swap3A_573 = tpu.vector_load %arg10[%swap3A_571, %swap3A_572] {strides = array<i32>} : memref<32x256xf32, #tpu.memory_space<vmem>>, vector<1x16xf32>,
        %swap3A_574 = vector.shape_cast %swap3A_573 : vector<1x16xf32> to vector<16xf32>
        %swap3A_575 = vector.shape_cast %add3A_570 : vector<16xf32> to vector<1x16xf32>
        tpu.vector_store %arg10[%swap3A_571, %swap3A_572], %swap3A_575 {strides = array<i32>} : memref<32x256xf32, #tpu.memory_space<vmem>>, vector<1x16xf32>,
        scf.yield %add3A_421, %add3A_430, %add3A_440, %add3A_450, %add3A_460, %add3A_470, %add3A_480, %add3A_490, %add3A_500, %add3A_510, %add3A_520, %add3A_530, %add3A_540, %add3A_550, %add3A_560, %add3A_570 : vector<16xf32>, vector<16xf32>, vector<16xf32>, vector<16xf32>, vector<16xf32>, vector<16xf32>, vector<16xf32>, vector<16xf32>, vector<16xf32>, vector<16xf32>, vector<16xf32>, vector<16xf32>, vector<16xf32>, vector<16xf32>, vector<16xf32>, vector<16xf32>
      }
      %scan3A_360 = arith.constant 32 : i32
      %mul3A_361 = arith.constant 32 : i32
      %mul3A_362 = arith.muli %add3A_336, %mul3A_361 : i32
      %dma_start3A_363 = tpu.memref_slice %arg3[%select_n3A, %mul3A_362, %mul3A_32] : memref<4x4096x2048xf32, #tpu.memory_space<hbm>> -> memref<1x32x256xf32, #tpu.memory_space<hbm>>
      %dma_start3A_364 = tpu.memref_squeeze %dma_start3A_363 : memref<1x32x256xf32, #tpu.memory_space<hbm>> -> memref<32x256xf32, #tpu.memory_space<hbm>>
      %dma_start3A_365 = tpu.memref_slice %arg3[%select_n3A, %mul3A_362, %mul3A_32] : memref<4x4096x2048xf32, #tpu.memory_space<hbm>> -> memref<1x32x256xf32, #tpu.memory_space<hbm>>
      %dma_start3A_366 = tpu.memref_squeeze %dma_start3A_365 : memref<1x32x256xf32, #tpu.memory_space<hbm>> -> memref<32x256xf32, #tpu.memory_space<hbm>>
      tpu.enqueue_dma source(%arg10 : memref<32x256xf32, #tpu.memory_space<vmem>>) target(%dma_start3A_366 : memref<32x256xf32, #tpu.memory_space<hbm>>) target_semaphore(%arg26 : memref<!tpu.dma_semaphore, #tpu.memory_space<semaphore_mem>>)
      %mul3A_367 = arith.constant 8 : i32
      %mul3A_368 = arith.muli %scan3A_115, %mul3A_367 : i32
      %add3A_369 = arith.constant 7 : i32
      %add3A_370 = arith.addi %mul3A_368, %add3A_369 : i32
      %ge3A_371 = arith.constant 3 : i32
      %ge3A_372 = arith.cmpi sge, %add3A_370, %ge3A_371 : i32
      %convert_element_type3A_373 = arith.extui %ge3A_372 : i1 to i32
      %cond3A_374 = arith.constant 0 : i32
      %cond3A_375 = arith.cmpi ne, %convert_element_type3A_373, %cond3A_374 : i32
      scf.if %cond3A_375 {
        %sub3A_401 = arith.constant 3 : i32
        %sub3A_402 = arith.subi %add3A_370, %sub3A_401 : i32
        %mul3A_403 = arith.constant 32 : i32
        %mul3A_404 = arith.muli %sub3A_402, %mul3A_403 : i32
        %dma_wait3A_405 = tpu.memref_slice %arg3[%select_n3A, %mul3A_404, %mul3A_32] : memref<4x4096x2048xf32, #tpu.memory_space<hbm>> -> memref<1x32x256xf32, #tpu.memory_space<hbm>>
        %dma_wait3A_406 = tpu.memref_squeeze %dma_wait3A_405 : memref<1x32x256xf32, #tpu.memory_space<hbm>> -> memref<32x256xf32, #tpu.memory_space<hbm>>
        %dma_wait3A_407 = tpu.memref_slice %arg3[%select_n3A, %mul3A_404, %mul3A_32] : memref<4x4096x2048xf32, #tpu.memory_space<hbm>> -> memref<1x32x256xf32, #tpu.memory_space<hbm>>
        %dma_wait3A_408 = tpu.memref_squeeze %dma_wait3A_407 : memref<1x32x256xf32, #tpu.memory_space<hbm>> -> memref<32x256xf32, #tpu.memory_space<hbm>>
        tpu.wait_dma2 semaphore(%arg24 : memref<!tpu.dma_semaphore, #tpu.memory_space<semaphore_mem>>) src(%arg8 : memref<32x256xf32, #tpu.memory_space<vmem>>) dst(%dma_wait3A_408 : memref<32x256xf32, #tpu.memory_space<hbm>>)
      } else {
      }
      %add3A_376 = arith.constant 5 : i32
      %add3A_377 = arith.addi %add3A_370, %add3A_376 : i32
      %lt3A_378 = arith.constant 128 : i32
      %lt3A_379 = arith.cmpi slt, %add3A_377, %lt3A_378 : i32
      %convert_element_type3A_380 = arith.extui %lt3A_379 : i1 to i32
      %cond3A_381 = arith.constant 0 : i32
      %cond3A_382 = arith.cmpi ne, %convert_element_type3A_380, %cond3A_381 : i32
      scf.if %cond3A_382 {
        %add3A_401 = arith.constant 5 : i32
        %add3A_402 = arith.addi %add3A_370, %add3A_401 : i32
        %mul3A_403 = arith.constant 32 : i32
        %mul3A_404 = arith.muli %add3A_402, %mul3A_403 : i32
        %dma_start3A_405 = tpu.memref_slice %arg2[%select_n3A, %mul3A_404, %mul3A_32] : memref<4x4096x2048xf32, #tpu.memory_space<hbm>> -> memref<1x32x256xf32, #tpu.memory_space<hbm>>
        %dma_start3A_406 = tpu.memref_squeeze %dma_start3A_405 : memref<1x32x256xf32, #tpu.memory_space<hbm>> -> memref<32x256xf32, #tpu.memory_space<hbm>>
        %dma_start3A_407 = tpu.memref_slice %arg2[%select_n3A, %mul3A_404, %mul3A_32] : memref<4x4096x2048xf32, #tpu.memory_space<hbm>> -> memref<1x32x256xf32, #tpu.memory_space<hbm>>
        %dma_start3A_408 = tpu.memref_squeeze %dma_start3A_407 : memref<1x32x256xf32, #tpu.memory_space<hbm>> -> memref<32x256xf32, #tpu.memory_space<hbm>>
        tpu.enqueue_dma source(%dma_start3A_408 : memref<32x256xf32, #tpu.memory_space<hbm>>) target(%arg8 : memref<32x256xf32, #tpu.memory_space<vmem>>) target_semaphore(%arg16 : memref<!tpu.dma_semaphore, #tpu.memory_space<semaphore_mem>>)
      } else {
      }
      %mul3A_383 = arith.constant 32 : i32
      %mul3A_384 = arith.muli %add3A_370, %mul3A_383 : i32
      %dma_wait3A_385 = tpu.memref_slice %arg2[%select_n3A, %mul3A_384, %mul3A_32] : memref<4x4096x2048xf32, #tpu.memory_space<hbm>> -> memref<1x32x256xf32, #tpu.memory_space<hbm>>
      %dma_wait3A_386 = tpu.memref_squeeze %dma_wait3A_385 : memref<1x32x256xf32, #tpu.memory_space<hbm>> -> memref<32x256xf32, #tpu.memory_space<hbm>>
      %dma_wait3A_387 = tpu.memref_slice %arg2[%select_n3A, %mul3A_384, %mul3A_32] : memref<4x4096x2048xf32, #tpu.memory_space<hbm>> -> memref<1x32x256xf32, #tpu.memory_space<hbm>>
      %dma_wait3A_388 = tpu.memref_squeeze %dma_wait3A_387 : memref<1x32x256xf32, #tpu.memory_space<hbm>> -> memref<32x256xf32, #tpu.memory_space<hbm>>
      tpu.wait_dma2 semaphore(%arg19 : memref<!tpu.dma_semaphore, #tpu.memory_space<semaphore_mem>>) src(%dma_wait3A_388 : memref<32x256xf32, #tpu.memory_space<hbm>>) dst(%arg11 : memref<32x256xf32, #tpu.memory_space<vmem>>)
      %scan3A_389 = arith.constant 0 : i32
      %scan3A_390 = arith.constant 32 : i32
      %scan3A_391 = arith.addi %scan3A_389, %scan3A_390 : i32
      %scan3A_392 = arith.constant 1 : i32
      %scan3A_393:16 = scf.for %scan3A_401 = %scan3A_389 to %scan3A_391 step %scan3A_392 iter_args(%scan3A_402 = %scan3A_359#0, %scan3A_403 = %scan3A_359#1, %scan3A_404 = %scan3A_359#2, %scan3A_405 = %scan3A_359#3, %scan3A_406 = %scan3A_359#4, %scan3A_407 = %scan3A_359#5, %scan3A_408 = %scan3A_359#6, %scan3A_409 = %scan3A_359#7, %scan3A_410 = %scan3A_359#8, %scan3A_411 = %scan3A_359#9, %scan3A_412 = %scan3A_359#10, %scan3A_413 = %scan3A_359#11, %scan3A_414 = %scan3A_359#12, %scan3A_415 = %scan3A_359#13, %scan3A_416 = %scan3A_359#14, %scan3A_417 = %scan3A_359#15) -> (vector<16xf32>, vector<16xf32>, vector<16xf32>, vector<16xf32>, vector<16xf32>, vector<16xf32>, vector<16xf32>, vector<16xf32>, vector<16xf32>, vector<16xf32>, vector<16xf32>, vector<16xf32>, vector<16xf32>, vector<16xf32>, vector<16xf32>, vector<16xf32>)  : i32 {
        %get3A = arith.index_cast %scan3A_401 : i32 to index
        %get3A_418 = arith.constant 0 : index
        %get3A_419 = tpu.vector_load %arg11[%get3A, %get3A_418] {strides = array<i32>} : memref<32x256xf32, #tpu.memory_space<vmem>>, vector<1x16xf32>,
        %get3A_420 = vector.shape_cast %get3A_419 : vector<1x16xf32> to vector<16xf32>
        %add3A_421 = arith.addf %scan3A_402, %get3A_420 : vector<16xf32>
        %swap3A = arith.index_cast %scan3A_401 : i32 to index
        %swap3A_422 = arith.constant 0 : index
        %swap3A_423 = tpu.vector_load %arg11[%swap3A, %swap3A_422] {strides = array<i32>} : memref<32x256xf32, #tpu.memory_space<vmem>>, vector<1x16xf32>,
        %swap3A_424 = vector.shape_cast %swap3A_423 : vector<1x16xf32> to vector<16xf32>
        %swap3A_425 = vector.shape_cast %add3A_421 : vector<16xf32> to vector<1x16xf32>
        tpu.vector_store %arg11[%swap3A, %swap3A_422], %swap3A_425 {strides = array<i32>} : memref<32x256xf32, #tpu.memory_space<vmem>>, vector<1x16xf32>,
        %get3A_426 = arith.index_cast %scan3A_401 : i32 to index
        %get3A_427 = arith.constant 16 : index
        %get3A_428 = tpu.vector_load %arg11[%get3A_426, %get3A_427] {strides = array<i32>} : memref<32x256xf32, #tpu.memory_space<vmem>>, vector<1x16xf32>,
        %get3A_429 = vector.shape_cast %get3A_428 : vector<1x16xf32> to vector<16xf32>
        %add3A_430 = arith.addf %scan3A_403, %get3A_429 : vector<16xf32>
        %swap3A_431 = arith.index_cast %scan3A_401 : i32 to index
        %swap3A_432 = arith.constant 16 : index
        %swap3A_433 = tpu.vector_load %arg11[%swap3A_431, %swap3A_432] {strides = array<i32>} : memref<32x256xf32, #tpu.memory_space<vmem>>, vector<1x16xf32>,
        %swap3A_434 = vector.shape_cast %swap3A_433 : vector<1x16xf32> to vector<16xf32>
        %swap3A_435 = vector.shape_cast %add3A_430 : vector<16xf32> to vector<1x16xf32>
        tpu.vector_store %arg11[%swap3A_431, %swap3A_432], %swap3A_435 {strides = array<i32>} : memref<32x256xf32, #tpu.memory_space<vmem>>, vector<1x16xf32>,
        %get3A_436 = arith.index_cast %scan3A_401 : i32 to index
        %get3A_437 = arith.constant 32 : index
        %get3A_438 = tpu.vector_load %arg11[%get3A_436, %get3A_437] {strides = array<i32>} : memref<32x256xf32, #tpu.memory_space<vmem>>, vector<1x16xf32>,
        %get3A_439 = vector.shape_cast %get3A_438 : vector<1x16xf32> to vector<16xf32>
        %add3A_440 = arith.addf %scan3A_404, %get3A_439 : vector<16xf32>
        %swap3A_441 = arith.index_cast %scan3A_401 : i32 to index
        %swap3A_442 = arith.constant 32 : index
        %swap3A_443 = tpu.vector_load %arg11[%swap3A_441, %swap3A_442] {strides = array<i32>} : memref<32x256xf32, #tpu.memory_space<vmem>>, vector<1x16xf32>,
        %swap3A_444 = vector.shape_cast %swap3A_443 : vector<1x16xf32> to vector<16xf32>
        %swap3A_445 = vector.shape_cast %add3A_440 : vector<16xf32> to vector<1x16xf32>
        tpu.vector_store %arg11[%swap3A_441, %swap3A_442], %swap3A_445 {strides = array<i32>} : memref<32x256xf32, #tpu.memory_space<vmem>>, vector<1x16xf32>,
        %get3A_446 = arith.index_cast %scan3A_401 : i32 to index
        %get3A_447 = arith.constant 48 : index
        %get3A_448 = tpu.vector_load %arg11[%get3A_446, %get3A_447] {strides = array<i32>} : memref<32x256xf32, #tpu.memory_space<vmem>>, vector<1x16xf32>,
        %get3A_449 = vector.shape_cast %get3A_448 : vector<1x16xf32> to vector<16xf32>
        %add3A_450 = arith.addf %scan3A_405, %get3A_449 : vector<16xf32>
        %swap3A_451 = arith.index_cast %scan3A_401 : i32 to index
        %swap3A_452 = arith.constant 48 : index
        %swap3A_453 = tpu.vector_load %arg11[%swap3A_451, %swap3A_452] {strides = array<i32>} : memref<32x256xf32, #tpu.memory_space<vmem>>, vector<1x16xf32>,
        %swap3A_454 = vector.shape_cast %swap3A_453 : vector<1x16xf32> to vector<16xf32>
        %swap3A_455 = vector.shape_cast %add3A_450 : vector<16xf32> to vector<1x16xf32>
        tpu.vector_store %arg11[%swap3A_451, %swap3A_452], %swap3A_455 {strides = array<i32>} : memref<32x256xf32, #tpu.memory_space<vmem>>, vector<1x16xf32>,
        %get3A_456 = arith.index_cast %scan3A_401 : i32 to index
        %get3A_457 = arith.constant 64 : index
        %get3A_458 = tpu.vector_load %arg11[%get3A_456, %get3A_457] {strides = array<i32>} : memref<32x256xf32, #tpu.memory_space<vmem>>, vector<1x16xf32>,
        %get3A_459 = vector.shape_cast %get3A_458 : vector<1x16xf32> to vector<16xf32>
        %add3A_460 = arith.addf %scan3A_406, %get3A_459 : vector<16xf32>
        %swap3A_461 = arith.index_cast %scan3A_401 : i32 to index
        %swap3A_462 = arith.constant 64 : index
        %swap3A_463 = tpu.vector_load %arg11[%swap3A_461, %swap3A_462] {strides = array<i32>} : memref<32x256xf32, #tpu.memory_space<vmem>>, vector<1x16xf32>,
        %swap3A_464 = vector.shape_cast %swap3A_463 : vector<1x16xf32> to vector<16xf32>
        %swap3A_465 = vector.shape_cast %add3A_460 : vector<16xf32> to vector<1x16xf32>
        tpu.vector_store %arg11[%swap3A_461, %swap3A_462], %swap3A_465 {strides = array<i32>} : memref<32x256xf32, #tpu.memory_space<vmem>>, vector<1x16xf32>,
        %get3A_466 = arith.index_cast %scan3A_401 : i32 to index
        %get3A_467 = arith.constant 80 : index
        %get3A_468 = tpu.vector_load %arg11[%get3A_466, %get3A_467] {strides = array<i32>} : memref<32x256xf32, #tpu.memory_space<vmem>>, vector<1x16xf32>,
        %get3A_469 = vector.shape_cast %get3A_468 : vector<1x16xf32> to vector<16xf32>
        %add3A_470 = arith.addf %scan3A_407, %get3A_469 : vector<16xf32>
        %swap3A_471 = arith.index_cast %scan3A_401 : i32 to index
        %swap3A_472 = arith.constant 80 : index
        %swap3A_473 = tpu.vector_load %arg11[%swap3A_471, %swap3A_472] {strides = array<i32>} : memref<32x256xf32, #tpu.memory_space<vmem>>, vector<1x16xf32>,
        %swap3A_474 = vector.shape_cast %swap3A_473 : vector<1x16xf32> to vector<16xf32>
        %swap3A_475 = vector.shape_cast %add3A_470 : vector<16xf32> to vector<1x16xf32>
        tpu.vector_store %arg11[%swap3A_471, %swap3A_472], %swap3A_475 {strides = array<i32>} : memref<32x256xf32, #tpu.memory_space<vmem>>, vector<1x16xf32>,
        %get3A_476 = arith.index_cast %scan3A_401 : i32 to index
        %get3A_477 = arith.constant 96 : index
        %get3A_478 = tpu.vector_load %arg11[%get3A_476, %get3A_477] {strides = array<i32>} : memref<32x256xf32, #tpu.memory_space<vmem>>, vector<1x16xf32>,
        %get3A_479 = vector.shape_cast %get3A_478 : vector<1x16xf32> to vector<16xf32>
        %add3A_480 = arith.addf %scan3A_408, %get3A_479 : vector<16xf32>
        %swap3A_481 = arith.index_cast %scan3A_401 : i32 to index
        %swap3A_482 = arith.constant 96 : index
        %swap3A_483 = tpu.vector_load %arg11[%swap3A_481, %swap3A_482] {strides = array<i32>} : memref<32x256xf32, #tpu.memory_space<vmem>>, vector<1x16xf32>,
        %swap3A_484 = vector.shape_cast %swap3A_483 : vector<1x16xf32> to vector<16xf32>
        %swap3A_485 = vector.shape_cast %add3A_480 : vector<16xf32> to vector<1x16xf32>
        tpu.vector_store %arg11[%swap3A_481, %swap3A_482], %swap3A_485 {strides = array<i32>} : memref<32x256xf32, #tpu.memory_space<vmem>>, vector<1x16xf32>,
        %get3A_486 = arith.index_cast %scan3A_401 : i32 to index
        %get3A_487 = arith.constant 112 : index
        %get3A_488 = tpu.vector_load %arg11[%get3A_486, %get3A_487] {strides = array<i32>} : memref<32x256xf32, #tpu.memory_space<vmem>>, vector<1x16xf32>,
        %get3A_489 = vector.shape_cast %get3A_488 : vector<1x16xf32> to vector<16xf32>
        %add3A_490 = arith.addf %scan3A_409, %get3A_489 : vector<16xf32>
        %swap3A_491 = arith.index_cast %scan3A_401 : i32 to index
        %swap3A_492 = arith.constant 112 : index
        %swap3A_493 = tpu.vector_load %arg11[%swap3A_491, %swap3A_492] {strides = array<i32>} : memref<32x256xf32, #tpu.memory_space<vmem>>, vector<1x16xf32>,
        %swap3A_494 = vector.shape_cast %swap3A_493 : vector<1x16xf32> to vector<16xf32>
        %swap3A_495 = vector.shape_cast %add3A_490 : vector<16xf32> to vector<1x16xf32>
        tpu.vector_store %arg11[%swap3A_491, %swap3A_492], %swap3A_495 {strides = array<i32>} : memref<32x256xf32, #tpu.memory_space<vmem>>, vector<1x16xf32>,
        %get3A_496 = arith.index_cast %scan3A_401 : i32 to index
        %get3A_497 = arith.constant 128 : index
        %get3A_498 = tpu.vector_load %arg11[%get3A_496, %get3A_497] {strides = array<i32>} : memref<32x256xf32, #tpu.memory_space<vmem>>, vector<1x16xf32>,
        %get3A_499 = vector.shape_cast %get3A_498 : vector<1x16xf32> to vector<16xf32>
        %add3A_500 = arith.addf %scan3A_410, %get3A_499 : vector<16xf32>
        %swap3A_501 = arith.index_cast %scan3A_401 : i32 to index
        %swap3A_502 = arith.constant 128 : index
        %swap3A_503 = tpu.vector_load %arg11[%swap3A_501, %swap3A_502] {strides = array<i32>} : memref<32x256xf32, #tpu.memory_space<vmem>>, vector<1x16xf32>,
        %swap3A_504 = vector.shape_cast %swap3A_503 : vector<1x16xf32> to vector<16xf32>
        %swap3A_505 = vector.shape_cast %add3A_500 : vector<16xf32> to vector<1x16xf32>
        tpu.vector_store %arg11[%swap3A_501, %swap3A_502], %swap3A_505 {strides = array<i32>} : memref<32x256xf32, #tpu.memory_space<vmem>>, vector<1x16xf32>,
        %get3A_506 = arith.index_cast %scan3A_401 : i32 to index
        %get3A_507 = arith.constant 144 : index
        %get3A_508 = tpu.vector_load %arg11[%get3A_506, %get3A_507] {strides = array<i32>} : memref<32x256xf32, #tpu.memory_space<vmem>>, vector<1x16xf32>,
        %get3A_509 = vector.shape_cast %get3A_508 : vector<1x16xf32> to vector<16xf32>
        %add3A_510 = arith.addf %scan3A_411, %get3A_509 : vector<16xf32>
        %swap3A_511 = arith.index_cast %scan3A_401 : i32 to index
        %swap3A_512 = arith.constant 144 : index
        %swap3A_513 = tpu.vector_load %arg11[%swap3A_511, %swap3A_512] {strides = array<i32>} : memref<32x256xf32, #tpu.memory_space<vmem>>, vector<1x16xf32>,
        %swap3A_514 = vector.shape_cast %swap3A_513 : vector<1x16xf32> to vector<16xf32>
        %swap3A_515 = vector.shape_cast %add3A_510 : vector<16xf32> to vector<1x16xf32>
        tpu.vector_store %arg11[%swap3A_511, %swap3A_512], %swap3A_515 {strides = array<i32>} : memref<32x256xf32, #tpu.memory_space<vmem>>, vector<1x16xf32>,
        %get3A_516 = arith.index_cast %scan3A_401 : i32 to index
        %get3A_517 = arith.constant 160 : index
        %get3A_518 = tpu.vector_load %arg11[%get3A_516, %get3A_517] {strides = array<i32>} : memref<32x256xf32, #tpu.memory_space<vmem>>, vector<1x16xf32>,
        %get3A_519 = vector.shape_cast %get3A_518 : vector<1x16xf32> to vector<16xf32>
        %add3A_520 = arith.addf %scan3A_412, %get3A_519 : vector<16xf32>
        %swap3A_521 = arith.index_cast %scan3A_401 : i32 to index
        %swap3A_522 = arith.constant 160 : index
        %swap3A_523 = tpu.vector_load %arg11[%swap3A_521, %swap3A_522] {strides = array<i32>} : memref<32x256xf32, #tpu.memory_space<vmem>>, vector<1x16xf32>,
        %swap3A_524 = vector.shape_cast %swap3A_523 : vector<1x16xf32> to vector<16xf32>
        %swap3A_525 = vector.shape_cast %add3A_520 : vector<16xf32> to vector<1x16xf32>
        tpu.vector_store %arg11[%swap3A_521, %swap3A_522], %swap3A_525 {strides = array<i32>} : memref<32x256xf32, #tpu.memory_space<vmem>>, vector<1x16xf32>,
        %get3A_526 = arith.index_cast %scan3A_401 : i32 to index
        %get3A_527 = arith.constant 176 : index
        %get3A_528 = tpu.vector_load %arg11[%get3A_526, %get3A_527] {strides = array<i32>} : memref<32x256xf32, #tpu.memory_space<vmem>>, vector<1x16xf32>,
        %get3A_529 = vector.shape_cast %get3A_528 : vector<1x16xf32> to vector<16xf32>
        %add3A_530 = arith.addf %scan3A_413, %get3A_529 : vector<16xf32>
        %swap3A_531 = arith.index_cast %scan3A_401 : i32 to index
        %swap3A_532 = arith.constant 176 : index
        %swap3A_533 = tpu.vector_load %arg11[%swap3A_531, %swap3A_532] {strides = array<i32>} : memref<32x256xf32, #tpu.memory_space<vmem>>, vector<1x16xf32>,
        %swap3A_534 = vector.shape_cast %swap3A_533 : vector<1x16xf32> to vector<16xf32>
        %swap3A_535 = vector.shape_cast %add3A_530 : vector<16xf32> to vector<1x16xf32>
        tpu.vector_store %arg11[%swap3A_531, %swap3A_532], %swap3A_535 {strides = array<i32>} : memref<32x256xf32, #tpu.memory_space<vmem>>, vector<1x16xf32>,
        %get3A_536 = arith.index_cast %scan3A_401 : i32 to index
        %get3A_537 = arith.constant 192 : index
        %get3A_538 = tpu.vector_load %arg11[%get3A_536, %get3A_537] {strides = array<i32>} : memref<32x256xf32, #tpu.memory_space<vmem>>, vector<1x16xf32>,
        %get3A_539 = vector.shape_cast %get3A_538 : vector<1x16xf32> to vector<16xf32>
        %add3A_540 = arith.addf %scan3A_414, %get3A_539 : vector<16xf32>
        %swap3A_541 = arith.index_cast %scan3A_401 : i32 to index
        %swap3A_542 = arith.constant 192 : index
        %swap3A_543 = tpu.vector_load %arg11[%swap3A_541, %swap3A_542] {strides = array<i32>} : memref<32x256xf32, #tpu.memory_space<vmem>>, vector<1x16xf32>,
        %swap3A_544 = vector.shape_cast %swap3A_543 : vector<1x16xf32> to vector<16xf32>
        %swap3A_545 = vector.shape_cast %add3A_540 : vector<16xf32> to vector<1x16xf32>
        tpu.vector_store %arg11[%swap3A_541, %swap3A_542], %swap3A_545 {strides = array<i32>} : memref<32x256xf32, #tpu.memory_space<vmem>>, vector<1x16xf32>,
        %get3A_546 = arith.index_cast %scan3A_401 : i32 to index
        %get3A_547 = arith.constant 208 : index
        %get3A_548 = tpu.vector_load %arg11[%get3A_546, %get3A_547] {strides = array<i32>} : memref<32x256xf32, #tpu.memory_space<vmem>>, vector<1x16xf32>,
        %get3A_549 = vector.shape_cast %get3A_548 : vector<1x16xf32> to vector<16xf32>
        %add3A_550 = arith.addf %scan3A_415, %get3A_549 : vector<16xf32>
        %swap3A_551 = arith.index_cast %scan3A_401 : i32 to index
        %swap3A_552 = arith.constant 208 : index
        %swap3A_553 = tpu.vector_load %arg11[%swap3A_551, %swap3A_552] {strides = array<i32>} : memref<32x256xf32, #tpu.memory_space<vmem>>, vector<1x16xf32>,
        %swap3A_554 = vector.shape_cast %swap3A_553 : vector<1x16xf32> to vector<16xf32>
        %swap3A_555 = vector.shape_cast %add3A_550 : vector<16xf32> to vector<1x16xf32>
        tpu.vector_store %arg11[%swap3A_551, %swap3A_552], %swap3A_555 {strides = array<i32>} : memref<32x256xf32, #tpu.memory_space<vmem>>, vector<1x16xf32>,
        %get3A_556 = arith.index_cast %scan3A_401 : i32 to index
        %get3A_557 = arith.constant 224 : index
        %get3A_558 = tpu.vector_load %arg11[%get3A_556, %get3A_557] {strides = array<i32>} : memref<32x256xf32, #tpu.memory_space<vmem>>, vector<1x16xf32>,
        %get3A_559 = vector.shape_cast %get3A_558 : vector<1x16xf32> to vector<16xf32>
        %add3A_560 = arith.addf %scan3A_416, %get3A_559 : vector<16xf32>
        %swap3A_561 = arith.index_cast %scan3A_401 : i32 to index
        %swap3A_562 = arith.constant 224 : index
        %swap3A_563 = tpu.vector_load %arg11[%swap3A_561, %swap3A_562] {strides = array<i32>} : memref<32x256xf32, #tpu.memory_space<vmem>>, vector<1x16xf32>,
        %swap3A_564 = vector.shape_cast %swap3A_563 : vector<1x16xf32> to vector<16xf32>
        %swap3A_565 = vector.shape_cast %add3A_560 : vector<16xf32> to vector<1x16xf32>
        tpu.vector_store %arg11[%swap3A_561, %swap3A_562], %swap3A_565 {strides = array<i32>} : memref<32x256xf32, #tpu.memory_space<vmem>>, vector<1x16xf32>,
        %get3A_566 = arith.index_cast %scan3A_401 : i32 to index
        %get3A_567 = arith.constant 240 : index
        %get3A_568 = tpu.vector_load %arg11[%get3A_566, %get3A_567] {strides = array<i32>} : memref<32x256xf32, #tpu.memory_space<vmem>>, vector<1x16xf32>,
        %get3A_569 = vector.shape_cast %get3A_568 : vector<1x16xf32> to vector<16xf32>
        %add3A_570 = arith.addf %scan3A_417, %get3A_569 : vector<16xf32>
        %swap3A_571 = arith.index_cast %scan3A_401 : i32 to index
        %swap3A_572 = arith.constant 240 : index
        %swap3A_573 = tpu.vector_load %arg11[%swap3A_571, %swap3A_572] {strides = array<i32>} : memref<32x256xf32, #tpu.memory_space<vmem>>, vector<1x16xf32>,
        %swap3A_574 = vector.shape_cast %swap3A_573 : vector<1x16xf32> to vector<16xf32>
        %swap3A_575 = vector.shape_cast %add3A_570 : vector<16xf32> to vector<1x16xf32>
        tpu.vector_store %arg11[%swap3A_571, %swap3A_572], %swap3A_575 {strides = array<i32>} : memref<32x256xf32, #tpu.memory_space<vmem>>, vector<1x16xf32>,
        scf.yield %add3A_421, %add3A_430, %add3A_440, %add3A_450, %add3A_460, %add3A_470, %add3A_480, %add3A_490, %add3A_500, %add3A_510, %add3A_520, %add3A_530, %add3A_540, %add3A_550, %add3A_560, %add3A_570 : vector<16xf32>, vector<16xf32>, vector<16xf32>, vector<16xf32>, vector<16xf32>, vector<16xf32>, vector<16xf32>, vector<16xf32>, vector<16xf32>, vector<16xf32>, vector<16xf32>, vector<16xf32>, vector<16xf32>, vector<16xf32>, vector<16xf32>, vector<16xf32>
      }
      %scan3A_394 = arith.constant 32 : i32
      %mul3A_395 = arith.constant 32 : i32
      %mul3A_396 = arith.muli %add3A_370, %mul3A_395 : i32
      %dma_start3A_397 = tpu.memref_slice %arg3[%select_n3A, %mul3A_396, %mul3A_32] : memref<4x4096x2048xf32, #tpu.memory_space<hbm>> -> memref<1x32x256xf32, #tpu.memory_space<hbm>>
      %dma_start3A_398 = tpu.memref_squeeze %dma_start3A_397 : memref<1x32x256xf32, #tpu.memory_space<hbm>> -> memref<32x256xf32, #tpu.memory_space<hbm>>
      %dma_start3A_399 = tpu.memref_slice %arg3[%select_n3A, %mul3A_396, %mul3A_32] : memref<4x4096x2048xf32, #tpu.memory_space<hbm>> -> memref<1x32x256xf32, #tpu.memory_space<hbm>>
      %dma_start3A_400 = tpu.memref_squeeze %dma_start3A_399 : memref<1x32x256xf32, #tpu.memory_space<hbm>> -> memref<32x256xf32, #tpu.memory_space<hbm>>
      tpu.enqueue_dma source(%arg11 : memref<32x256xf32, #tpu.memory_space<vmem>>) target(%dma_start3A_400 : memref<32x256xf32, #tpu.memory_space<hbm>>) target_semaphore(%arg27 : memref<!tpu.dma_semaphore, #tpu.memory_space<semaphore_mem>>)
      scf.yield %scan3A_393#0, %scan3A_393#1, %scan3A_393#2, %scan3A_393#3, %scan3A_393#4, %scan3A_393#5, %scan3A_393#6, %scan3A_393#7, %scan3A_393#8, %scan3A_393#9, %scan3A_393#10, %scan3A_393#11, %scan3A_393#12, %scan3A_393#13, %scan3A_393#14, %scan3A_393#15 : vector<16xf32>, vector<16xf32>, vector<16xf32>, vector<16xf32>, vector<16xf32>, vector<16xf32>, vector<16xf32>, vector<16xf32>, vector<16xf32>, vector<16xf32>, vector<16xf32>, vector<16xf32>, vector<16xf32>, vector<16xf32>, vector<16xf32>, vector<16xf32>
    }
    %scan3A_97 = arith.constant 16 : i32
    %dma_wait3A = arith.constant 4000 : i32
    %dma_wait3A_98 = tpu.memref_slice %arg3[%select_n3A, %dma_wait3A, %mul3A_32] : memref<4x4096x2048xf32, #tpu.memory_space<hbm>> -> memref<1x32x256xf32, #tpu.memory_space<hbm>>
    %dma_wait3A_99 = tpu.memref_squeeze %dma_wait3A_98 : memref<1x32x256xf32, #tpu.memory_space<hbm>> -> memref<32x256xf32, #tpu.memory_space<hbm>>
    %dma_wait3A_100 = arith.constant 4000 : i32
    %dma_wait3A_101 = tpu.memref_slice %arg3[%select_n3A, %dma_wait3A_100, %mul3A_32] : memref<4x4096x2048xf32, #tpu.memory_space<hbm>> -> memref<1x32x256xf32, #tpu.memory_space<hbm>>
    %dma_wait3A_102 = tpu.memref_squeeze %dma_wait3A_101 : memref<1x32x256xf32, #tpu.memory_space<hbm>> -> memref<32x256xf32, #tpu.memory_space<hbm>>
    tpu.wait_dma2 semaphore(%arg25 : memref<!tpu.dma_semaphore, #tpu.memory_space<semaphore_mem>>) src(%arg9 : memref<32x256xf32, #tpu.memory_space<vmem>>) dst(%dma_wait3A_102 : memref<32x256xf32, #tpu.memory_space<hbm>>)
    %dma_wait3A_103 = arith.constant 4032 : i32
    %dma_wait3A_104 = tpu.memref_slice %arg3[%select_n3A, %dma_wait3A_103, %mul3A_32] : memref<4x4096x2048xf32, #tpu.memory_space<hbm>> -> memref<1x32x256xf32, #tpu.memory_space<hbm>>
    %dma_wait3A_105 = tpu.memref_squeeze %dma_wait3A_104 : memref<1x32x256xf32, #tpu.memory_space<hbm>> -> memref<32x256xf32, #tpu.memory_space<hbm>>
    %dma_wait3A_106 = arith.constant 4032 : i32
    %dma_wait3A_107 = tpu.memref_slice %arg3[%select_n3A, %dma_wait3A_106, %mul3A_32] : memref<4x4096x2048xf32, #tpu.memory_space<hbm>> -> memref<1x32x256xf32, #tpu.memory_space<hbm>>
    %dma_wait3A_108 = tpu.memref_squeeze %dma_wait3A_107 : memref<1x32x256xf32, #tpu.memory_space<hbm>> -> memref<32x256xf32, #tpu.memory_space<hbm>>
    tpu.wait_dma2 semaphore(%arg26 : memref<!tpu.dma_semaphore, #tpu.memory_space<semaphore_mem>>) src(%arg10 : memref<32x256xf32, #tpu.memory_space<vmem>>) dst(%dma_wait3A_108 : memref<32x256xf32, #tpu.memory_space<hbm>>)
    %dma_wait3A_109 = arith.constant 4064 : i32
    %dma_wait3A_110 = tpu.memref_slice %arg3[%select_n3A, %dma_wait3A_109, %mul3A_32] : memref<4x4096x2048xf32, #tpu.memory_space<hbm>> -> memref<1x32x256xf32, #tpu.memory_space<hbm>>
    %dma_wait3A_111 = tpu.memref_squeeze %dma_wait3A_110 : memref<1x32x256xf32, #tpu.memory_space<hbm>> -> memref<32x256xf32, #tpu.memory_space<hbm>>
    %dma_wait3A_112 = arith.constant 4064 : i32
    %dma_wait3A_113 = tpu.memref_slice %arg3[%select_n3A, %dma_wait3A_112, %mul3A_32] : memref<4x4096x2048xf32, #tpu.memory_space<hbm>> -> memref<1x32x256xf32, #tpu.memory_space<hbm>>
    %dma_wait3A_114 = tpu.memref_squeeze %dma_wait3A_113 : memref<1x32x256xf32, #tpu.memory_space<hbm>> -> memref<32x256xf32, #tpu.memory_space<hbm>>
    tpu.wait_dma2 semaphore(%arg27 : memref<!tpu.dma_semaphore, #tpu.memory_space<semaphore_mem>>) src(%arg11 : memref<32x256xf32, #tpu.memory_space<vmem>>) dst(%dma_wait3A_114 : memref<32x256xf32, #tpu.memory_space<hbm>>)
    return
  }
}

</mosaic_0001>

<sc_bundles>
// kernel: kernel.3.cloned.1.call-start
scs
__scs_entry_jumppad:
0x0: {  	(pc) =	sbr.rel $0x88, $3  }
0x1: {  	(tag) =	ssettag $0x0;
	lr =	simm.s32 $0x1  }
0x2: {  	[smem:$0x3FA0] =	sst lr;
	_ =	strace $0xD0000000  }
0x3: {  	_ = 	snop  }
0x4: {  	_ = 	snop  }
0x5: {  	_ = 	snop  }
0x6: {  	_ = 	snop  }
0x7: {  	_ = 	snop  }
__scs_overlays_trampoline_lowered:
0x8: {  	[smem:$0x3FAF] =	sst s0  }
0x9: {  	[smem:$0x3FB0] =	sst s1  }
0xa: {  	[smem:$0x3FB1] =	sst s2  }
0xb: {  	[smem:$0x3FB2] =	sst s3  }
0xc: {  	[smem:$0x3FB3] =	sst s4  }
0xd: {  	[smem:$0x3FB4] =	sst s5  }
0xe: {  	[smem:$0x3FB5] =	sst s6  }
0xf: {  	[smem:$0x3FB6] =	sst s7  }
0x10: {  	[smem:$0x3FB7] =	sst s8  }
0x11: {  	[smem:$0x3FB8] =	sst s9;
	s0 =	simm.s32 @!p0 $0x0  }
0x12: {  	s1 =	sld [smem:$0x3F9E];
	s0 =	simm.s32 @p0 $0x1  }
0x13: {  	[smem:$0x3FB9] =	sst s0;
	s0 =	simm.s32 @!p1 $0x0  }
0x14: {  	s2 =	sld [smem:$0x3F9D];
	s0 =	simm.s32 @p1 $0x1  }
0x15: {  	[smem:$0x3FBA] =	sst s0;
	s0 =	simm.s32 @!p2 $0x0  }
0x16: {  	s3 =	sld [smem:$0x3FDB];
	s0 =	simm.s32 @p2 $0x1  }
0x17: {  	s4 =	simm.s32 $0x1BF5;
	[smem:$0x3FBC] =	sst s0  }
0x18: {  	s0 =	sld [smem:$0x3F9F];
	_ =	swait.ge [sflag:s4], $0x0  }
0x19: {  	s7 =	sld [smem:$0x3FA0]  }
0x1a: {  	s8 =	sadd.s32 $0xFFFFE003, lr  }
0x1b: {  	s9 =	sadd.s32 $0xFFFFFEF7, lr;
	s5 =	simm.s32 $0xFFFFFFFF;
	p2 =	slt.u32 s8, $0xFFFFF086  }
0x1c: {  	p1 =	slt.u32 s9, $0xF7A;
	s5 =	simm.s32 @!p2 $0x0  }
0x1d: {  	s5 =	simm.s32 @p1 $0x1;
	p0 =	seq.s32 s7, s2  }
0x1e: {  	s7 =	smul.u32 @!p0 $0xF7A, s2;
	p2 =	seq.s32 @!p0 s5, $0x0  }
0x1f: {  	s9 =	smul.u32 $0xF7A, s1;
	s8 =	simm.s32 @!p0 $0x1BF5;
	p2 =	por !p2, p0  }
0x20: {  	[sflag:s8] =	ssyncset.s32 @!p0 $0xFFFFF086;
	s6 =	sadd.s32 @!p0 s3, s7;
	s7 =	simm.s32 @!p0 $0x108  }
0x21: {  	s3 =	sadd.s32 s3, s9;
	s6 =	sadd.s32 @!p0 $0x88, s6;
	s7 =	simm.s32 @p2 $0x1082  }
0x22: {  	[simem:s7], [sflag:s8] =	dma.local @!p0 [hbm:s6], $0xF7A  }
0x23: {  	s9 =	sor.u32 $0xD0000000, s2;
	s6 =	simm.s32 $0x108;
	_ =	swait.ge @!p0 [sflag:s8], $0x0  }
0x24: {  	s3 =	sadd.s32 $0x88, s3;
	s6 =	simm.s32 @!p1 $0x1082;
	[sflag:s4] =	ssyncset.s32 $0xFFFFF086  }
0x25: {  	[simem:s6], [sflag:s4] =	dma.local [hbm:s3], $0xF7A  }
0x26: {  	[smem:$0x3FA0] =	sst s1;
	(tag) =	ssettag s2;
	_ =	strace s9  }
0x27: {  	s1 =	sld [smem:$0x3FB0]  }
0x28: {  	s2 =	sld [smem:$0x3FB1]  }
0x29: {  	s4 =	sld [smem:$0x3FB3]  }
0x2a: {  	p0 =	seq.s32 s5, $0x0;
	s5 =	sld [smem:$0x3FB4]  }
0x2b: {  	s6 =	sld [smem:$0x3FB5]  }
0x2c: {  	s7 =	sld [smem:$0x3FB6]  }
0x2d: {  	s3 =	simm.s32 $0x108;
	s8 =	sld [smem:$0x3FB7]  }
0x2e: {  	s3 =	simm.s32 @!p0 $0x1082;
	s9 =	sld [smem:$0x3FB8]  }
0x2f: {  	lr =	sadd.s32 s0, s3;
	s0 =	sld [smem:$0x3FAF]  }
0x30: {  	s3 =	sld [smem:$0x3FB2]  }
0x31: {  	[smem:$0x3FBB] =	sst s10  }
0x32: {  	s10 =	sld [smem:$0x3FB9];
	_ =	sdelay $0x3  }
0x33: {  	p0 =	seq.s32 s10, $0x1;
	s10 =	sld [smem:$0x3FBB];
	_ =	sdelay $0x3  }
0x34: {  	[smem:$0x3FBB] =	sst s10  }
0x35: {  	s10 =	sld [smem:$0x3FBA];
	_ =	sdelay $0x3  }
0x36: {  	p1 =	seq.s32 s10, $0x1;
	s10 =	sld [smem:$0x3FBB];
	_ =	sdelay $0x3  }
0x37: {  	[smem:$0x3FBB] =	sst s10  }
0x38: {  	s10 =	sld [smem:$0x3FBC]  }
0x39: {  	_ = 	snop;
	(pc) =	sbr.ind lr, $3  }
0x3a: {  	_ = 	snop  }
0x3b: {  	_ = 	snop  }
0x3c: {  	p2 =	seq.s32 s10, $0x1;
	s10 =	sld [smem:$0x3FBB]  }
0x3d: {  	_ =	shalt  }
0x3e: {  	_ =	shalt  }
0x3f: {  	_ =	shalt  }
0x40: {  	_ =	shalt  }
0x41: {  	_ =	shalt  }
0x42: {  	_ =	shalt  }
0x43: {  	_ =	shalt  }
0x44: {  	_ =	shalt  }
0x45: {  	_ =	shalt  }
0x46: {  	_ =	shalt  }
0x47: {  	_ =	shalt  }
0x48: {  	_ =	shalt  }
0x49: {  	_ =	shalt  }
0x4a: {  	_ =	shalt  }
0x4b: {  	_ =	shalt  }
0x4c: {  	_ =	shalt  }
0x4d: {  	_ =	shalt  }
0x4e: {  	_ =	shalt  }
0x4f: {  	_ =	shalt  }
0x50: {  	_ =	shalt  }
0x51: {  	_ =	shalt  }
0x52: {  	_ =	shalt  }
0x53: {  	_ =	shalt  }
0x54: {  	_ =	shalt  }
0x55: {  	_ =	shalt  }
0x56: {  	_ =	shalt  }
0x57: {  	_ =	shalt  }
0x58: {  	_ =	shalt  }
0x59: {  	_ =	shalt  }
0x5a: {  	_ =	shalt  }
0x5b: {  	_ =	shalt  }
0x5c: {  	_ =	shalt  }
0x5d: {  	_ =	shalt  }
0x5e: {  	_ =	shalt  }
0x5f: {  	_ =	shalt  }
0x60: {  	_ =	shalt  }
0x61: {  	_ =	shalt  }
0x62: {  	_ =	shalt  }
0x63: {  	_ =	shalt  }
0x64: {  	_ =	shalt  }
0x65: {  	_ =	shalt  }
0x66: {  	_ =	shalt  }
0x67: {  	_ =	shalt  }
0x68: {  	_ =	shalt  }
0x69: {  	_ =	shalt  }
0x6a: {  	_ =	shalt  }
0x6b: {  	_ =	shalt  }
0x6c: {  	_ =	shalt  }
0x6d: {  	_ =	shalt  }
0x6e: {  	_ =	shalt  }
0x6f: {  	_ =	shalt  }
0x70: {  	_ =	shalt  }
0x71: {  	_ =	shalt  }
0x72: {  	_ =	shalt  }
0x73: {  	_ =	shalt  }
0x74: {  	_ =	shalt  }
0x75: {  	_ =	shalt  }
0x76: {  	_ =	shalt  }
0x77: {  	_ =	shalt  }
0x78: {  	_ =	shalt  }
0x79: {  	_ =	shalt  }
0x7a: {  	_ =	shalt  }
0x7b: {  	_ =	shalt  }
0x7c: {  	_ =	shalt  }
0x7d: {  	_ =	shalt  }
0x7e: {  	_ =	shalt  }
0x7f: {  	_ =	shalt  }
0x80: {  	_ =	shalt  }
0x81: {  	_ =	shalt  }
0x82: {  	_ =	shalt  }
0x83: {  	_ =	shalt  }
0x84: {  	_ =	shalt  }
0x85: {  	_ =	shalt  }
0x86: {  	_ =	shalt  }
0x87: {  	_ =	shalt  }
.Lfunc_end0:
.L_simem_size_0:
called_computation_lowered:
.L_overlay_start_0:
0x88: {  	s2 =	sld [smem:$0x3FD9]  }
0x89: {  	s3 =	sld [smem:$0x3FFE];
	_ =	sdelay $0x1  }
0x8a: {  	s1 =	srdreg.scid  }
0x8b: {  	s0 =	sand.u32 $0x1, s1  }
0x8c: {  	s18 =	sshll.u32 s0, $0xA;
	s2 =	sadd.s32 s3, s2  }
0x8d: {  	s2 =	sadd.s32 s2, s18  }
0x8e: {  	[smem:$0x3FC7] =	sst s2  }
0x8f: {  	_ = 	snop  }
0x90: {  	s2 =	sld [smem:$0x3FC9]  }
0x91: {  	s19 =	sld [smem:$0x3FD0];
	(tm) =	ssettm $0x1  }
0x92: {  	s4 =	sld [smem:$0x3FFB];
	_ =	sdelay $0x3  }
0x93: {  	_ =	strace s4  }
0x94: {  	s4 =	sld [smem:$0x3FFC];
	_ =	sdelay $0x3  }
0x95: {  	_ =	strace s4  }
0x96: {  	s4 =	sld [smem:$0x3FFD];
	_ =	sdelay $0x3  }
0x97: {  	_ =	strace s4  }
0x98: {  	_ =	strace $0x8FFFFFFF  }
0x99: {  	s20 =	sld [smem:$0x3FDB];
	_ =	sdelay $0x1  }
0x9a: {  	s5 =	simm.s32 $_scs_section_size  }
0x9b: {  	s6 =	simm.s32 $_size__tile_overlayer_lowered;
	s7 =	simm.s32 $_tile_overlayer_lowered  }
0x9c: {  	s23 =	simm.s32 $0x1BFF;
	s22 =	sshll.u32 s7, $0x1;
	s4 =	sadd.s32 s5, s20  }
0x9d: {  	s8 =	simm.s32 $0x0;
	s21 =	sshll.u32 s6, $0x1;
	s6 =	sadd.s32 s22, s4  }
0x9e: {  	[timem:s8], [sflag:s23] =	dma.local [hbm:s6], s21  }
0x9f: {  	_ =	swait.ge [sflag:s23], s21  }
0xa0: {  	s5 =	ssub.s32 $0x0, s21;
	[sflag:s23] =	ssyncset.done $0x0  }
0xa1: {  	[sflag:s23] =	ssyncadd.s32 s5;
	_ =	sdelay $0x1  }
0xa2: {  	s24 =	simm.s32 $0x1B8B  }
0xa3: {  	_ =	swait.ge [sflag:s24], $0x1  }
0xa4: {  	[sflag:s24] =	ssyncset.done $0x0  }
0xa5: {  	s25 =	simm.s32 $0x1B8E;
	[sflag:s24] =	ssyncadd.s32 $0xFFFFFFFF  }
0xa6: {  	s26 =	simm.s32 $execute0_lowered;
	[smem:$0x3FD2] =	sst s25  }
0xa7: {  	s5 =	sshll.u32 s26, $0x1;
	_ =	strace $0x80000046;
	[dreg:$0x1] =	wrdreg $0xFFFFFFFF  }
0xa8: {  	s28 =	simm.s32 $_size_execute0_lowered;
	s4 =	sadd.s32 s4, s5;
	[dreg:$0x0] =	wrdreg $0x0  }
0xa9: {  	s5 =	sshll.u32 s28, $0x1;
	[dreg:$0x2] =	wrdreg s4  }
0xaa: {  	[dreg:$0x3] =	wrdreg s5  }
0xab: {  	[dreg:$0x4] =	wrdreg $0xC0  }
0xac: {  	_ =	task [dreg:s8], $0x5FFFF  }
0xad: {  	[dreg:$0x1] =	wrdreg $0xFFFFFFFF  }
0xae: {  	[dreg:$0x0] =	wrdreg $0x60  }
0xaf: {  	[dreg:$0x2] =	wrdreg s2  }
0xb0: {  	[dreg:$0x3] =	wrdreg s19  }
0xb1: {  	[dreg:$0x4] =	wrdreg $0x9  }
0xb2: {  	_ =	task.clear_ibuf [dreg:s8], $0x5FFFF;
	_ =	strace $0x90000046  }
0xb3: {  	s29 =	simm.s32 $0x9;
	_ =	strace $0x80000048  }
0xb4: {  	_ =	swait.ge [sflag:s29], $0x1  }
0xb5: {  	[sflag:s29] =	ssyncadd.s32 $0xFFFFFFFF  }
0xb6: {  	_ =	strace $0x90000048  }
0xb7: {  	_ =	sfence  }
0xb8: {  	s30 =	sld [smem:$0x0];
	_ =	sdelay $0x2  }
0xb9: {  	s31 =	sshll.u32 s1, $0xD;
	s1 =	sshrl.u32 s1, $0x2  }
0xba: {  	s3 =	sand.u32 $0x4000, s31;
	s1 =	sadd.s32 s1, s30  }
0xbb: {  	s0 =	sor.u32 s3, s0;
	s1 =	sshll.u32 s1, $0x11  }
0xbc: {  	s0 =	sor.u32 s1, s0  }
0xbd: {  	s0 =	sadd.s32 $0x8F2B, s0  }
0xbe: {  	[sflag:s0] =	ssyncadd.remote.s32 $0x1  }
0xbf: {  	_ =	sfence.sel $0xFFFF  }
0xc0: {  	[dreg:$0x0] =	wrdreg $0xFFFFFFFF;
	(pc) =	sbr.abs _section_cstart, $3  }
0xc1: {  	[dreg:$0x1] =	wrdreg $0xFFFFFFFF  }
0xc2: {  	_ =	task.clear_ibuf [dreg:s8], $0x2FFFF;
	_ =	strace $0x9FFFFFFF  }
0xc3: {  	(tm) =	ssettm $0x7FFFFFFF  }
tec
execute0_lowered:
.L_overlay_start_1:
0x0: {  	(tag) =	ssettag $0x1  }
0x1: {  	s0 =	srdreg.scid;
	s2 =	stileid.u32  }
0x2: {  	s3 =	simm.s32 $0x1;
	s5 =	simm.s32 $0x0;
	s0 =	sand.u32 $0x1, s0  }
0x3: {  	s7 =	simm.s32 $0x1;
	s28 =	simm.s32 $0xC000;
	s1 =	sshll.u32 s0, $0x4  }
0x4: {  	s29 =	simm.s32 $0x2;
	s4 =	sand.u32 $0x7, s2;
	s1 =	sor.u32 s2, s1  }
0x5: {  	s30 =	simm.s32 $0xE000;
	p1 =	sne.s32 s4, $0x0;
	p0 =	seq.s32 s1, $0x0  }
0x6: {  	s31 =	simm.s32 $0x3;
	s8 =	simm.s32 $0xA;
	p0 =	por !p1, !p0  }
0x7: {  	s9 =	simm.s32 $0x5;
	[smem:$0x7FF] =	sst s5;
	p0 =	por !p0, !p0  }
0x8: {  	s0 =	ssub.s32 $0x2, s0;
	s1 =	sshrl.u32 s1, $0x3;
	s3 =	simm.s32 @!p0 $0x0  }
0x9: {  	s4 =	sshll.u32 s4, $0xB;
	s14 =	sshrl.u32 s0, $0x1;
	s1 =	ssub.s32 s1, s3  }
0xa: {  	s2 =	rddreg [dreg:$0x0];
	s0 =	ssub.s32 s0, s14;
	s1 =	sshll.u32 s1, $0x17  }
0xb: {  	s0 =	smax.u32 s0, $0x1;
	s3 =	rddreg [dreg:$0x1];
	s6 =	sor.u32 s4, s1  }
0xc: {  	_ =	strace $0x80000047;
	[dreg:$0x10] =	wrdreg s0;
	s18 =	sor.u32 $0x50000, s6  }
0xd: {  	s10 =	simm.s32 $0xB;
	s19 =	sor.u32 $0x60000, s6;
	[dreg:$0x8] =	wrdreg s18  }
0xe: {  	s11 =	simm.s32 $0x6;
	s20 =	sor.u32 $0x70000, s6;
	[dreg:$0x9] =	wrdreg s19  }
0xf: {  	s13 =	simm.s32 $0x0;
	s21 =	sor.u32 $0x80000, s6;
	[dreg:$0xa] =	wrdreg s20  }
0x10: {  	s0 =	simm.s32 $0x4;
	s22 =	sor.u32 $0x90000, s6;
	[dreg:$0xb] =	wrdreg s21  }
0x11: {  	s4 =	simm.s32 $0xD;
	s23 =	sor.u32 $0xA0000, s6;
	[dreg:$0xc] =	wrdreg s22  }
0x12: {  	s1 =	sshrl.u32 s6, $0x3;
	s24 =	sor.u32 $0xB0000, s6;
	[dreg:$0xd] =	wrdreg s23  }
0x13: {  	s26 =	smov.u32 s6;
	s25 =	sor.u32 $0xC0000, s6;
	[dreg:$0xe] =	wrdreg s24  }
0x14: {  	s6 =	simm.s32 $0x7;
	s1 =	sadd.s32 s2, s1;
	[dreg:$0xf] =	wrdreg s25  }
0x15: {  	s21 =	simm.s32 $0x800;
	s15 =	sadd.s32 $0x2000, s1;
	[dreg:$0x3] =	wrdreg s1  }
0x16: {  	s22 =	simm.s32 $0x4000;
	s16 =	sadd.s32 $0x4000, s1;
	[dreg:$0x4] =	wrdreg s15  }
0x17: {  	s18 =	simm.s32 $0xA000;
	s17 =	sadd.s32 $0x6000, s1;
	[dreg:$0x5] =	wrdreg s16  }
0x18: {  	s20 =	simm.s32 $0xC;
	s1 =	sadd.s32 $0x8000, s1;
	[dreg:$0x6] =	wrdreg s17  }
0x19: {  	s23 =	simm.s32 $0x8;
	[dreg:$0x7] =	wrdreg s1;
	s1 =	simm.s32 $0x9  }
.LBB2_1:
0x1a: {  	s5 =	simm.s32 $0x0;
	s12 =	rddreg [dreg:$0x3]  }
0x1b: {  	[tilespmem:s5], [sflag:$0x1] =	stream.strided.gather [hbm4b:s12+s21], $0x2000, s22, s21, $0x38;
	[tilespmem:$0x10000] =	vst v63  }
0x1c: {  	s14 =	rddreg [dreg:$0x4];
	s15 =	simm.s32 $0x2000  }
0x1d: {  	[tilespmem:s15], [sflag:$0x2] =	stream.strided.gather [hbm4b:s14+s21], $0x2000, s22, s21, $0x38;
	[tilespmem:$0x10000] =	vst v63  }
0x1e: {  	s16 =	rddreg [dreg:$0x5]  }
0x1f: {  	v0 =	vimm.f32 $0.0e+00;
	[tilespmem:s22], [sflag:$0x3] =	stream.strided.gather [hbm4b:s16+s21], $0x2000, s22, s21, $0x38;
	[tilespmem:$0x10000] =	vst v63  }
0x20: {  	s17 =	rddreg [dreg:$0x6];
	s19 =	simm.s32 $0x6000;
	v1 =	vimm.f32 $0.0e+00;
	v2 =	vimm.f32 $0.0e+00;
	v3 =	vimm.f32 $0.0e+00  }
0x21: {  	v4 =	vimm.f32 $0.0e+00;
	v5 =	vimm.f32 $0.0e+00;
	v6 =	vimm.f32 $0.0e+00;
	[tilespmem:s19], [sflag:$0x4] =	stream.strided.gather [hbm4b:s17+s21], $0x2000, s22, s21, $0x38;
	[tilespmem:$0x10000] =	vst v63  }
0x22: {  	s24 =	rddreg [dreg:$0x7];
	s25 =	simm.s32 $0x8000;
	v7 =	vimm.f32 $0.0e+00;
	v8 =	vimm.f32 $0.0e+00;
	v9 =	vimm.f32 $0.0e+00  }
0x23: {  	v10 =	vimm.f32 $0.0e+00;
	v11 =	vimm.f32 $0.0e+00;
	v12 =	vimm.f32 $0.0e+00;
	[tilespmem:s25], [sflag:$0x5] =	stream.strided.gather [hbm4b:s24+s21], $0x2000, s22, s21, $0x38;
	[tilespmem:$0x10000] =	vst v63  }
0x24: {  	[dreg:$0x11] =	wrdreg s13;
	v13 =	vimm.f32 $0.0e+00;
	v14 =	vimm.f32 $0.0e+00;
	v15 =	vimm.f32 $0.0e+00;
	s24 =	simm.s32 $0x0  }
.LBB2_2:
0x25: {  	p0 =	seq.s32 s24, $0x0  }
0x26: {  	s5 =	simm.s32 @!p0 $0xE  }
0x27: {  	_ =	swait.ge @!p0 [sflag:s5], $0x2000  }
0x28: {  	s25 =	sshll.u32 s24, $0x13;
	s12 =	rddreg [dreg:$0x8]  }
0x29: {  	s12 =	sadd.s32 s12, s25  }
0x2a: {  	[sflag:s5] =	ssyncset.done @!p0 $0x0;
	s12 =	sshrl.u32 s12, $0x3  }
0x2b: {  	[sflag:s5] =	ssyncadd.s32 @!p0 $0xFFFFE000;
	s17 =	sadd.s32 s2, s12  }
0x2c: {  	[tilespmem:s18], [sflag:$0x6] =	stream.strided.gather [hbm4b:s17+s21], $0x2000, s22, s21, $0x38;
	[tilespmem:$0x10000] =	vst v63  }
0x2d: {  	s19 =	simm.s32 $0x0;
	_ =	swait.ge [sflag:s7], $0x2000  }
0x2e: {  	s13 =	sand.u32 $0x1800, s19;
	s5 =	sand.u32 $0x380, s19;
	[sflag:s7] =	ssyncset.done $0x0  }
0x2f: {  	s13 =	sor.u32 s5, s13;
	[sflag:s7] =	ssyncadd.s32 $0xFFFFE000  }
0x30: {  	v16 =	vld [tilespmem:s13+$0x0]  }
0x31: {  	v17 =	vld [tilespmem:s13+$0x10]  }
0x32: {  	v18 =	vld [tilespmem:s13+$0x20]  }
0x33: {  	v19 =	vld [tilespmem:s13+$0x30]  }
0x34: {  	v20 =	vld [tilespmem:s13+$0x40]  }
0x35: {  	v15 =	vadd.f32 v16, v15;
	v16 =	vld [tilespmem:s13+$0x50]  }
0x36: {  	v14 =	vadd.f32 v17, v14;
	v17 =	vld [tilespmem:s13+$0x60]  }
0x37: {  	v21 =	vld [tilespmem:s13+$0x70];
	v13 =	vadd.f32 v18, v13;
	[tilespmem:s13+$0x0] =	vst v15  }
0x38: {  	v22 =	vld [tilespmem:s13+$0x400];
	v12 =	vadd.f32 v19, v12;
	[tilespmem:s13+$0x10] =	vst v14  }
0x39: {  	v11 =	vadd.f32 v20, v11;
	v19 =	vld [tilespmem:s13+$0x410];
	[tilespmem:s13+$0x20] =	vst v13  }
0x3a: {  	v18 =	vld [tilespmem:s13+$0x420];
	[tilespmem:s13+$0x30] =	vst v12;
	v10 =	vadd.f32 v16, v10  }
0x3b: {  	[tilespmem:s13+$0x40] =	vst v11;
	v9 =	vadd.f32 v17, v9;
	v16 =	vld [tilespmem:s13+$0x430]  }
0x3c: {  	v8 =	vadd.f32 v21, v8;
	v17 =	vld [tilespmem:s13+$0x440];
	[tilespmem:s13+$0x50] =	vst v10  }
0x3d: {  	s14 =	simm.s32 $0x100;
	s5 =	simm.s32 $0x80;
	v7 =	vadd.f32 v22, v7;
	v20 =	vld [tilespmem:s13+$0x450];
	[tilespmem:s13+$0x60] =	vst v9  }
.LBB2_3:
0x3e: {  	s15 =	sand.u32 $0x1800, s14;
	s16 =	sand.u32 $0x380, s5;
	p1 =	sne.s32 s14, $0x1F00;
	[tilespmem:s13+$0x70] =	vst v8;
	v6 =	vadd.f32 v19, v6;
	v19 =	vld [tilespmem:s13+$0x460]  }
0x3f: {  	s15 =	sor.u32 s16, s15;
	[tilespmem:s13+$0x400] =	vst v7;
	v5 =	vadd.f32 v18, v5;
	v18 =	vld [tilespmem:s13+$0x470]  }
0x40: {  	v21 =	vld [tilespmem:s15+$0x0];
	[tilespmem:s13+$0x410] =	vst v6;
	v4 =	vadd.f32 v16, v4  }
0x41: {  	v16 =	vld [tilespmem:s15+$0x10];
	[tilespmem:s13+$0x420] =	vst v5;
	v3 =	vadd.f32 v17, v3  }
0x42: {  	v17 =	vld [tilespmem:s15+$0x20];
	[tilespmem:s13+$0x430] =	vst v4;
	v2 =	vadd.f32 v20, v2  }
0x43: {  	v20 =	vld [tilespmem:s15+$0x30];
	[tilespmem:s13+$0x440] =	vst v3;
	v1 =	vadd.f32 v19, v1  }
0x44: {  	v19 =	vld [tilespmem:s15+$0x40];
	[tilespmem:s13+$0x450] =	vst v2;
	v0 =	vadd.f32 v18, v0  }
0x45: {  	v15 =	vadd.f32 v21, v15;
	v18 =	vld [tilespmem:s15+$0x50];
	[tilespmem:s13+$0x460] =	vst v1  }
0x46: {  	v14 =	vadd.f32 v16, v14;
	v16 =	vld [tilespmem:s15+$0x60];
	[tilespmem:s13+$0x470] =	vst v0;
	s13 =	smov.u32 s15  }
0x47: {  	[tilespmem:s13+$0x0] =	vst v15;
	v13 =	vadd.f32 v17, v13;
	v17 =	vld [tilespmem:s13+$0x70]  }
0x48: {  	[tilespmem:s13+$0x10] =	vst v14;
	v12 =	vadd.f32 v20, v12;
	v20 =	vld [tilespmem:s13+$0x400]  }
.Ltmp0:
0x49: {  	[tilespmem:s13+$0x20] =	vst v13;
	v11 =	vadd.f32 v19, v11;
	v19 =	vld [tilespmem:s13+$0x410];
	(pc) =	sbr.rel @p1 .LBB2_3-.Ltmp0, $4  }
0x4a: {  	[tilespmem:s13+$0x30] =	vst v12;
	v10 =	vadd.f32 v18, v10;
	v18 =	vld [tilespmem:s13+$0x420]  }
0x4b: {  	[tilespmem:s13+$0x40] =	vst v11;
	v9 =	vadd.f32 v16, v9;
	v16 =	vld [tilespmem:s13+$0x430]  }
0x4c: {  	[tilespmem:s13+$0x50] =	vst v10;
	v8 =	vadd.f32 v17, v8;
	v17 =	vld [tilespmem:s13+$0x440]  }
0x4d: {  	s5 =	sadd.s32 $0x80, s5;
	s14 =	sadd.s32 $0x100, s14;
	[tilespmem:s13+$0x60] =	vst v9;
	v7 =	vadd.f32 v20, v7;
	v20 =	vld [tilespmem:s13+$0x450]  }
0x4e: {  	[tilespmem:s13+$0x70] =	vst v8;
	v6 =	vadd.f32 v19, v6;
	v19 =	vld [tilespmem:s13+$0x460]  }
0x4f: {  	[tilespmem:s13+$0x400] =	vst v7;
	v5 =	vadd.f32 v18, v5;
	v18 =	vld [tilespmem:s13+$0x470]  }
0x50: {  	[tilespmem:s13+$0x410] =	vst v6;
	v4 =	vadd.f32 v16, v4  }
0x51: {  	[tilespmem:s13+$0x420] =	vst v5;
	v3 =	vadd.f32 v17, v3  }
0x52: {  	[tilespmem:s13+$0x430] =	vst v4;
	v2 =	vadd.f32 v20, v2  }
0x53: {  	[tilespmem:s13+$0x440] =	vst v3;
	v1 =	vadd.f32 v19, v1  }
0x54: {  	s5 =	sor.u32 s25, s26;
	[tilespmem:s13+$0x450] =	vst v2;
	v0 =	vadd.f32 v18, v0  }
0x55: {  	s5 =	sshrl.u32 s5, $0x3;
	[tilespmem:s13+$0x460] =	vst v1  }
0x56: {  	s14 =	simm.s32 $0x0;
	s16 =	sadd.s32 s3, s5;
	[tilespmem:s13+$0x470] =	vst v0  }
0x57: {  	[hbm4b:s16+s21] =	stream.strided.scatter [tilespmem:s14], [sflag:$0x9], $0x2000, s22, s21, $0x38;
	[tilespmem:$0x10000] =	vst v63  }
0x58: {  	s14 =	simm.s32 @!p0 $0xF  }
0x59: {  	_ =	swait.ge @!p0 [sflag:s14], $0x2000  }
0x5a: {  	s17 =	rddreg [dreg:$0x9]  }
0x5b: {  	s13 =	sadd.s32 s17, s25  }
0x5c: {  	[sflag:s14] =	ssyncset.done @!p0 $0x0;
	s13 =	sshrl.u32 s13, $0x3  }
0x5d: {  	[sflag:s14] =	ssyncadd.s32 @!p0 $0xFFFFE000;
	s18 =	sadd.s32 s2, s13  }
0x5e: {  	[tilespmem:s28], [sflag:$0x7] =	stream.strided.gather [hbm4b:s18+s21], $0x2000, s22, s21, $0x38;
	[tilespmem:$0x10000] =	vst v63  }
0x5f: {  	s19 =	simm.s32 $0x0;
	_ =	swait.ge [sflag:s29], $0x2000  }
0x60: {  	s15 =	sand.u32 $0x1800, s19;
	s14 =	sand.u32 $0x380, s19;
	[sflag:s29] =	ssyncset.done $0x0  }
0x61: {  	s15 =	sor.u32 s14, s15;
	[sflag:s29] =	ssyncadd.s32 $0xFFFFE000  }
0x62: {  	v16 =	vld [tilespmem:s15+$0x2000]  }
0x63: {  	v17 =	vld [tilespmem:s15+$0x2010]  }
0x64: {  	v18 =	vld [tilespmem:s15+$0x2020]  }
0x65: {  	v19 =	vld [tilespmem:s15+$0x2030]  }
0x66: {  	v20 =	vld [tilespmem:s15+$0x2040]  }
0x67: {  	v15 =	vadd.f32 v16, v15;
	v16 =	vld [tilespmem:s15+$0x2050]  }
0x68: {  	v14 =	vadd.f32 v17, v14;
	v17 =	vld [tilespmem:s15+$0x2060]  }
0x69: {  	v22 =	vld [tilespmem:s15+$0x2070];
	v13 =	vadd.f32 v18, v13;
	[tilespmem:s15+$0x2000] =	vst v15  }
0x6a: {  	v23 =	vld [tilespmem:s15+$0x2400];
	v12 =	vadd.f32 v19, v12;
	[tilespmem:s15+$0x2010] =	vst v14  }
0x6b: {  	v11 =	vadd.f32 v20, v11;
	v18 =	vld [tilespmem:s15+$0x2410];
	[tilespmem:s15+$0x2020] =	vst v13  }
0x6c: {  	v19 =	vld [tilespmem:s15+$0x2420];
	[tilespmem:s15+$0x2030] =	vst v12;
	v16 =	vadd.f32 v16, v10  }
0x6d: {  	v20 =	vld [tilespmem:s15+$0x2430];
	[tilespmem:s15+$0x2040] =	vst v11;
	v17 =	vadd.f32 v17, v9  }
0x6e: {  	v21 =	vld [tilespmem:s15+$0x2440];
	v9 =	vadd.f32 v22, v8;
	[tilespmem:s15+$0x2050] =	vst v16  }
0x6f: {  	s16 =	simm.s32 $0x100;
	s14 =	simm.s32 $0x80;
	v10 =	vadd.f32 v23, v7;
	v7 =	vld [tilespmem:s15+$0x2450];
	[tilespmem:s15+$0x2060] =	vst v17  }
.LBB2_5:
0x70: {  	s17 =	sand.u32 $0x1800, s16;
	s18 =	sand.u32 $0x380, s14;
	p1 =	sne.s32 s16, $0x1F00;
	[tilespmem:s15+$0x2070] =	vst v9;
	v6 =	vadd.f32 v18, v6;
	v8 =	vld [tilespmem:s15+$0x2460]  }
0x71: {  	s17 =	sor.u32 s18, s17;
	[tilespmem:s15+$0x2400] =	vst v10;
	v5 =	vadd.f32 v19, v5;
	v18 =	vld [tilespmem:s15+$0x2470]  }
0x72: {  	v19 =	vld [tilespmem:s17+$0x2000];
	[tilespmem:s15+$0x2410] =	vst v6;
	v4 =	vadd.f32 v20, v4  }
0x73: {  	v20 =	vld [tilespmem:s17+$0x2010];
	[tilespmem:s15+$0x2420] =	vst v5;
	v3 =	vadd.f32 v21, v3  }
0x74: {  	v21 =	vld [tilespmem:s17+$0x2020];
	[tilespmem:s15+$0x2430] =	vst v4;
	v2 =	vadd.f32 v7, v2  }
0x75: {  	v7 =	vld [tilespmem:s17+$0x2030];
	[tilespmem:s15+$0x2440] =	vst v3;
	v1 =	vadd.f32 v8, v1  }
0x76: {  	v8 =	vld [tilespmem:s17+$0x2040];
	[tilespmem:s15+$0x2450] =	vst v2;
	v0 =	vadd.f32 v18, v0  }
0x77: {  	v15 =	vadd.f32 v19, v15;
	v19 =	vld [tilespmem:s17+$0x2050];
	[tilespmem:s15+$0x2460] =	vst v1  }
0x78: {  	v14 =	vadd.f32 v20, v14;
	v20 =	vld [tilespmem:s17+$0x2060];
	[tilespmem:s15+$0x2470] =	vst v0;
	s15 =	smov.u32 s17  }
0x79: {  	[tilespmem:s15+$0x2000] =	vst v15;
	v13 =	vadd.f32 v21, v13;
	v21 =	vld [tilespmem:s15+$0x2070]  }
0x7a: {  	[tilespmem:s15+$0x2010] =	vst v14;
	v12 =	vadd.f32 v7, v12;
	v7 =	vld [tilespmem:s15+$0x2400]  }
.Ltmp1:
0x7b: {  	[tilespmem:s15+$0x2020] =	vst v13;
	v11 =	vadd.f32 v8, v11;
	v18 =	vld [tilespmem:s15+$0x2410];
	(pc) =	sbr.rel @p1 .LBB2_5-.Ltmp1, $4  }
0x7c: {  	[tilespmem:s15+$0x2030] =	vst v12;
	v16 =	vadd.f32 v19, v16;
	v19 =	vld [tilespmem:s15+$0x2420]  }
0x7d: {  	[tilespmem:s15+$0x2040] =	vst v11;
	v17 =	vadd.f32 v20, v17;
	v20 =	vld [tilespmem:s15+$0x2430]  }
0x7e: {  	[tilespmem:s15+$0x2050] =	vst v16;
	v9 =	vadd.f32 v21, v9;
	v21 =	vld [tilespmem:s15+$0x2440]  }
0x7f: {  	s14 =	sadd.s32 $0x80, s14;
	s16 =	sadd.s32 $0x100, s16;
	[tilespmem:s15+$0x2060] =	vst v17;
	v10 =	vadd.f32 v7, v10;
	v7 =	vld [tilespmem:s15+$0x2450]  }
0x80: {  	[tilespmem:s15+$0x2070] =	vst v9;
	v18 =	vadd.f32 v18, v6;
	v6 =	vld [tilespmem:s15+$0x2460]  }
0x81: {  	[tilespmem:s15+$0x2400] =	vst v10;
	v19 =	vadd.f32 v19, v5;
	v5 =	vld [tilespmem:s15+$0x2470]  }
0x82: {  	[tilespmem:s15+$0x2410] =	vst v18;
	v20 =	vadd.f32 v20, v4  }
0x83: {  	[tilespmem:s15+$0x2420] =	vst v19;
	v21 =	vadd.f32 v21, v3  }
0x84: {  	[tilespmem:s15+$0x2430] =	vst v20;
	v22 =	vadd.f32 v7, v2  }
0x85: {  	[tilespmem:s15+$0x2440] =	vst v21;
	v23 =	vadd.f32 v6, v1  }
0x86: {  	[tilespmem:s15+$0x2450] =	vst v22;
	v24 =	vadd.f32 v5, v0  }
0x87: {  	s14 =	sadd.s32 s5, s3;
	[tilespmem:s15+$0x2460] =	vst v23  }
0x88: {  	s16 =	simm.s32 $0x2000;
	s5 =	sadd.s32 $0x2000, s14;
	[tilespmem:s15+$0x2470] =	vst v24;
	s15 =	simm.s32 @!p0 $0x10  }
0x89: {  	[hbm4b:s5+s21] =	stream.strided.scatter [tilespmem:s16], [sflag:$0xA], $0x2000, s22, s21, $0x38;
	[tilespmem:$0x10000] =	vst v63  }
0x8a: {  	_ =	swait.ge @!p0 [sflag:s15], $0x2000  }
0x8b: {  	s17 =	rddreg [dreg:$0xa]  }
0x8c: {  	s5 =	sadd.s32 s17, s25  }
0x8d: {  	[sflag:s15] =	ssyncset.done @!p0 $0x0;
	s5 =	sshrl.u32 s5, $0x3  }
0x8e: {  	[sflag:s15] =	ssyncadd.s32 @!p0 $0xFFFFE000;
	s18 =	sadd.s32 s2, s5  }
0x8f: {  	[tilespmem:s30], [sflag:$0x8] =	stream.strided.gather [hbm4b:s18+s21], $0x2000, s22, s21, $0x38;
	[tilespmem:$0x10000] =	vst v63  }
0x90: {  	s19 =	simm.s32 $0x0;
	_ =	swait.ge [sflag:s31], $0x2000  }
0x91: {  	s16 =	sand.u32 $0x1800, s19;
	s15 =	sand.u32 $0x380, s19;
	[sflag:s31] =	ssyncset.done $0x0  }
0x92: {  	s15 =	sor.u32 s15, s16;
	[sflag:s31] =	ssyncadd.s32 $0xFFFFE000  }
0x93: {  	v0 =	vld [tilespmem:s15+$0x4000]  }
0x94: {  	v1 =	vld [tilespmem:s15+$0x4010]  }
0x95: {  	v4 =	vld [tilespmem:s15+$0x4020]  }
0x96: {  	v5 =	vld [tilespmem:s15+$0x4030]  }
0x97: {  	v6 =	vld [tilespmem:s15+$0x4040]  }
0x98: {  	v2 =	vadd.f32 v0, v15;
	v0 =	vld [tilespmem:s15+$0x4050]  }
0x99: {  	v3 =	vadd.f32 v1, v14;
	v1 =	vld [tilespmem:s15+$0x4060]  }
0x9a: {  	v4 =	vadd.f32 v4, v13;
	v15 =	vld [tilespmem:s15+$0x4070];
	[tilespmem:s15+$0x4000] =	vst v2  }
0x9b: {  	v25 =	vld [tilespmem:s15+$0x4400];
	v5 =	vadd.f32 v5, v12;
	[tilespmem:s15+$0x4010] =	vst v3  }
0x9c: {  	v6 =	vadd.f32 v6, v11;
	v14 =	vld [tilespmem:s15+$0x4410];
	[tilespmem:s15+$0x4020] =	vst v4  }
0x9d: {  	v13 =	vld [tilespmem:s15+$0x4420];
	[tilespmem:s15+$0x4030] =	vst v5;
	v7 =	vadd.f32 v0, v16  }
0x9e: {  	v11 =	vld [tilespmem:s15+$0x4430];
	[tilespmem:s15+$0x4040] =	vst v6;
	v8 =	vadd.f32 v1, v17  }
0x9f: {  	v12 =	vld [tilespmem:s15+$0x4440];
	v0 =	vadd.f32 v15, v9;
	[tilespmem:s15+$0x4050] =	vst v7  }
0xa0: {  	s17 =	simm.s32 $0x100;
	s16 =	simm.s32 $0x80;
	v1 =	vadd.f32 v25, v10;
	v15 =	vld [tilespmem:s15+$0x4450];
	[tilespmem:s15+$0x4060] =	vst v8  }
.LBB2_7:
0xa1: {  	s18 =	sand.u32 $0x1800, s17;
	s19 =	sand.u32 $0x380, s16;
	p0 =	sne.s32 s17, $0x1F00;
	[tilespmem:s15+$0x4070] =	vst v0;
	v18 =	vadd.f32 v14, v18;
	v9 =	vld [tilespmem:s15+$0x4460]  }
0xa2: {  	s18 =	sor.u32 s19, s18;
	[tilespmem:s15+$0x4400] =	vst v1;
	v19 =	vadd.f32 v13, v19;
	v10 =	vld [tilespmem:s15+$0x4470]  }
0xa3: {  	v13 =	vld [tilespmem:s18+$0x4000];
	[tilespmem:s15+$0x4410] =	vst v18;
	v20 =	vadd.f32 v11, v20  }
0xa4: {  	v11 =	vld [tilespmem:s18+$0x4010];
	[tilespmem:s15+$0x4420] =	vst v19;
	v21 =	vadd.f32 v12, v21  }
0xa5: {  	v12 =	vld [tilespmem:s18+$0x4020];
	[tilespmem:s15+$0x4430] =	vst v20;
	v22 =	vadd.f32 v15, v22  }
0xa6: {  	v14 =	vld [tilespmem:s18+$0x4030];
	[tilespmem:s15+$0x4440] =	vst v21;
	v23 =	vadd.f32 v9, v23  }
0xa7: {  	v9 =	vld [tilespmem:s18+$0x4040];
	[tilespmem:s15+$0x4450] =	vst v22;
	v24 =	vadd.f32 v10, v24  }
0xa8: {  	v2 =	vadd.f32 v13, v2;
	v10 =	vld [tilespmem:s18+$0x4050];
	[tilespmem:s15+$0x4460] =	vst v23  }
0xa9: {  	v3 =	vadd.f32 v11, v3;
	v11 =	vld [tilespmem:s18+$0x4060];
	[tilespmem:s15+$0x4470] =	vst v24;
	s15 =	smov.u32 s18  }
0xaa: {  	[tilespmem:s15+$0x4000] =	vst v2;
	v4 =	vadd.f32 v12, v4;
	v12 =	vld [tilespmem:s15+$0x4070]  }
0xab: {  	[tilespmem:s15+$0x4010] =	vst v3;
	v5 =	vadd.f32 v14, v5;
	v15 =	vld [tilespmem:s15+$0x4400]  }
.Ltmp2:
0xac: {  	[tilespmem:s15+$0x4020] =	vst v4;
	v6 =	vadd.f32 v9, v6;
	v14 =	vld [tilespmem:s15+$0x4410];
	(pc) =	sbr.rel @p0 .LBB2_7-.Ltmp2, $4  }
0xad: {  	[tilespmem:s15+$0x4030] =	vst v5;
	v7 =	vadd.f32 v10, v7;
	v13 =	vld [tilespmem:s15+$0x4420]  }
0xae: {  	[tilespmem:s15+$0x4040] =	vst v6;
	v8 =	vadd.f32 v11, v8;
	v11 =	vld [tilespmem:s15+$0x4430]  }
0xaf: {  	[tilespmem:s15+$0x4050] =	vst v7;
	v0 =	vadd.f32 v12, v0;
	v12 =	vld [tilespmem:s15+$0x4440]  }
0xb0: {  	s16 =	sadd.s32 $0x80, s16;
	s17 =	sadd.s32 $0x100, s17;
	[tilespmem:s15+$0x4060] =	vst v8;
	v1 =	vadd.f32 v15, v1;
	v15 =	vld [tilespmem:s15+$0x4450]  }
0xb1: {  	[tilespmem:s15+$0x4070] =	vst v0;
	v9 =	vadd.f32 v14, v18;
	v14 =	vld [tilespmem:s15+$0x4460]  }
0xb2: {  	v16 =	vld [tilespmem:s15+$0x4470];
	[tilespmem:s15+$0x4400] =	vst v1;
	v10 =	vadd.f32 v13, v19  }
0xb3: {  	[tilespmem:s15+$0x4410] =	vst v9;
	v11 =	vadd.f32 v11, v20  }
0xb4: {  	[tilespmem:s15+$0x4420] =	vst v10;
	v12 =	vadd.f32 v12, v21  }
0xb5: {  	[tilespmem:s15+$0x4430] =	vst v11;
	v13 =	vadd.f32 v15, v22  }
0xb6: {  	[tilespmem:s15+$0x4440] =	vst v12;
	v14 =	vadd.f32 v14, v23  }
0xb7: {  	v15 =	vadd.f32 v16, v24;
	[tilespmem:s15+$0x4450] =	vst v13  }
0xb8: {  	[tilespmem:s15+$0x4460] =	vst v14  }
0xb9: {  	s17 =	sadd.s32 $0x4000, s14;
	[tilespmem:s15+$0x4470] =	vst v15  }
0xba: {  	[hbm4b:s17+s21] =	stream.strided.scatter [tilespmem:s22], [sflag:$0xB], $0x2000, s22, s21, $0x38;
	[tilespmem:$0x10000] =	vst v63  }
0xbb: {  	_ =	swait.ge [sflag:s1], $0x2000  }
0xbc: {  	p0 =	seq.s32 s24, $0xF;
	s15 =	rddreg [dreg:$0xb]  }
0xbd: {  	s16 =	simm.s32 @!p0 $0x800;
	s15 =	sadd.s32 @!p0 s25, s15  }
0xbe: {  	s18 =	simm.s32 @!p0 $0x0;
	[sflag:s1] =	ssyncset.done $0x0;
	s15 =	sshrl.u32 @!p0 s15, $0x3  }
0xbf: {  	s17 =	simm.s32 @!p0 $0x4000;
	[sflag:s1] =	ssyncadd.s32 $0xFFFFE000;
	s15 =	sadd.s32 @!p0 s2, s15  }
0xc0: {  	[tilespmem:s18], [sflag:$0x1] =	stream.strided.gather @!p0 [hbm4b:s15+s16], $0x2000, s17, s16, $0x38;
	[tilespmem:$0x10000] =	vst v63  }
0xc1: {  	s18 =	simm.s32 $0x0;
	_ =	swait.ge [sflag:s0], $0x2000  }
0xc2: {  	s19 =	sand.u32 $0x1800, s18;
	s15 =	sand.u32 $0x380, s18;
	[sflag:s0] =	ssyncset.done $0x0  }
0xc3: {  	s15 =	sor.u32 s15, s19;
	[sflag:s0] =	ssyncadd.s32 $0xFFFFE000  }
0xc4: {  	v16 =	vld [tilespmem:s15+$0x6000]  }
0xc5: {  	v17 =	vld [tilespmem:s15+$0x6010]  }
0xc6: {  	v18 =	vld [tilespmem:s15+$0x6020]  }
0xc7: {  	v19 =	vld [tilespmem:s15+$0x6030]  }
0xc8: {  	v20 =	vld [tilespmem:s15+$0x6040]  }
0xc9: {  	v2 =	vadd.f32 v16, v2;
	v16 =	vld [tilespmem:s15+$0x6050]  }
0xca: {  	v3 =	vadd.f32 v17, v3;
	v17 =	vld [tilespmem:s15+$0x6060]  }
0xcb: {  	v21 =	vld [tilespmem:s15+$0x6070];
	v4 =	vadd.f32 v18, v4;
	[tilespmem:s15+$0x6000] =	vst v2  }
0xcc: {  	v22 =	vld [tilespmem:s15+$0x6400];
	v5 =	vadd.f32 v19, v5;
	[tilespmem:s15+$0x6010] =	vst v3  }
0xcd: {  	v6 =	vadd.f32 v20, v6;
	v19 =	vld [tilespmem:s15+$0x6410];
	[tilespmem:s15+$0x6020] =	vst v4  }
0xce: {  	v18 =	vld [tilespmem:s15+$0x6420];
	[tilespmem:s15+$0x6030] =	vst v5;
	v7 =	vadd.f32 v16, v7  }
0xcf: {  	[tilespmem:s15+$0x6040] =	vst v6;
	v8 =	vadd.f32 v17, v8;
	v16 =	vld [tilespmem:s15+$0x6430]  }
0xd0: {  	v0 =	vadd.f32 v21, v0;
	v17 =	vld [tilespmem:s15+$0x6440];
	[tilespmem:s15+$0x6050] =	vst v7  }
0xd1: {  	s16 =	simm.s32 $0x80;
	s17 =	simm.s32 $0x100;
	v1 =	vadd.f32 v22, v1;
	v20 =	vld [tilespmem:s15+$0x6450];
	[tilespmem:s15+$0x6060] =	vst v8  }
.LBB2_9:
0xd2: {  	s18 =	sand.u32 $0x1800, s17;
	s19 =	sand.u32 $0x380, s16;
	p1 =	sne.s32 s17, $0x1F00;
	[tilespmem:s15+$0x6070] =	vst v0;
	v9 =	vadd.f32 v19, v9;
	v19 =	vld [tilespmem:s15+$0x6460]  }
0xd3: {  	s18 =	sor.u32 s19, s18;
	[tilespmem:s15+$0x6400] =	vst v1;
	v10 =	vadd.f32 v18, v10;
	v18 =	vld [tilespmem:s15+$0x6470]  }
0xd4: {  	v21 =	vld [tilespmem:s18+$0x6000];
	[tilespmem:s15+$0x6410] =	vst v9;
	v11 =	vadd.f32 v16, v11  }
0xd5: {  	v16 =	vld [tilespmem:s18+$0x6010];
	[tilespmem:s15+$0x6420] =	vst v10;
	v12 =	vadd.f32 v17, v12  }
0xd6: {  	v17 =	vld [tilespmem:s18+$0x6020];
	[tilespmem:s15+$0x6430] =	vst v11;
	v13 =	vadd.f32 v20, v13  }
0xd7: {  	v20 =	vld [tilespmem:s18+$0x6030];
	[tilespmem:s15+$0x6440] =	vst v12;
	v14 =	vadd.f32 v19, v14  }
0xd8: {  	v19 =	vld [tilespmem:s18+$0x6040];
	[tilespmem:s15+$0x6450] =	vst v13;
	v15 =	vadd.f32 v18, v15  }
0xd9: {  	v2 =	vadd.f32 v21, v2;
	v18 =	vld [tilespmem:s18+$0x6050];
	[tilespmem:s15+$0x6460] =	vst v14  }
0xda: {  	v3 =	vadd.f32 v16, v3;
	v16 =	vld [tilespmem:s18+$0x6060];
	[tilespmem:s15+$0x6470] =	vst v15;
	s15 =	smov.u32 s18  }
0xdb: {  	[tilespmem:s15+$0x6000] =	vst v2;
	v4 =	vadd.f32 v17, v4;
	v17 =	vld [tilespmem:s15+$0x6070]  }
0xdc: {  	[tilespmem:s15+$0x6010] =	vst v3;
	v5 =	vadd.f32 v20, v5;
	v20 =	vld [tilespmem:s15+$0x6400]  }
.Ltmp3:
0xdd: {  	[tilespmem:s15+$0x6020] =	vst v4;
	v6 =	vadd.f32 v19, v6;
	v19 =	vld [tilespmem:s15+$0x6410];
	(pc) =	sbr.rel @p1 .LBB2_9-.Ltmp3, $4  }
0xde: {  	[tilespmem:s15+$0x6030] =	vst v5;
	v7 =	vadd.f32 v18, v7;
	v18 =	vld [tilespmem:s15+$0x6420]  }
0xdf: {  	[tilespmem:s15+$0x6040] =	vst v6;
	v8 =	vadd.f32 v16, v8;
	v16 =	vld [tilespmem:s15+$0x6430]  }
0xe0: {  	[tilespmem:s15+$0x6050] =	vst v7;
	v0 =	vadd.f32 v17, v0;
	v17 =	vld [tilespmem:s15+$0x6440]  }
0xe1: {  	s16 =	sadd.s32 $0x80, s16;
	s17 =	sadd.s32 $0x100, s17;
	[tilespmem:s15+$0x6060] =	vst v8;
	v1 =	vadd.f32 v20, v1;
	v20 =	vld [tilespmem:s15+$0x6450]  }
0xe2: {  	[tilespmem:s15+$0x6070] =	vst v0;
	v9 =	vadd.f32 v19, v9;
	v19 =	vld [tilespmem:s15+$0x6460]  }
0xe3: {  	[tilespmem:s15+$0x6400] =	vst v1;
	v10 =	vadd.f32 v18, v10;
	v18 =	vld [tilespmem:s15+$0x6470]  }
0xe4: {  	[tilespmem:s15+$0x6410] =	vst v9;
	v11 =	vadd.f32 v16, v11  }
0xe5: {  	[tilespmem:s15+$0x6420] =	vst v10;
	v12 =	vadd.f32 v17, v12  }
0xe6: {  	[tilespmem:s15+$0x6430] =	vst v11;
	v13 =	vadd.f32 v20, v13  }
0xe7: {  	[tilespmem:s15+$0x6440] =	vst v12;
	v14 =	vadd.f32 v19, v14  }
0xe8: {  	[tilespmem:s15+$0x6450] =	vst v13;
	v15 =	vadd.f32 v18, v15  }
0xe9: {  	[tilespmem:s15+$0x6460] =	vst v14  }
0xea: {  	s17 =	sadd.s32 $0x6000, s14;
	s16 =	simm.s32 $0x6000;
	[tilespmem:s15+$0x6470] =	vst v15  }
0xeb: {  	[hbm4b:s17+s21] =	stream.strided.scatter [tilespmem:s16], [sflag:$0xC], $0x2000, s22, s21, $0x38;
	[tilespmem:$0x10000] =	vst v63  }
0xec: {  	_ =	swait.ge [sflag:s8], $0x2000  }
0xed: {  	s15 =	rddreg [dreg:$0xc]  }
0xee: {  	s18 =	simm.s32 @!p0 $0x2000;
	s15 =	sadd.s32 @!p0 s25, s15  }
0xef: {  	s16 =	simm.s32 @!p0 $0x800;
	[sflag:s8] =	ssyncset.done $0x0;
	s15 =	sshrl.u32 @!p0 s15, $0x3  }
0xf0: {  	s17 =	simm.s32 @!p0 $0x4000;
	[sflag:s8] =	ssyncadd.s32 $0xFFFFE000;
	s15 =	sadd.s32 @!p0 s2, s15  }
0xf1: {  	[tilespmem:s18], [sflag:$0x2] =	stream.strided.gather @!p0 [hbm4b:s15+s16], $0x2000, s17, s16, $0x38;
	[tilespmem:$0x10000] =	vst v63  }
0xf2: {  	s18 =	simm.s32 $0x0;
	_ =	swait.ge [sflag:s9], $0x2000  }
0xf3: {  	s19 =	sand.u32 $0x1800, s18;
	s15 =	sand.u32 $0x380, s18;
	[sflag:s9] =	ssyncset.done $0x0  }
0xf4: {  	s15 =	sor.u32 s15, s19;
	[sflag:s9] =	ssyncadd.s32 $0xFFFFE000  }
0xf5: {  	v16 =	vld [tilespmem:s15+$0x8000]  }
0xf6: {  	v17 =	vld [tilespmem:s15+$0x8010]  }
0xf7: {  	v18 =	vld [tilespmem:s15+$0x8020]  }
0xf8: {  	v19 =	vld [tilespmem:s15+$0x8030]  }
0xf9: {  	v20 =	vld [tilespmem:s15+$0x8040]  }
0xfa: {  	v2 =	vadd.f32 v16, v2;
	v16 =	vld [tilespmem:s15+$0x8050]  }
0xfb: {  	v3 =	vadd.f32 v17, v3;
	v17 =	vld [tilespmem:s15+$0x8060]  }
0xfc: {  	v21 =	vld [tilespmem:s15+$0x8070];
	v4 =	vadd.f32 v18, v4;
	[tilespmem:s15+$0x8000] =	vst v2  }
0xfd: {  	v22 =	vld [tilespmem:s15+$0x8400];
	v5 =	vadd.f32 v19, v5;
	[tilespmem:s15+$0x8010] =	vst v3  }
0xfe: {  	v6 =	vadd.f32 v20, v6;
	v19 =	vld [tilespmem:s15+$0x8410];
	[tilespmem:s15+$0x8020] =	vst v4  }
0xff: {  	v18 =	vld [tilespmem:s15+$0x8420];
	[tilespmem:s15+$0x8030] =	vst v5;
	v7 =	vadd.f32 v16, v7  }
0x100: {  	[tilespmem:s15+$0x8040] =	vst v6;
	v8 =	vadd.f32 v17, v8;
	v16 =	vld [tilespmem:s15+$0x8430]  }
0x101: {  	v0 =	vadd.f32 v21, v0;
	v17 =	vld [tilespmem:s15+$0x8440];
	[tilespmem:s15+$0x8050] =	vst v7  }
0x102: {  	s16 =	simm.s32 $0x80;
	s17 =	simm.s32 $0x100;
	v1 =	vadd.f32 v22, v1;
	v20 =	vld [tilespmem:s15+$0x8450];
	[tilespmem:s15+$0x8060] =	vst v8  }
.LBB2_11:
0x103: {  	s18 =	sand.u32 $0x1800, s17;
	s19 =	sand.u32 $0x380, s16;
	p1 =	sne.s32 s17, $0x1F00;
	[tilespmem:s15+$0x8070] =	vst v0;
	v9 =	vadd.f32 v19, v9;
	v19 =	vld [tilespmem:s15+$0x8460]  }
0x104: {  	s18 =	sor.u32 s19, s18;
	[tilespmem:s15+$0x8400] =	vst v1;
	v10 =	vadd.f32 v18, v10;
	v18 =	vld [tilespmem:s15+$0x8470]  }
0x105: {  	v21 =	vld [tilespmem:s18+$0x8000];
	[tilespmem:s15+$0x8410] =	vst v9;
	v11 =	vadd.f32 v16, v11  }
0x106: {  	v16 =	vld [tilespmem:s18+$0x8010];
	[tilespmem:s15+$0x8420] =	vst v10;
	v12 =	vadd.f32 v17, v12  }
0x107: {  	v17 =	vld [tilespmem:s18+$0x8020];
	[tilespmem:s15+$0x8430] =	vst v11;
	v13 =	vadd.f32 v20, v13  }
0x108: {  	v20 =	vld [tilespmem:s18+$0x8030];
	[tilespmem:s15+$0x8440] =	vst v12;
	v14 =	vadd.f32 v19, v14  }
0x109: {  	v19 =	vld [tilespmem:s18+$0x8040];
	[tilespmem:s15+$0x8450] =	vst v13;
	v15 =	vadd.f32 v18, v15  }
0x10a: {  	v2 =	vadd.f32 v21, v2;
	v18 =	vld [tilespmem:s18+$0x8050];
	[tilespmem:s15+$0x8460] =	vst v14  }
0x10b: {  	v3 =	vadd.f32 v16, v3;
	v16 =	vld [tilespmem:s18+$0x8060];
	[tilespmem:s15+$0x8470] =	vst v15;
	s15 =	smov.u32 s18  }
0x10c: {  	[tilespmem:s15+$0x8000] =	vst v2;
	v4 =	vadd.f32 v17, v4;
	v17 =	vld [tilespmem:s15+$0x8070]  }
0x10d: {  	[tilespmem:s15+$0x8010] =	vst v3;
	v5 =	vadd.f32 v20, v5;
	v20 =	vld [tilespmem:s15+$0x8400]  }
.Ltmp4:
0x10e: {  	[tilespmem:s15+$0x8020] =	vst v4;
	v6 =	vadd.f32 v19, v6;
	v19 =	vld [tilespmem:s15+$0x8410];
	(pc) =	sbr.rel @p1 .LBB2_11-.Ltmp4, $4  }
0x10f: {  	[tilespmem:s15+$0x8030] =	vst v5;
	v7 =	vadd.f32 v18, v7;
	v18 =	vld [tilespmem:s15+$0x8420]  }
0x110: {  	[tilespmem:s15+$0x8040] =	vst v6;
	v8 =	vadd.f32 v16, v8;
	v16 =	vld [tilespmem:s15+$0x8430]  }
0x111: {  	[tilespmem:s15+$0x8050] =	vst v7;
	v0 =	vadd.f32 v17, v0;
	v17 =	vld [tilespmem:s15+$0x8440]  }
0x112: {  	s16 =	sadd.s32 $0x80, s16;
	s17 =	sadd.s32 $0x100, s17;
	[tilespmem:s15+$0x8060] =	vst v8;
	v1 =	vadd.f32 v20, v1;
	v20 =	vld [tilespmem:s15+$0x8450]  }
0x113: {  	[tilespmem:s15+$0x8070] =	vst v0;
	v9 =	vadd.f32 v19, v9;
	v19 =	vld [tilespmem:s15+$0x8460]  }
0x114: {  	[tilespmem:s15+$0x8400] =	vst v1;
	v10 =	vadd.f32 v18, v10;
	v18 =	vld [tilespmem:s15+$0x8470]  }
0x115: {  	[tilespmem:s15+$0x8410] =	vst v9;
	v11 =	vadd.f32 v16, v11  }
0x116: {  	[tilespmem:s15+$0x8420] =	vst v10;
	v12 =	vadd.f32 v17, v12  }
0x117: {  	[tilespmem:s15+$0x8430] =	vst v11;
	v13 =	vadd.f32 v20, v13  }
0x118: {  	[tilespmem:s15+$0x8440] =	vst v12;
	v14 =	vadd.f32 v19, v14  }
0x119: {  	[tilespmem:s15+$0x8450] =	vst v13;
	v15 =	vadd.f32 v18, v15  }
0x11a: {  	[tilespmem:s15+$0x8460] =	vst v14  }
0x11b: {  	s14 =	sadd.s32 $0x8000, s14;
	s17 =	simm.s32 $0x8000;
	[tilespmem:s15+$0x8470] =	vst v15  }
0x11c: {  	[hbm4b:s14+s21] =	stream.strided.scatter [tilespmem:s17], [sflag:$0xD], $0x2000, s22, s21, $0x38;
	[tilespmem:$0x10000] =	vst v63  }
0x11d: {  	_ =	swait.ge [sflag:s10], $0x2000  }
0x11e: {  	s14 =	rddreg [dreg:$0xd]  }
0x11f: {  	s14 =	sadd.s32 @!p0 s25, s14  }
0x120: {  	s16 =	simm.s32 @!p0 $0x4000;
	[sflag:s10] =	ssyncset.done $0x0;
	s14 =	sshrl.u32 @!p0 s14, $0x3  }
0x121: {  	s15 =	simm.s32 @!p0 $0x800;
	[sflag:s10] =	ssyncadd.s32 $0xFFFFE000;
	s14 =	sadd.s32 @!p0 s2, s14  }
0x122: {  	[tilespmem:s16], [sflag:$0x3] =	stream.strided.gather @!p0 [hbm4b:s14+s15], $0x2000, s16, s15, $0x38;
	[tilespmem:$0x10000] =	vst v63  }
0x123: {  	s18 =	simm.s32 $0x0;
	_ =	swait.ge [sflag:s11], $0x2000  }
0x124: {  	s19 =	sand.u32 $0x1800, s18;
	s14 =	sand.u32 $0x380, s18;
	[sflag:s11] =	ssyncset.done $0x0  }
0x125: {  	s14 =	sor.u32 s14, s19;
	[sflag:s11] =	ssyncadd.s32 $0xFFFFE000  }
0x126: {  	v16 =	vld [tilespmem:s14+$0xA000]  }
0x127: {  	v17 =	vld [tilespmem:s14+$0xA010]  }
0x128: {  	v18 =	vld [tilespmem:s14+$0xA020]  }
0x129: {  	v19 =	vld [tilespmem:s14+$0xA030]  }
0x12a: {  	v20 =	vld [tilespmem:s14+$0xA040]  }
0x12b: {  	v2 =	vadd.f32 v16, v2;
	v16 =	vld [tilespmem:s14+$0xA050]  }
0x12c: {  	v3 =	vadd.f32 v17, v3;
	v17 =	vld [tilespmem:s14+$0xA060]  }
0x12d: {  	v21 =	vld [tilespmem:s14+$0xA070];
	v4 =	vadd.f32 v18, v4;
	[tilespmem:s14+$0xA000] =	vst v2  }
0x12e: {  	v22 =	vld [tilespmem:s14+$0xA400];
	v5 =	vadd.f32 v19, v5;
	[tilespmem:s14+$0xA010] =	vst v3  }
0x12f: {  	v6 =	vadd.f32 v20, v6;
	v19 =	vld [tilespmem:s14+$0xA410];
	[tilespmem:s14+$0xA020] =	vst v4  }
0x130: {  	v18 =	vld [tilespmem:s14+$0xA420];
	[tilespmem:s14+$0xA030] =	vst v5;
	v7 =	vadd.f32 v16, v7  }
0x131: {  	[tilespmem:s14+$0xA040] =	vst v6;
	v8 =	vadd.f32 v17, v8;
	v16 =	vld [tilespmem:s14+$0xA430]  }
0x132: {  	v0 =	vadd.f32 v21, v0;
	v17 =	vld [tilespmem:s14+$0xA440];
	[tilespmem:s14+$0xA050] =	vst v7  }
0x133: {  	s15 =	simm.s32 $0x80;
	s16 =	simm.s32 $0x100;
	v1 =	vadd.f32 v22, v1;
	v20 =	vld [tilespmem:s14+$0xA450];
	[tilespmem:s14+$0xA060] =	vst v8  }
.LBB2_13:
0x134: {  	s17 =	sand.u32 $0x1800, s16;
	s18 =	sand.u32 $0x380, s15;
	p1 =	sne.s32 s16, $0x1F00;
	[tilespmem:s14+$0xA070] =	vst v0;
	v9 =	vadd.f32 v19, v9;
	v19 =	vld [tilespmem:s14+$0xA460]  }
0x135: {  	s17 =	sor.u32 s18, s17;
	[tilespmem:s14+$0xA400] =	vst v1;
	v10 =	vadd.f32 v18, v10;
	v18 =	vld [tilespmem:s14+$0xA470]  }
0x136: {  	v21 =	vld [tilespmem:s17+$0xA000];
	[tilespmem:s14+$0xA410] =	vst v9;
	v11 =	vadd.f32 v16, v11  }
0x137: {  	v16 =	vld [tilespmem:s17+$0xA010];
	[tilespmem:s14+$0xA420] =	vst v10;
	v12 =	vadd.f32 v17, v12  }
0x138: {  	v17 =	vld [tilespmem:s17+$0xA020];
	[tilespmem:s14+$0xA430] =	vst v11;
	v13 =	vadd.f32 v20, v13  }
0x139: {  	v20 =	vld [tilespmem:s17+$0xA030];
	[tilespmem:s14+$0xA440] =	vst v12;
	v14 =	vadd.f32 v19, v14  }
0x13a: {  	v19 =	vld [tilespmem:s17+$0xA040];
	[tilespmem:s14+$0xA450] =	vst v13;
	v15 =	vadd.f32 v18, v15  }
0x13b: {  	v2 =	vadd.f32 v21, v2;
	v18 =	vld [tilespmem:s17+$0xA050];
	[tilespmem:s14+$0xA460] =	vst v14  }
0x13c: {  	v3 =	vadd.f32 v16, v3;
	v16 =	vld [tilespmem:s17+$0xA060];
	[tilespmem:s14+$0xA470] =	vst v15;
	s14 =	smov.u32 s17  }
0x13d: {  	[tilespmem:s14+$0xA000] =	vst v2;
	v4 =	vadd.f32 v17, v4;
	v17 =	vld [tilespmem:s14+$0xA070]  }
0x13e: {  	[tilespmem:s14+$0xA010] =	vst v3;
	v5 =	vadd.f32 v20, v5;
	v20 =	vld [tilespmem:s14+$0xA400]  }
.Ltmp5:
0x13f: {  	[tilespmem:s14+$0xA020] =	vst v4;
	v6 =	vadd.f32 v19, v6;
	v19 =	vld [tilespmem:s14+$0xA410];
	(pc) =	sbr.rel @p1 .LBB2_13-.Ltmp5, $4  }
0x140: {  	[tilespmem:s14+$0xA030] =	vst v5;
	v7 =	vadd.f32 v18, v7;
	v18 =	vld [tilespmem:s14+$0xA420]  }
0x141: {  	[tilespmem:s14+$0xA040] =	vst v6;
	v8 =	vadd.f32 v16, v8;
	v16 =	vld [tilespmem:s14+$0xA430]  }
0x142: {  	[tilespmem:s14+$0xA050] =	vst v7;
	v0 =	vadd.f32 v17, v0;
	v17 =	vld [tilespmem:s14+$0xA440]  }
0x143: {  	s15 =	sadd.s32 $0x80, s15;
	s16 =	sadd.s32 $0x100, s16;
	[tilespmem:s14+$0xA060] =	vst v8;
	v1 =	vadd.f32 v20, v1;
	v20 =	vld [tilespmem:s14+$0xA450]  }
0x144: {  	[tilespmem:s14+$0xA070] =	vst v0;
	v9 =	vadd.f32 v19, v9;
	v19 =	vld [tilespmem:s14+$0xA460]  }
0x145: {  	[tilespmem:s14+$0xA400] =	vst v1;
	v10 =	vadd.f32 v18, v10;
	v18 =	vld [tilespmem:s14+$0xA470]  }
0x146: {  	[tilespmem:s14+$0xA410] =	vst v9;
	v11 =	vadd.f32 v16, v11  }
0x147: {  	[tilespmem:s14+$0xA420] =	vst v10;
	v12 =	vadd.f32 v17, v12  }
0x148: {  	[tilespmem:s14+$0xA430] =	vst v11;
	v13 =	vadd.f32 v20, v13  }
0x149: {  	[tilespmem:s14+$0xA440] =	vst v12;
	v14 =	vadd.f32 v19, v14  }
0x14a: {  	[tilespmem:s14+$0xA450] =	vst v13;
	v15 =	vadd.f32 v18, v15  }
0x14b: {  	[tilespmem:s14+$0xA460] =	vst v14  }
0x14c: {  	s12 =	sadd.s32 s3, s12;
	s18 =	simm.s32 $0xA000;
	[tilespmem:s14+$0xA470] =	vst v15  }
0x14d: {  	[hbm4b:s12+s21] =	stream.strided.scatter [tilespmem:s18], [sflag:$0xE], $0x2000, s22, s21, $0x38;
	[tilespmem:$0x10000] =	vst v63  }
0x14e: {  	_ =	swait.ge [sflag:s20], $0x2000  }
0x14f: {  	s12 =	rddreg [dreg:$0xe]  }
0x150: {  	s15 =	simm.s32 @!p0 $0x4000;
	s12 =	sadd.s32 @!p0 s25, s12  }
0x151: {  	s16 =	simm.s32 @!p0 $0x6000;
	[sflag:s20] =	ssyncset.done $0x0;
	s12 =	sshrl.u32 @!p0 s12, $0x3  }
0x152: {  	s14 =	simm.s32 @!p0 $0x800;
	[sflag:s20] =	ssyncadd.s32 $0xFFFFE000;
	s12 =	sadd.s32 @!p0 s2, s12  }
0x153: {  	[tilespmem:s16], [sflag:$0x4] =	stream.strided.gather @!p0 [hbm4b:s12+s14], $0x2000, s15, s14, $0x38;
	[tilespmem:$0x10000] =	vst v63  }
0x154: {  	s17 =	simm.s32 $0x0;
	_ =	swait.ge [sflag:s6], $0x2000  }
0x155: {  	s19 =	sand.u32 $0x1800, s17;
	s12 =	sand.u32 $0x380, s17;
	[sflag:s6] =	ssyncset.done $0x0  }
0x156: {  	s12 =	sor.u32 s12, s19;
	[sflag:s6] =	ssyncadd.s32 $0xFFFFE000  }
0x157: {  	v16 =	vld [tilespmem:s12+$0xC000]  }
0x158: {  	v17 =	vld [tilespmem:s12+$0xC010]  }
0x159: {  	v18 =	vld [tilespmem:s12+$0xC020]  }
0x15a: {  	v19 =	vld [tilespmem:s12+$0xC030]  }
0x15b: {  	v20 =	vld [tilespmem:s12+$0xC040]  }
0x15c: {  	v21 =	vld [tilespmem:s12+$0xC050];
	v2 =	vadd.f32 v16, v2  }
0x15d: {  	v22 =	vld [tilespmem:s12+$0xC060];
	v3 =	vadd.f32 v17, v3  }
0x15e: {  	v23 =	vld [tilespmem:s12+$0xC070];
	v4 =	vadd.f32 v18, v4;
	[tilespmem:s12+$0xC000] =	vst v2  }
0x15f: {  	v24 =	vld [tilespmem:s12+$0xC400];
	v5 =	vadd.f32 v19, v5;
	[tilespmem:s12+$0xC010] =	vst v3  }
0x160: {  	v6 =	vadd.f32 v20, v6;
	v16 =	vld [tilespmem:s12+$0xC410];
	[tilespmem:s12+$0xC020] =	vst v4  }
0x161: {  	v7 =	vadd.f32 v21, v7;
	v17 =	vld [tilespmem:s12+$0xC420];
	[tilespmem:s12+$0xC030] =	vst v5  }
0x162: {  	v8 =	vadd.f32 v22, v8;
	v18 =	vld [tilespmem:s12+$0xC430];
	[tilespmem:s12+$0xC040] =	vst v6  }
0x163: {  	v19 =	vld [tilespmem:s12+$0xC440];
	v0 =	vadd.f32 v23, v0;
	[tilespmem:s12+$0xC050] =	vst v7  }
0x164: {  	s14 =	simm.s32 $0x80;
	s15 =	simm.s32 $0x100;
	v1 =	vadd.f32 v24, v1;
	v20 =	vld [tilespmem:s12+$0xC450];
	[tilespmem:s12+$0xC060] =	vst v8  }
.LBB2_15:
0x165: {  	s16 =	sand.u32 $0x1800, s15;
	s17 =	sand.u32 $0x380, s14;
	p1 =	sne.s32 s15, $0x1F00;
	[tilespmem:s12+$0xC070] =	vst v0;
	v9 =	vadd.f32 v16, v9;
	v16 =	vld [tilespmem:s12+$0xC460]  }
0x166: {  	s16 =	sor.u32 s17, s16;
	[tilespmem:s12+$0xC400] =	vst v1;
	v10 =	vadd.f32 v17, v10;
	v17 =	vld [tilespmem:s12+$0xC470]  }
0x167: {  	v21 =	vld [tilespmem:s16+$0xC000];
	[tilespmem:s12+$0xC410] =	vst v9;
	v11 =	vadd.f32 v18, v11  }
0x168: {  	v18 =	vld [tilespmem:s16+$0xC010];
	[tilespmem:s12+$0xC420] =	vst v10;
	v12 =	vadd.f32 v19, v12  }
0x169: {  	v19 =	vld [tilespmem:s16+$0xC020];
	[tilespmem:s12+$0xC430] =	vst v11;
	v13 =	vadd.f32 v20, v13  }
0x16a: {  	v20 =	vld [tilespmem:s16+$0xC030];
	[tilespmem:s12+$0xC440] =	vst v12;
	v14 =	vadd.f32 v16, v14  }
0x16b: {  	v16 =	vld [tilespmem:s16+$0xC040];
	[tilespmem:s12+$0xC450] =	vst v13;
	v15 =	vadd.f32 v17, v15  }
0x16c: {  	v2 =	vadd.f32 v21, v2;
	v17 =	vld [tilespmem:s16+$0xC050];
	[tilespmem:s12+$0xC460] =	vst v14  }
0x16d: {  	v3 =	vadd.f32 v18, v3;
	v18 =	vld [tilespmem:s16+$0xC060];
	[tilespmem:s12+$0xC470] =	vst v15;
	s12 =	smov.u32 s16  }
0x16e: {  	[tilespmem:s12+$0xC000] =	vst v2;
	v4 =	vadd.f32 v19, v4;
	v19 =	vld [tilespmem:s12+$0xC070]  }
0x16f: {  	[tilespmem:s12+$0xC010] =	vst v3;
	v5 =	vadd.f32 v20, v5;
	v20 =	vld [tilespmem:s12+$0xC400]  }
.Ltmp6:
0x170: {  	[tilespmem:s12+$0xC020] =	vst v4;
	v6 =	vadd.f32 v16, v6;
	v16 =	vld [tilespmem:s12+$0xC410];
	(pc) =	sbr.rel @p1 .LBB2_15-.Ltmp6, $4  }
0x171: {  	[tilespmem:s12+$0xC030] =	vst v5;
	v7 =	vadd.f32 v17, v7;
	v17 =	vld [tilespmem:s12+$0xC420]  }
0x172: {  	[tilespmem:s12+$0xC040] =	vst v6;
	v8 =	vadd.f32 v18, v8;
	v18 =	vld [tilespmem:s12+$0xC430]  }
0x173: {  	[tilespmem:s12+$0xC050] =	vst v7;
	v0 =	vadd.f32 v19, v0;
	v19 =	vld [tilespmem:s12+$0xC440]  }
0x174: {  	s14 =	sadd.s32 $0x80, s14;
	s15 =	sadd.s32 $0x100, s15;
	[tilespmem:s12+$0xC060] =	vst v8;
	v1 =	vadd.f32 v20, v1;
	v20 =	vld [tilespmem:s12+$0xC450]  }
0x175: {  	[tilespmem:s12+$0xC070] =	vst v0;
	v16 =	vadd.f32 v16, v9;
	v9 =	vld [tilespmem:s12+$0xC460]  }
0x176: {  	[tilespmem:s12+$0xC400] =	vst v1;
	v17 =	vadd.f32 v17, v10;
	v10 =	vld [tilespmem:s12+$0xC470]  }
0x177: {  	[tilespmem:s12+$0xC410] =	vst v16;
	v18 =	vadd.f32 v18, v11  }
0x178: {  	[tilespmem:s12+$0xC420] =	vst v17;
	v19 =	vadd.f32 v19, v12  }
0x179: {  	[tilespmem:s12+$0xC430] =	vst v18;
	v20 =	vadd.f32 v20, v13  }
0x17a: {  	[tilespmem:s12+$0xC440] =	vst v19;
	v21 =	vadd.f32 v9, v14  }
0x17b: {  	[tilespmem:s12+$0xC450] =	vst v20;
	v22 =	vadd.f32 v10, v15  }
0x17c: {  	[tilespmem:s12+$0xC460] =	vst v21  }
0x17d: {  	s17 =	sadd.s32 s3, s13;
	[tilespmem:s12+$0xC470] =	vst v22  }
0x17e: {  	[hbm4b:s17+s21] =	stream.strided.scatter [tilespmem:s28], [sflag:$0xF], $0x2000, s22, s21, $0x38;
	[tilespmem:$0x10000] =	vst v63  }
0x17f: {  	_ =	swait.ge [sflag:s4], $0x2000  }
0x180: {  	s12 =	rddreg [dreg:$0xf]  }
0x181: {  	s13 =	simm.s32 @!p0 $0x800;
	s12 =	sadd.s32 @!p0 s25, s12  }
0x182: {  	s14 =	simm.s32 @!p0 $0x4000;
	[sflag:s4] =	ssyncset.done $0x0;
	s12 =	sshrl.u32 @!p0 s12, $0x3  }
0x183: {  	s15 =	simm.s32 @!p0 $0x8000;
	[sflag:s4] =	ssyncadd.s32 $0xFFFFE000;
	s12 =	sadd.s32 @!p0 s2, s12  }
0x184: {  	[tilespmem:s15], [sflag:$0x5] =	stream.strided.gather @!p0 [hbm4b:s12+s13], $0x2000, s14, s13, $0x38;
	[tilespmem:$0x10000] =	vst v63  }
0x185: {  	s19 =	simm.s32 $0x0;
	_ =	swait.ge [sflag:s23], $0x2000  }
0x186: {  	s25 =	sand.u32 $0x1800, s19;
	s12 =	sand.u32 $0x380, s19;
	[sflag:s23] =	ssyncset.done $0x0  }
0x187: {  	s12 =	sor.u32 s12, s25;
	[sflag:s23] =	ssyncadd.s32 $0xFFFFE000  }
0x188: {  	v9 =	vld [tilespmem:s12+$0xE000]  }
0x189: {  	v10 =	vld [tilespmem:s12+$0xE010]  }
0x18a: {  	v11 =	vld [tilespmem:s12+$0xE020]  }
0x18b: {  	v12 =	vld [tilespmem:s12+$0xE030]  }
0x18c: {  	v23 =	vld [tilespmem:s12+$0xE040]  }
0x18d: {  	v15 =	vadd.f32 v9, v2;
	v2 =	vld [tilespmem:s12+$0xE050]  }
0x18e: {  	v14 =	vadd.f32 v10, v3;
	v3 =	vld [tilespmem:s12+$0xE060]  }
0x18f: {  	v24 =	vld [tilespmem:s12+$0xE070];
	v13 =	vadd.f32 v11, v4;
	[tilespmem:s12+$0xE000] =	vst v15  }
0x190: {  	v25 =	vld [tilespmem:s12+$0xE400];
	v12 =	vadd.f32 v12, v5;
	[tilespmem:s12+$0xE010] =	vst v14  }
0x191: {  	v11 =	vadd.f32 v23, v6;
	v5 =	vld [tilespmem:s12+$0xE410];
	[tilespmem:s12+$0xE020] =	vst v13  }
0x192: {  	v4 =	vld [tilespmem:s12+$0xE420];
	[tilespmem:s12+$0xE030] =	vst v12;
	v10 =	vadd.f32 v2, v7  }
0x193: {  	[tilespmem:s12+$0xE040] =	vst v11;
	v9 =	vadd.f32 v3, v8;
	v2 =	vld [tilespmem:s12+$0xE430]  }
0x194: {  	v3 =	vld [tilespmem:s12+$0xE440];
	v8 =	vadd.f32 v24, v0;
	[tilespmem:s12+$0xE050] =	vst v10  }
0x195: {  	s13 =	simm.s32 $0x80;
	s14 =	simm.s32 $0x100;
	v7 =	vadd.f32 v25, v1;
	v0 =	vld [tilespmem:s12+$0xE450];
	[tilespmem:s12+$0xE060] =	vst v9  }
.LBB2_17:
0x196: {  	s15 =	sand.u32 $0x1800, s14;
	s16 =	sand.u32 $0x380, s13;
	p0 =	sne.s32 s14, $0x1F00;
	[tilespmem:s12+$0xE070] =	vst v8;
	v16 =	vadd.f32 v5, v16;
	v1 =	vld [tilespmem:s12+$0xE460]  }
0x197: {  	s15 =	sor.u32 s16, s15;
	[tilespmem:s12+$0xE400] =	vst v7;
	v17 =	vadd.f32 v4, v17;
	v4 =	vld [tilespmem:s12+$0xE470]  }
0x198: {  	v5 =	vld [tilespmem:s15+$0xE000];
	[tilespmem:s12+$0xE410] =	vst v16;
	v18 =	vadd.f32 v2, v18  }
0x199: {  	v2 =	vld [tilespmem:s15+$0xE010];
	[tilespmem:s12+$0xE420] =	vst v17;
	v19 =	vadd.f32 v3, v19  }
0x19a: {  	v3 =	vld [tilespmem:s15+$0xE020];
	[tilespmem:s12+$0xE430] =	vst v18;
	v20 =	vadd.f32 v0, v20  }
0x19b: {  	v0 =	vld [tilespmem:s15+$0xE030];
	[tilespmem:s12+$0xE440] =	vst v19;
	v21 =	vadd.f32 v1, v21  }
0x19c: {  	v1 =	vld [tilespmem:s15+$0xE040];
	[tilespmem:s12+$0xE450] =	vst v20;
	v22 =	vadd.f32 v4, v22  }
0x19d: {  	v15 =	vadd.f32 v5, v15;
	v4 =	vld [tilespmem:s15+$0xE050];
	[tilespmem:s12+$0xE460] =	vst v21  }
0x19e: {  	v14 =	vadd.f32 v2, v14;
	v2 =	vld [tilespmem:s15+$0xE060];
	[tilespmem:s12+$0xE470] =	vst v22;
	s12 =	smov.u32 s15  }
0x19f: {  	[tilespmem:s12+$0xE000] =	vst v15;
	v13 =	vadd.f32 v3, v13;
	v3 =	vld [tilespmem:s12+$0xE070]  }
0x1a0: {  	[tilespmem:s12+$0xE010] =	vst v14;
	v12 =	vadd.f32 v0, v12;
	v0 =	vld [tilespmem:s12+$0xE400]  }
.Ltmp7:
0x1a1: {  	[tilespmem:s12+$0xE020] =	vst v13;
	v11 =	vadd.f32 v1, v11;
	v5 =	vld [tilespmem:s12+$0xE410];
	(pc) =	sbr.rel @p0 .LBB2_17-.Ltmp7, $4  }
0x1a2: {  	[tilespmem:s12+$0xE030] =	vst v12;
	v10 =	vadd.f32 v4, v10;
	v4 =	vld [tilespmem:s12+$0xE420]  }
0x1a3: {  	[tilespmem:s12+$0xE040] =	vst v11;
	v9 =	vadd.f32 v2, v9;
	v2 =	vld [tilespmem:s12+$0xE430]  }
0x1a4: {  	[tilespmem:s12+$0xE050] =	vst v10;
	v8 =	vadd.f32 v3, v8;
	v3 =	vld [tilespmem:s12+$0xE440]  }
0x1a5: {  	s13 =	sadd.s32 $0x80, s13;
	s14 =	sadd.s32 $0x100, s14;
	[tilespmem:s12+$0xE060] =	vst v9;
	v7 =	vadd.f32 v0, v7;
	v0 =	vld [tilespmem:s12+$0xE450]  }
0x1a6: {  	[tilespmem:s12+$0xE070] =	vst v8;
	v6 =	vadd.f32 v5, v16;
	v1 =	vld [tilespmem:s12+$0xE460]  }
0x1a7: {  	v16 =	vld [tilespmem:s12+$0xE470];
	[tilespmem:s12+$0xE400] =	vst v7;
	v5 =	vadd.f32 v4, v17  }
0x1a8: {  	[tilespmem:s12+$0xE410] =	vst v6;
	v4 =	vadd.f32 v2, v18  }
0x1a9: {  	s24 =	sadd.s32 $0x1, s24;
	[tilespmem:s12+$0xE420] =	vst v5;
	v3 =	vadd.f32 v3, v19  }
0x1aa: {  	p0 =	sne.s32 s24, $0x10;
	[tilespmem:s12+$0xE430] =	vst v4;
	v2 =	vadd.f32 v0, v20  }
.Ltmp8:
0x1ab: {  	[tilespmem:s12+$0xE440] =	vst v3;
	v1 =	vadd.f32 v1, v21;
	(pc) =	sbr.rel @p0 .LBB2_2-.Ltmp8, $4  }
0x1ac: {  	v0 =	vadd.f32 v16, v22;
	[tilespmem:s12+$0xE450] =	vst v2  }
0x1ad: {  	[tilespmem:s12+$0xE460] =	vst v1  }
0x1ae: {  	s5 =	sadd.s32 s3, s5;
	[tilespmem:s12+$0xE470] =	vst v0  }
0x1af: {  	[hbm4b:s5+s21] =	stream.strided.scatter [tilespmem:s30], [sflag:$0x10], $0x2000, s22, s21, $0x38;
	[tilespmem:$0x10000] =	vst v63  }
0x1b0: {  	s5 =	simm.s32 $0xE  }
0x1b1: {  	_ =	swait.ge [sflag:s5], $0x2000  }
0x1b2: {  	[sflag:s5] =	ssyncset.done $0x0  }
0x1b3: {  	s24 =	simm.s32 $0xF;
	[sflag:s5] =	ssyncadd.s32 $0xFFFFE000  }
0x1b4: {  	_ =	swait.ge [sflag:s24], $0x2000  }
0x1b5: {  	[sflag:s24] =	ssyncset.done $0x0  }
0x1b6: {  	s12 =	simm.s32 $0x10;
	[sflag:s24] =	ssyncadd.s32 $0xFFFFE000  }
0x1b7: {  	_ =	swait.ge [sflag:s12], $0x2000  }
0x1b8: {  	s13 =	rddreg [dreg:$0x11]  }
0x1b9: {  	s25 =	rddreg [dreg:$0x10];
	s13 =	sadd.s32 $0x1, s13  }
0x1ba: {  	p0 =	sne.s32 s13, s25  }
.Ltmp9:
0x1bb: {  	_ = 	snop;
	(pc) =	sbr.rel @p0 .LBB2_1-.Ltmp9, $3  }
0x1bc: {  	_ =	sdelay $0x1  }
0x1bd: {  	[sflag:s12] =	ssyncset.done $0x0  }
0x1be: {  	[sflag:s12] =	ssyncadd.s32 $0xFFFFE000  }
0x1bf: {  	_ =	sfence.sel $0x180000  }
0x1c0: {  	[bflag:$0x0] =	sbarrier.arrive $0xFFFF  }
0x1c1: {  	_ =	strace $0x90000047  }
0x1c2: {  	s0 =	stileid.u32;
	[bflag:$0x2] =	sbarrier.arrive $0xFFFF  }
0x1c3: {  	p0 =	sne.s32 s0, $0x0;
	s0 =	rddreg [dreg:$0x2]  }
0x1c4: {  	s0 =	sadd.s32 @!p0 $0x100000, s0  }
0x1c5: {  	[sflag:s0] =	ssyncadd.tile.s32 @!p0 $0x1;
	_ =	shalt  }
.Lfunc_end2:
_tile_overlayer_lowered:
.L_overlay_start_2:
0x1c6: {  	(tag) =	ssettag $0x2  }
0x1c7: {  	s0 =	rddreg [dreg:$0x0];
	s2 =	stileid.u32  }
0x1c8: {  	s1 =	rddreg [dreg:$0x1];
	p0 =	sne.s32 s2, $0x0  }
0x1c9: {  	s3 =	rddreg [dreg:$0x2];
	[bflag:$0x3] =	sbarrier.arrive $0xFFFF;
	s2 =	simm.s32 @!p0 $0x1C11  }
0x1ca: {  	[timem:s3], [sflag:s2] =	dma.local @!p0 [hbm:s0], s1  }
0x1cb: {  	s0 =	simm.s32 @!p0 $0x11  }
0x1cc: {  	_ =	swait.ge @!p0 [sflag:s0], s1  }
0x1cd: {  	s1 =	ssub.s32 @!p0 $0x0, s1;
	[sflag:s0] =	ssyncset.done @!p0 $0x0  }
0x1ce: {  	[sflag:s0] =	ssyncadd.s32 @!p0 s1  }
0x1cf: {  	[bflag:$0x3] =	sbarrier.arrive $0xFFFF  }
0x1d0: {  	_ =	shalt  }

</sc_bundles>
